<compile_context>
chip_gen: v7x
topology: tpu7x:2x2x1
jax: 0.10.2.dev20260603
libtpu: 0.0.44.dev20260713+nightly
codegen_flags: <defaults>
</compile_context>

<pallas_src>
import functools

import jax
import jax.numpy as jnp
from jax import lax
from jax.experimental import pallas as pl
from jax.experimental.pallas import tpu as pltpu
from jax.experimental.pallas import tpu_sc as plsc

V = 1000000
D = 32
NW = 32
BLK = 512
NBLK = 1953
CHUNK = 512
NF = 26
NB = 16384


def _iota16():
    return lax.iota(jnp.int32, 16)


def _splat(v):
    return jnp.full((16,), v, jnp.int32)


@functools.lru_cache(maxsize=None)
def _make_transpose_kernel():
    mesh = plsc.VectorSubcoreMesh(core_axis_name="c", subcore_axis_name="s")

    @functools.partial(
        pl.kernel,
        mesh=mesh,
        compiler_params=pltpu.CompilerParams(use_tc_tiling_on_sc=True, needs_layout_passes=False, disable_bounds_checks=True),
        out_type=jax.ShapeDtypeStruct((V // 4, 128), jnp.float32),
        scratch_types=[
            pltpu.VMEM((32, BLK), jnp.float32),
            pltpu.VMEM((32, BLK), jnp.float32),
            pltpu.VMEM((128, 128), jnp.float32),
            pltpu.VMEM((128, 128), jnp.float32),
            pltpu.SemaphoreType.DMA,
            pltpu.SemaphoreType.DMA,
            pltpu.SemaphoreType.DMA,
            pltpu.SemaphoreType.DMA,
        ],
    )
    def k(wt_hbm, wtail_hbm, wsup_hbm, bin0, bin1, bout0, bout1,
          gi0, gi1, so0, so1):
        wid = lax.axis_index("s") * 2 + lax.axis_index("c")
        bins = (bin0, bin1)
        bouts = (bout0, bout1)
        gis = (gi0, gi1)
        sos = (so0, so1)
        niter = 62

        def in_copy(blk, b):
            return pltpu.make_async_copy(
                wt_hbm.at[:, pl.ds(blk * BLK, BLK)], bins[b], gis[b]
            )

        def out_copy(blk, b):
            return pltpu.make_async_copy(
                bouts[b], wsup_hbm.at[pl.ds(blk * 128, 128)], sos[b]
            )

        @pl.when(wid < NBLK)
        def _():
            in_copy(wid, 0).start()

        def body(outer, carry):
            for sub in range(2):
                it = outer * 2 + sub
                blk = wid + NW * it
                nblk = blk + NW
                valid = blk < NBLK

                @pl.when(valid)
                def _():
                    in_copy(blk, sub).wait()

                    @pl.when(nblk < NBLK)
                    def _():
                        in_copy(nblk, 1 - sub).start()

                    @pl.when(it >= 2)
                    def _():
                        out_copy(blk - 2 * NW, sub).wait()

                    bi, bo = bins[sub], bouts[sub]
                    rows16 = (_iota16(), _iota16() + 16)

                    @plsc.parallel_loop(0, BLK, 1, unroll=8)
                    def trow(fl):
                        col = _splat(fl)
                        line = fl >> 2
                        o = (fl & 3) * 32
                        for h in range(2):
                            v = plsc.load_gather(bi, [rows16[h], col])
                            bo[line, pl.ds(o + 16 * h, 16)] = v

                    out_copy(blk, sub).start()

            return carry

        lax.fori_loop(0, niter // 2, body, 0)

        out_copy(wid, 0).wait()
        out_copy(wid, 1).wait()

        @pl.when(wid == 0)
        def _():
            pltpu.sync_copy(wtail_hbm, bin0.at[:, pl.ds(0, 128)])

            def trow_t(line, c2):
                for q in range(4):
                    for h in range(2):
                        v = plsc.load_gather(
                            bin0, [_iota16() + 16 * h, _splat(4 * line + q)]
                        )
                        bout0[line, pl.ds(32 * q + 16 * h, 16)] = v
                return c2

            lax.fori_loop(0, 16, trow_t, 0)
            pltpu.sync_copy(bout0.at[pl.ds(0, 16)],
                            wsup_hbm.at[pl.ds(NBLK * 128, 16)])

    return k


@functools.lru_cache(maxsize=None)
def _make_gather_kernel():
    nch = (NF * NB) // (NW * CHUNK)
    mesh = plsc.VectorSubcoreMesh(core_axis_name="c", subcore_axis_name="s")

    @functools.partial(
        pl.kernel,
        mesh=mesh,
        compiler_params=pltpu.CompilerParams(use_tc_tiling_on_sc=False, needs_layout_passes=False, disable_bounds_checks=True),
        out_type=jax.ShapeDtypeStruct((NF, 4, NB // 128, 8, 128), jnp.float32),
        scratch_types=[
            pltpu.VMEM((nch, CHUNK), jnp.int32),
            pltpu.VMEM((CHUNK, D), jnp.float32),
            pltpu.VMEM((CHUNK, D), jnp.float32),
            pltpu.VMEM((4, 4, 8, 128), jnp.float32),
            pltpu.VMEM((4, 4, 8, 128), jnp.float32),
            pltpu.SemaphoreType.DMA,
            pltpu.SemaphoreType.DMA,
            pltpu.SemaphoreType.DMA,
            pltpu.SemaphoreType.DMA,
        ],
    )
    def k(xq_hbm, w_hbm, p_hbm, idx_v, r0, r1, o0, o1, g0, g1, s0, s1):
        wid = lax.axis_index("s") * 2 + lax.axis_index("c")
        rows = (r0, r1)
        obufs = (o0, o1)
        gs = (g0, g1)
        ss = (s0, s1)

        pltpu.sync_copy(xq_hbm.at[wid], idx_v)

        def gth(j, b):
            return pltpu.make_async_copy(
                w_hbm.at[idx_v.at[j]], rows[b], gs[b]
            )

        def pout(j, b):
            g = wid * nch + j
            return pltpu.make_async_copy(
                obufs[b],
                p_hbm.at[g // 32, :, pl.ds((g % 32) * 4, 4)],
                ss[b],
            )

        gth(0, 0).start()
        gth(1, 1).start()

        def body(i, carry):
            for sub in range(2):
                j = i * 2 + sub
                gth(j, sub).wait()

                @pl.when(j >= 2)
                def _():
                    pout(j - 2, sub).wait()

                ri, ob = rows[sub], obufs[sub]
                rows16 = tuple(_iota16() + 16 * kk for kk in range(8))

                @plsc.parallel_loop(0, 128, 1, unroll=4)
                def ttile(z):
                    t = z >> 5
                    u = (z >> 3) & 3
                    r = z & 7
                    col = _splat(((z >> 5) << 3) | (z & 7))
                    base = _splat(u << 7)
                    for kk in range(8):
                        v = plsc.load_gather(ri, [rows16[kk] + base, col])
                        ob[t, u, r, pl.ds(16 * kk, 16)] = v

                pout(j, sub).start()

                @pl.when(j + 2 < nch)
                def _():
                    gth(j + 2, sub).start()

            return carry

        lax.fori_loop(0, nch // 2, body, 0)
        pout(nch - 2, 0).wait()
        pout(nch - 1, 1).wait()

    return k


def kernel(x, weight):
    wt = weight.T
    wtail = jnp.pad(wt[:, NBLK * BLK:], ((0, 0), (0, 64)))
    w_sup = _make_transpose_kernel()(wt, wtail)
    w_lin = w_sup.reshape(V, D)
    xq = x.T.astype(jnp.int32).reshape(NW, (NF * NB) // (NW * CHUNK), CHUNK)
    p = _make_gather_kernel()(xq, w_lin)
    out = p.transpose(0, 1, 3, 2, 4).reshape(NF, D, NB).transpose(2, 0, 1)
    return out

# --- scband reference (transcript-rebuilt; emitter-appended) ---
"""Pipeline reference for scband-embedding-10222022165221 (READ-ONLY COPY).

The authoritative reference and input builder live on the scoring server;
editing this copy changes nothing except your own understanding.
"""

import jax, jax.numpy as jnp
import numpy as np

NUM_EMBEDDINGS = 1000000
EMBEDDING_DIM = 32
BATCH = 16384
FIELDS = 26

def setup_inputs(seed: int = 0) -> dict:
    key = jax.random.key(seed)
    k_idx, k_w = jax.random.split(key)
    x = jax.random.randint(k_idx, (BATCH, FIELDS), 0, NUM_EMBEDDINGS, dtype=jnp.int64 if jax.config.jax_enable_x64 else jnp.int32)
    # trunc_normal init: mean=0, std=1, clipped to [-3, 3]
    weight = jnp.clip(jax.random.normal(k_w, (NUM_EMBEDDINGS, EMBEDDING_DIM), dtype=jnp.float32), -3.0, 3.0)
    return {"x": x, "weight": weight}

def reference(x, weight):
    # Embedding lookup: weight[x] -> [BATCH, FIELDS, EMBEDDING_DIM]
    return jnp.take(weight, x, axis=0)

if __name__ == "__main__":
    import jax
    _d = setup_inputs()
    print(jax.jit(kernel)(*tuple(_d.values())))

</pallas_src>

<mosaic_0001>
#map = affine_map<(d0, d1) -> (0, 0, 0)>
#map1 = affine_map<(d0, d1) -> (0, 0)>
#map2 = affine_map<(d0, d1) -> (0, 0, 0, 0, 0)>
module attributes {stable_mosaic.version = 14 : i64} {
  func.func @k(%arg0: i32, %arg1: i32, %arg2: memref<32x26x512xi32, #tpu.memory_space<hbm>>, %arg3: memref<1000000x32xf32, #tpu.memory_space<hbm>>, %arg4: memref<26x4x128x8x128xf32, #tpu.memory_space<hbm>>, %arg5: memref<26x512xi32, #tpu.memory_space<vmem>>, %arg6: memref<512x32xf32, #tpu.memory_space<vmem>>, %arg7: memref<512x32xf32, #tpu.memory_space<vmem>>, %arg8: memref<4x4x8x128xf32, #tpu.memory_space<vmem>>, %arg9: memref<4x4x8x128xf32, #tpu.memory_space<vmem>>, %arg10: memref<!tpu.dma_semaphore, #tpu.memory_space<semaphore_mem>>, %arg11: memref<!tpu.dma_semaphore, #tpu.memory_space<semaphore_mem>>, %arg12: memref<!tpu.dma_semaphore, #tpu.memory_space<semaphore_mem>>, %arg13: memref<!tpu.dma_semaphore, #tpu.memory_space<semaphore_mem>>) attributes {dimension_semantics = [#tpu.dimension_semantics<core_parallel>, #tpu.dimension_semantics<subcore_parallel>], iteration_bounds = array<i64: 2, 16>, scalar_prefetch = 0 : i64, scratch_operands = 9 : i64, tpu.core_type = #tpu.core_type<sc_vector_subcore>, window_params = [{transform_indices = #map}, {transform_indices = #map1}, {transform_indices = #map2}]} {
    %mul3A = arith.constant 2 : i32
    %mul3A_0 = arith.muli %arg1, %mul3A : i32
    %add3A = arith.addi %mul3A_0, %arg0 : i32
    "tpu.region"() ({
      %run_scoped3A = tpu.sem_alloc : memref<!tpu.dma_semaphore, #tpu.memory_space<semaphore_mem>>
      %dma_start3A_120 = arith.constant 0 : i32
      %dma_start3A_121 = arith.constant 0 : i32
      %dma_start3A_122 = tpu.memref_slice %arg2[%add3A, %dma_start3A_120, %dma_start3A_121] : memref<32x26x512xi32, #tpu.memory_space<hbm>> -> memref<1x26x512xi32, #tpu.memory_space<hbm>>
      %dma_start3A_123 = tpu.memref_squeeze %dma_start3A_122 : memref<1x26x512xi32, #tpu.memory_space<hbm>> -> memref<26x512xi32, #tpu.memory_space<hbm>>
      %dma_start3A_124 = arith.constant 0 : i32
      %dma_start3A_125 = arith.constant 0 : i32
      %dma_start3A_126 = tpu.memref_slice %arg2[%add3A, %dma_start3A_124, %dma_start3A_125] : memref<32x26x512xi32, #tpu.memory_space<hbm>> -> memref<1x26x512xi32, #tpu.memory_space<hbm>>
      %dma_start3A_127 = tpu.memref_squeeze %dma_start3A_126 : memref<1x26x512xi32, #tpu.memory_space<hbm>> -> memref<26x512xi32, #tpu.memory_space<hbm>>
      tpu.enqueue_dma source(%dma_start3A_127 : memref<26x512xi32, #tpu.memory_space<hbm>>) target(%arg5 : memref<26x512xi32, #tpu.memory_space<vmem>>) target_semaphore(%run_scoped3A : memref<!tpu.dma_semaphore, #tpu.memory_space<semaphore_mem>>)
      %dma_wait3A_128 = arith.constant 0 : i32
      %dma_wait3A_129 = arith.constant 0 : i32
      %dma_wait3A_130 = tpu.memref_slice %arg2[%add3A, %dma_wait3A_128, %dma_wait3A_129] : memref<32x26x512xi32, #tpu.memory_space<hbm>> -> memref<1x26x512xi32, #tpu.memory_space<hbm>>
      %dma_wait3A_131 = tpu.memref_squeeze %dma_wait3A_130 : memref<1x26x512xi32, #tpu.memory_space<hbm>> -> memref<26x512xi32, #tpu.memory_space<hbm>>
      %dma_wait3A_132 = arith.constant 0 : i32
      %dma_wait3A_133 = arith.constant 0 : i32
      %dma_wait3A_134 = tpu.memref_slice %arg2[%add3A, %dma_wait3A_132, %dma_wait3A_133] : memref<32x26x512xi32, #tpu.memory_space<hbm>> -> memref<1x26x512xi32, #tpu.memory_space<hbm>>
      %dma_wait3A_135 = tpu.memref_squeeze %dma_wait3A_134 : memref<1x26x512xi32, #tpu.memory_space<hbm>> -> memref<26x512xi32, #tpu.memory_space<hbm>>
      tpu.wait_dma2 semaphore(%run_scoped3A : memref<!tpu.dma_semaphore, #tpu.memory_space<semaphore_mem>>) src(%dma_wait3A_135 : memref<26x512xi32, #tpu.memory_space<hbm>>) dst(%arg5 : memref<26x512xi32, #tpu.memory_space<vmem>>)
      tpu.yield
    }) : () -> ()
    %dma_start3A = arith.constant 0 : i32
    %dma_start3A_1 = arith.constant 0 : i32
    %dma_start3A_2 = tpu.memref_slice %arg5[%dma_start3A, %dma_start3A_1] : memref<26x512xi32, #tpu.memory_space<vmem>> -> memref<1x512xi32, #tpu.memory_space<vmem>>
    %dma_start3A_3 = tpu.memref_squeeze %dma_start3A_2 : memref<1x512xi32, #tpu.memory_space<vmem>> -> memref<512xi32, #tpu.memory_space<vmem>>
    %dma_start3A_4 = arith.constant 0 : i32
    %dma_start3A_5 = arith.constant 0 : i32
    %dma_start3A_6 = tpu.memref_slice %arg3[%dma_start3A_4, %dma_start3A_5] : memref<1000000x32xf32, #tpu.memory_space<hbm>> -> memref<1000000x32xf32, #tpu.memory_space<hbm>>
    tpu.enqueue_indirect_dma source(%dma_start3A_6 : memref<1000000x32xf32, #tpu.memory_space<hbm>>) target(%arg6 : memref<512x32xf32, #tpu.memory_space<vmem>>) offsets(%dma_start3A_3 : memref<512xi32, #tpu.memory_space<vmem>>) semaphore(%arg10 : memref<!tpu.dma_semaphore, #tpu.memory_space<semaphore_mem>>)
    %dma_start3A_7 = arith.constant 1 : i32
    %dma_start3A_8 = arith.constant 0 : i32
    %dma_start3A_9 = tpu.memref_slice %arg5[%dma_start3A_7, %dma_start3A_8] : memref<26x512xi32, #tpu.memory_space<vmem>> -> memref<1x512xi32, #tpu.memory_space<vmem>>
    %dma_start3A_10 = tpu.memref_squeeze %dma_start3A_9 : memref<1x512xi32, #tpu.memory_space<vmem>> -> memref<512xi32, #tpu.memory_space<vmem>>
    %dma_start3A_11 = arith.constant 0 : i32
    %dma_start3A_12 = arith.constant 0 : i32
    %dma_start3A_13 = tpu.memref_slice %arg3[%dma_start3A_11, %dma_start3A_12] : memref<1000000x32xf32, #tpu.memory_space<hbm>> -> memref<1000000x32xf32, #tpu.memory_space<hbm>>
    tpu.enqueue_indirect_dma source(%dma_start3A_13 : memref<1000000x32xf32, #tpu.memory_space<hbm>>) target(%arg7 : memref<512x32xf32, #tpu.memory_space<vmem>>) offsets(%dma_start3A_10 : memref<512xi32, #tpu.memory_space<vmem>>) semaphore(%arg11 : memref<!tpu.dma_semaphore, #tpu.memory_space<semaphore_mem>>)
    %scan3A = arith.constant 0 : i32
    %scan3A_14 = arith.constant 0 : i32
    %scan3A_15 = arith.constant 13 : i32
    %scan3A_16 = arith.addi %scan3A_14, %scan3A_15 : i32
    %scan3A_17 = arith.constant 1 : i32
    scf.for %scan3A_120 = %scan3A_14 to %scan3A_16 step %scan3A_17  : i32 {
      %mul3A_121 = arith.constant 2 : i32
      %mul3A_122 = arith.muli %scan3A_120, %mul3A_121 : i32
      %add3A_123 = arith.constant 0 : i32
      %add3A_124 = arith.addi %mul3A_122, %add3A_123 : i32
      %dma_wait3A_125 = arith.constant 0 : i32
      %dma_wait3A_126 = tpu.memref_slice %arg5[%add3A_124, %dma_wait3A_125] : memref<26x512xi32, #tpu.memory_space<vmem>> -> memref<1x512xi32, #tpu.memory_space<vmem>>
      %dma_wait3A_127 = tpu.memref_squeeze %dma_wait3A_126 : memref<1x512xi32, #tpu.memory_space<vmem>> -> memref<512xi32, #tpu.memory_space<vmem>>
      %dma_wait3A_128 = arith.constant 0 : i32
      %dma_wait3A_129 = arith.constant 0 : i32
      %dma_wait3A_130 = tpu.memref_slice %arg3[%dma_wait3A_128, %dma_wait3A_129] : memref<1000000x32xf32, #tpu.memory_space<hbm>> -> memref<1000000x32xf32, #tpu.memory_space<hbm>>
      tpu.wait_indirect_dma semaphore(%arg10 : memref<!tpu.dma_semaphore, #tpu.memory_space<semaphore_mem>>) src(%dma_wait3A_130 : memref<1000000x32xf32, #tpu.memory_space<hbm>>) dst(%arg6 : memref<512x32xf32, #tpu.memory_space<vmem>>)
      %ge3A = arith.constant 2 : i32
      %ge3A_131 = arith.cmpi sge, %add3A_124, %ge3A : i32
      %convert_element_type3A = arith.extui %ge3A_131 : i1 to i32
      %cond3A = arith.constant 0 : i32
      %cond3A_132 = arith.cmpi ne, %convert_element_type3A, %cond3A : i32
      scf.if %cond3A_132 {
        %sub3A_340 = arith.constant 2 : i32
        %sub3A_341 = arith.subi %add3A_124, %sub3A_340 : i32
        %mul3A_342 = arith.constant 26 : i32
        %mul3A_343 = arith.muli %add3A, %mul3A_342 : i32
        %add3A_344 = arith.addi %mul3A_343, %sub3A_341 : i32
        %jit3A_345 = arith.constant 32 : i32
        %div3A_346 = arith.divsi %add3A_344, %jit3A_345 : i32
        %sign3A_347 = arith.constant 0 : i32
        %sign3A_348 = arith.cmpi sgt, %add3A_344, %sign3A_347 : i32
        %sign3A_349 = arith.extui %sign3A_348 : i1 to i32
        %sign3A_350 = arith.constant 0 : i32
        %sign3A_351 = arith.cmpi slt, %add3A_344, %sign3A_350 : i32
        %sign3A_352 = arith.extui %sign3A_351 : i1 to i32
        %sign3A_353 = arith.subi %sign3A_349, %sign3A_352 : i32
        %sign3A_354 = arith.constant 0 : i32
        %sign3A_355 = arith.cmpi sgt, %jit3A_345, %sign3A_354 : i32
        %sign3A_356 = arith.extui %sign3A_355 : i1 to i32
        %sign3A_357 = arith.constant 0 : i32
        %sign3A_358 = arith.cmpi slt, %jit3A_345, %sign3A_357 : i32
        %sign3A_359 = arith.extui %sign3A_358 : i1 to i32
        %sign3A_360 = arith.subi %sign3A_356, %sign3A_359 : i32
        %ne3A_361 = arith.cmpi ne, %sign3A_353, %sign3A_360 : i32
        %rem3A_362 = arith.remsi %add3A_344, %jit3A_345 : i32
        %ne3A_363 = arith.constant 0 : i32
        %ne3A_364 = arith.cmpi ne, %rem3A_362, %ne3A_363 : i32
        %and3A_365 = arith.andi %ne3A_361, %ne3A_364 : i1
        %sub3A_366 = arith.constant 1 : i32
        %sub3A_367 = arith.subi %div3A_346, %sub3A_366 : i32
        %select_n3A_368 = arith.select %and3A_365, %sub3A_367, %div3A_346 : i32
        %jit3A_369 = arith.constant 32 : i32
        %eq3A_370 = arith.constant 0 : i32
        %eq3A_371 = arith.cmpi eq, %jit3A_369, %eq3A_370 : i32
        %jit3A_372 = arith.constant 1 : i32
        %select_n3A_373 = arith.select %eq3A_371, %jit3A_372, %jit3A_369 : i32
        %rem3A_374 = arith.remsi %add3A_344, %select_n3A_373 : i32
        %ne3A_375 = arith.constant 0 : i32
        %ne3A_376 = arith.cmpi ne, %rem3A_374, %ne3A_375 : i32
        %lt3A_377 = arith.constant 0 : i32
        %lt3A_378 = arith.cmpi slt, %rem3A_374, %lt3A_377 : i32
        %lt3A_379 = arith.constant 0 : i32
        %lt3A_380 = arith.cmpi slt, %select_n3A_373, %lt3A_379 : i32
        %ne3A_381 = arith.xori %lt3A_378, %lt3A_380 : i1
        %and3A_382 = arith.andi %ne3A_381, %ne3A_376 : i1
        %add3A_383 = arith.addi %rem3A_374, %select_n3A_373 : i32
        %select_n3A_384 = arith.select %and3A_382, %add3A_383, %rem3A_374 : i32
        %mul3A_385 = arith.constant 4 : i32
        %mul3A_386 = arith.muli %select_n3A_384, %mul3A_385 : i32
        %dma_wait3A_387 = arith.constant 0 : i32
        %dma_wait3A_388 = arith.constant 0 : i32
        %dma_wait3A_389 = arith.constant 0 : i32
        %dma_wait3A_390 = tpu.memref_slice %arg4[%select_n3A_368, %dma_wait3A_387, %mul3A_386, %dma_wait3A_388, %dma_wait3A_389] : memref<26x4x128x8x128xf32, #tpu.memory_space<hbm>> -> memref<1x4x4x8x128xf32, #tpu.memory_space<hbm>>
        %dma_wait3A_391 = tpu.memref_squeeze %dma_wait3A_390 : memref<1x4x4x8x128xf32, #tpu.memory_space<hbm>> -> memref<4x4x8x128xf32, #tpu.memory_space<hbm>>
        %dma_wait3A_392 = arith.constant 0 : i32
        %dma_wait3A_393 = arith.constant 0 : i32
        %dma_wait3A_394 = arith.constant 0 : i32
        %dma_wait3A_395 = tpu.memref_slice %arg4[%select_n3A_368, %dma_wait3A_392, %mul3A_386, %dma_wait3A_393, %dma_wait3A_394] : memref<26x4x128x8x128xf32, #tpu.memory_space<hbm>> -> memref<1x4x4x8x128xf32, #tpu.memory_space<hbm>>
        %dma_wait3A_396 = tpu.memref_squeeze %dma_wait3A_395 : memref<1x4x4x8x128xf32, #tpu.memory_space<hbm>> -> memref<4x4x8x128xf32, #tpu.memory_space<hbm>>
        tpu.wait_dma2 semaphore(%arg12 : memref<!tpu.dma_semaphore, #tpu.memory_space<semaphore_mem>>) src(%arg8 : memref<4x4x8x128xf32, #tpu.memory_space<vmem>>) dst(%dma_wait3A_396 : memref<4x4x8x128xf32, #tpu.memory_space<hbm>>)
      } else {
      }
      %iota3A = tpu.iota {dimensions = array<i32: 0>} : vector<16xi32>
      %add3A_133 = arith.constant 0 : i32
      %add3A_134 = vector.broadcast %add3A_133 : i32 to vector<16xi32>
      %add3A_135 = arith.addi %iota3A, %add3A_134 : vector<16xi32>
      %iota3A_136 = tpu.iota {dimensions = array<i32: 0>} : vector<16xi32>
      %add3A_137 = arith.constant 16 : i32
      %add3A_138 = vector.broadcast %add3A_137 : i32 to vector<16xi32>
      %add3A_139 = arith.addi %iota3A_136, %add3A_138 : vector<16xi32>
      %iota3A_140 = tpu.iota {dimensions = array<i32: 0>} : vector<16xi32>
      %add3A_141 = arith.constant 32 : i32
      %add3A_142 = vector.broadcast %add3A_141 : i32 to vector<16xi32>
      %add3A_143 = arith.addi %iota3A_140, %add3A_142 : vector<16xi32>
      %iota3A_144 = tpu.iota {dimensions = array<i32: 0>} : vector<16xi32>
      %add3A_145 = arith.constant 48 : i32
      %add3A_146 = vector.broadcast %add3A_145 : i32 to vector<16xi32>
      %add3A_147 = arith.addi %iota3A_144, %add3A_146 : vector<16xi32>
      %iota3A_148 = tpu.iota {dimensions = array<i32: 0>} : vector<16xi32>
      %add3A_149 = arith.constant 64 : i32
      %add3A_150 = vector.broadcast %add3A_149 : i32 to vector<16xi32>
      %add3A_151 = arith.addi %iota3A_148, %add3A_150 : vector<16xi32>
      %iota3A_152 = tpu.iota {dimensions = array<i32: 0>} : vector<16xi32>
      %add3A_153 = arith.constant 80 : i32
      %add3A_154 = vector.broadcast %add3A_153 : i32 to vector<16xi32>
      %add3A_155 = arith.addi %iota3A_152, %add3A_154 : vector<16xi32>
      %iota3A_156 = tpu.iota {dimensions = array<i32: 0>} : vector<16xi32>
      %add3A_157 = arith.constant 96 : i32
      %add3A_158 = vector.broadcast %add3A_157 : i32 to vector<16xi32>
      %add3A_159 = arith.addi %iota3A_156, %add3A_158 : vector<16xi32>
      %iota3A_160 = tpu.iota {dimensions = array<i32: 0>} : vector<16xi32>
      %add3A_161 = arith.constant 112 : i32
      %add3A_162 = vector.broadcast %add3A_161 : i32 to vector<16xi32>
      %add3A_163 = arith.addi %iota3A_160, %add3A_162 : vector<16xi32>
      %parallel_loop3A = arith.constant 0 : i32
      %parallel_loop3A_164 = arith.constant 128 : i32
      %parallel_loop3A_165 = arith.constant 1 : i32
      scf.for %parallel_loop3A_340 = %parallel_loop3A to %parallel_loop3A_164 step %parallel_loop3A_165  : i32 {
        %parallel_loop3A_341 = arith.constant 5 : i32
        %parallel_loop3A_342 = arith.shrsi %parallel_loop3A_340, %parallel_loop3A_341 : i32
        %parallel_loop3A_343 = arith.constant 3 : i32
        %parallel_loop3A_344 = arith.shrsi %parallel_loop3A_340, %parallel_loop3A_343 : i32
        %parallel_loop3A_345 = arith.constant 3 : i32
        %parallel_loop3A_346 = arith.andi %parallel_loop3A_344, %parallel_loop3A_345 : i32
        %parallel_loop3A_347 = arith.constant 7 : i32
        %parallel_loop3A_348 = arith.andi %parallel_loop3A_340, %parallel_loop3A_347 : i32
        %parallel_loop3A_349 = arith.constant 5 : i32
        %parallel_loop3A_350 = arith.shrsi %parallel_loop3A_340, %parallel_loop3A_349 : i32
        %parallel_loop3A_351 = arith.constant 3 : i32
        %parallel_loop3A_352 = arith.shli %parallel_loop3A_350, %parallel_loop3A_351 : i32
        %parallel_loop3A_353 = arith.constant 7 : i32
        %parallel_loop3A_354 = arith.andi %parallel_loop3A_340, %parallel_loop3A_353 : i32
        %parallel_loop3A_355 = arith.ori %parallel_loop3A_352, %parallel_loop3A_354 : i32
        %parallel_loop3A_356 = vector.broadcast %parallel_loop3A_355 : i32 to vector<16xi32>
        %parallel_loop3A_357 = arith.constant 7 : i32
        %parallel_loop3A_358 = arith.shli %parallel_loop3A_346, %parallel_loop3A_357 : i32
        %parallel_loop3A_359 = vector.broadcast %parallel_loop3A_358 : i32 to vector<16xi32>
        %parallel_loop3A_360 = arith.addi %add3A_135, %parallel_loop3A_359 : vector<16xi32>
        %parallel_loop3A_361 = tpu.vector_load_idx %arg6[%parallel_loop3A_360, %parallel_loop3A_356] : memref<512x32xf32, #tpu.memory_space<vmem>>[vector<16xi32>, vector<16xi32>], vector<16xf32>,
        %parallel_loop3A_362 = arith.index_cast %parallel_loop3A_342 : i32 to index
        %parallel_loop3A_363 = arith.index_cast %parallel_loop3A_346 : i32 to index
        %parallel_loop3A_364 = arith.index_cast %parallel_loop3A_348 : i32 to index
        %parallel_loop3A_365 = arith.constant 0 : index
        %parallel_loop3A_366 = tpu.vector_load %arg8[%parallel_loop3A_362, %parallel_loop3A_363, %parallel_loop3A_364, %parallel_loop3A_365] {strides = array<i32>} : memref<4x4x8x128xf32, #tpu.memory_space<vmem>>, vector<16xf32>,
        tpu.vector_store %arg8[%parallel_loop3A_362, %parallel_loop3A_363, %parallel_loop3A_364, %parallel_loop3A_365], %parallel_loop3A_361 {strides = array<i32>} : memref<4x4x8x128xf32, #tpu.memory_space<vmem>>, vector<16xf32>,
        %parallel_loop3A_367 = arith.addi %add3A_139, %parallel_loop3A_359 : vector<16xi32>
        %parallel_loop3A_368 = tpu.vector_load_idx %arg6[%parallel_loop3A_367, %parallel_loop3A_356] : memref<512x32xf32, #tpu.memory_space<vmem>>[vector<16xi32>, vector<16xi32>], vector<16xf32>,
        %parallel_loop3A_369 = arith.index_cast %parallel_loop3A_342 : i32 to index
        %parallel_loop3A_370 = arith.index_cast %parallel_loop3A_346 : i32 to index
        %parallel_loop3A_371 = arith.index_cast %parallel_loop3A_348 : i32 to index
        %parallel_loop3A_372 = arith.constant 16 : index
        %parallel_loop3A_373 = tpu.vector_load %arg8[%parallel_loop3A_369, %parallel_loop3A_370, %parallel_loop3A_371, %parallel_loop3A_372] {strides = array<i32>} : memref<4x4x8x128xf32, #tpu.memory_space<vmem>>, vector<16xf32>,
        tpu.vector_store %arg8[%parallel_loop3A_369, %parallel_loop3A_370, %parallel_loop3A_371, %parallel_loop3A_372], %parallel_loop3A_368 {strides = array<i32>} : memref<4x4x8x128xf32, #tpu.memory_space<vmem>>, vector<16xf32>,
        %parallel_loop3A_374 = arith.addi %add3A_143, %parallel_loop3A_359 : vector<16xi32>
        %parallel_loop3A_375 = tpu.vector_load_idx %arg6[%parallel_loop3A_374, %parallel_loop3A_356] : memref<512x32xf32, #tpu.memory_space<vmem>>[vector<16xi32>, vector<16xi32>], vector<16xf32>,
        %parallel_loop3A_376 = arith.index_cast %parallel_loop3A_342 : i32 to index
        %parallel_loop3A_377 = arith.index_cast %parallel_loop3A_346 : i32 to index
        %parallel_loop3A_378 = arith.index_cast %parallel_loop3A_348 : i32 to index
        %parallel_loop3A_379 = arith.constant 32 : index
        %parallel_loop3A_380 = tpu.vector_load %arg8[%parallel_loop3A_376, %parallel_loop3A_377, %parallel_loop3A_378, %parallel_loop3A_379] {strides = array<i32>} : memref<4x4x8x128xf32, #tpu.memory_space<vmem>>, vector<16xf32>,
        tpu.vector_store %arg8[%parallel_loop3A_376, %parallel_loop3A_377, %parallel_loop3A_378, %parallel_loop3A_379], %parallel_loop3A_375 {strides = array<i32>} : memref<4x4x8x128xf32, #tpu.memory_space<vmem>>, vector<16xf32>,
        %parallel_loop3A_381 = arith.addi %add3A_147, %parallel_loop3A_359 : vector<16xi32>
        %parallel_loop3A_382 = tpu.vector_load_idx %arg6[%parallel_loop3A_381, %parallel_loop3A_356] : memref<512x32xf32, #tpu.memory_space<vmem>>[vector<16xi32>, vector<16xi32>], vector<16xf32>,
        %parallel_loop3A_383 = arith.index_cast %parallel_loop3A_342 : i32 to index
        %parallel_loop3A_384 = arith.index_cast %parallel_loop3A_346 : i32 to index
        %parallel_loop3A_385 = arith.index_cast %parallel_loop3A_348 : i32 to index
        %parallel_loop3A_386 = arith.constant 48 : index
        %parallel_loop3A_387 = tpu.vector_load %arg8[%parallel_loop3A_383, %parallel_loop3A_384, %parallel_loop3A_385, %parallel_loop3A_386] {strides = array<i32>} : memref<4x4x8x128xf32, #tpu.memory_space<vmem>>, vector<16xf32>,
        tpu.vector_store %arg8[%parallel_loop3A_383, %parallel_loop3A_384, %parallel_loop3A_385, %parallel_loop3A_386], %parallel_loop3A_382 {strides = array<i32>} : memref<4x4x8x128xf32, #tpu.memory_space<vmem>>, vector<16xf32>,
        %parallel_loop3A_388 = arith.addi %add3A_151, %parallel_loop3A_359 : vector<16xi32>
        %parallel_loop3A_389 = tpu.vector_load_idx %arg6[%parallel_loop3A_388, %parallel_loop3A_356] : memref<512x32xf32, #tpu.memory_space<vmem>>[vector<16xi32>, vector<16xi32>], vector<16xf32>,
        %parallel_loop3A_390 = arith.index_cast %parallel_loop3A_342 : i32 to index
        %parallel_loop3A_391 = arith.index_cast %parallel_loop3A_346 : i32 to index
        %parallel_loop3A_392 = arith.index_cast %parallel_loop3A_348 : i32 to index
        %parallel_loop3A_393 = arith.constant 64 : index
        %parallel_loop3A_394 = tpu.vector_load %arg8[%parallel_loop3A_390, %parallel_loop3A_391, %parallel_loop3A_392, %parallel_loop3A_393] {strides = array<i32>} : memref<4x4x8x128xf32, #tpu.memory_space<vmem>>, vector<16xf32>,
        tpu.vector_store %arg8[%parallel_loop3A_390, %parallel_loop3A_391, %parallel_loop3A_392, %parallel_loop3A_393], %parallel_loop3A_389 {strides = array<i32>} : memref<4x4x8x128xf32, #tpu.memory_space<vmem>>, vector<16xf32>,
        %parallel_loop3A_395 = arith.addi %add3A_155, %parallel_loop3A_359 : vector<16xi32>
        %parallel_loop3A_396 = tpu.vector_load_idx %arg6[%parallel_loop3A_395, %parallel_loop3A_356] : memref<512x32xf32, #tpu.memory_space<vmem>>[vector<16xi32>, vector<16xi32>], vector<16xf32>,
        %parallel_loop3A_397 = arith.index_cast %parallel_loop3A_342 : i32 to index
        %parallel_loop3A_398 = arith.index_cast %parallel_loop3A_346 : i32 to index
        %parallel_loop3A_399 = arith.index_cast %parallel_loop3A_348 : i32 to index
        %parallel_loop3A_400 = arith.constant 80 : index
        %parallel_loop3A_401 = tpu.vector_load %arg8[%parallel_loop3A_397, %parallel_loop3A_398, %parallel_loop3A_399, %parallel_loop3A_400] {strides = array<i32>} : memref<4x4x8x128xf32, #tpu.memory_space<vmem>>, vector<16xf32>,
        tpu.vector_store %arg8[%parallel_loop3A_397, %parallel_loop3A_398, %parallel_loop3A_399, %parallel_loop3A_400], %parallel_loop3A_396 {strides = array<i32>} : memref<4x4x8x128xf32, #tpu.memory_space<vmem>>, vector<16xf32>,
        %parallel_loop3A_402 = arith.addi %add3A_159, %parallel_loop3A_359 : vector<16xi32>
        %parallel_loop3A_403 = tpu.vector_load_idx %arg6[%parallel_loop3A_402, %parallel_loop3A_356] : memref<512x32xf32, #tpu.memory_space<vmem>>[vector<16xi32>, vector<16xi32>], vector<16xf32>,
        %parallel_loop3A_404 = arith.index_cast %parallel_loop3A_342 : i32 to index
        %parallel_loop3A_405 = arith.index_cast %parallel_loop3A_346 : i32 to index
        %parallel_loop3A_406 = arith.index_cast %parallel_loop3A_348 : i32 to index
        %parallel_loop3A_407 = arith.constant 96 : index
        %parallel_loop3A_408 = tpu.vector_load %arg8[%parallel_loop3A_404, %parallel_loop3A_405, %parallel_loop3A_406, %parallel_loop3A_407] {strides = array<i32>} : memref<4x4x8x128xf32, #tpu.memory_space<vmem>>, vector<16xf32>,
        tpu.vector_store %arg8[%parallel_loop3A_404, %parallel_loop3A_405, %parallel_loop3A_406, %parallel_loop3A_407], %parallel_loop3A_403 {strides = array<i32>} : memref<4x4x8x128xf32, #tpu.memory_space<vmem>>, vector<16xf32>,
        %parallel_loop3A_409 = arith.addi %add3A_163, %parallel_loop3A_359 : vector<16xi32>
        %parallel_loop3A_410 = tpu.vector_load_idx %arg6[%parallel_loop3A_409, %parallel_loop3A_356] : memref<512x32xf32, #tpu.memory_space<vmem>>[vector<16xi32>, vector<16xi32>], vector<16xf32>,
        %parallel_loop3A_411 = arith.index_cast %parallel_loop3A_342 : i32 to index
        %parallel_loop3A_412 = arith.index_cast %parallel_loop3A_346 : i32 to index
        %parallel_loop3A_413 = arith.index_cast %parallel_loop3A_348 : i32 to index
        %parallel_loop3A_414 = arith.constant 112 : index
        %parallel_loop3A_415 = tpu.vector_load %arg8[%parallel_loop3A_411, %parallel_loop3A_412, %parallel_loop3A_413, %parallel_loop3A_414] {strides = array<i32>} : memref<4x4x8x128xf32, #tpu.memory_space<vmem>>, vector<16xf32>,
        tpu.vector_store %arg8[%parallel_loop3A_411, %parallel_loop3A_412, %parallel_loop3A_413, %parallel_loop3A_414], %parallel_loop3A_410 {strides = array<i32>} : memref<4x4x8x128xf32, #tpu.memory_space<vmem>>, vector<16xf32>,
      } {sc.loop_unroll_factor = 4 : i64, sc.parallel_access}
      %mul3A_166 = arith.constant 26 : i32
      %mul3A_167 = arith.muli %add3A, %mul3A_166 : i32
      %add3A_168 = arith.addi %mul3A_167, %add3A_124 : i32
      %jit3A_169 = arith.constant 32 : i32
      %div3A_170 = arith.divsi %add3A_168, %jit3A_169 : i32
      %sign3A_171 = arith.constant 0 : i32
      %sign3A_172 = arith.cmpi sgt, %add3A_168, %sign3A_171 : i32
      %sign3A_173 = arith.extui %sign3A_172 : i1 to i32
      %sign3A_174 = arith.constant 0 : i32
      %sign3A_175 = arith.cmpi slt, %add3A_168, %sign3A_174 : i32
      %sign3A_176 = arith.extui %sign3A_175 : i1 to i32
      %sign3A_177 = arith.subi %sign3A_173, %sign3A_176 : i32
      %sign3A_178 = arith.constant 0 : i32
      %sign3A_179 = arith.cmpi sgt, %jit3A_169, %sign3A_178 : i32
      %sign3A_180 = arith.extui %sign3A_179 : i1 to i32
      %sign3A_181 = arith.constant 0 : i32
      %sign3A_182 = arith.cmpi slt, %jit3A_169, %sign3A_181 : i32
      %sign3A_183 = arith.extui %sign3A_182 : i1 to i32
      %sign3A_184 = arith.subi %sign3A_180, %sign3A_183 : i32
      %ne3A_185 = arith.cmpi ne, %sign3A_177, %sign3A_184 : i32
      %rem3A_186 = arith.remsi %add3A_168, %jit3A_169 : i32
      %ne3A_187 = arith.constant 0 : i32
      %ne3A_188 = arith.cmpi ne, %rem3A_186, %ne3A_187 : i32
      %and3A_189 = arith.andi %ne3A_185, %ne3A_188 : i1
      %sub3A_190 = arith.constant 1 : i32
      %sub3A_191 = arith.subi %div3A_170, %sub3A_190 : i32
      %select_n3A_192 = arith.select %and3A_189, %sub3A_191, %div3A_170 : i32
      %jit3A_193 = arith.constant 32 : i32
      %eq3A_194 = arith.constant 0 : i32
      %eq3A_195 = arith.cmpi eq, %jit3A_193, %eq3A_194 : i32
      %jit3A_196 = arith.constant 1 : i32
      %select_n3A_197 = arith.select %eq3A_195, %jit3A_196, %jit3A_193 : i32
      %rem3A_198 = arith.remsi %add3A_168, %select_n3A_197 : i32
      %ne3A_199 = arith.constant 0 : i32
      %ne3A_200 = arith.cmpi ne, %rem3A_198, %ne3A_199 : i32
      %lt3A_201 = arith.constant 0 : i32
      %lt3A_202 = arith.cmpi slt, %rem3A_198, %lt3A_201 : i32
      %lt3A_203 = arith.constant 0 : i32
      %lt3A_204 = arith.cmpi slt, %select_n3A_197, %lt3A_203 : i32
      %ne3A_205 = arith.xori %lt3A_202, %lt3A_204 : i1
      %and3A_206 = arith.andi %ne3A_205, %ne3A_200 : i1
      %add3A_207 = arith.addi %rem3A_198, %select_n3A_197 : i32
      %select_n3A_208 = arith.select %and3A_206, %add3A_207, %rem3A_198 : i32
      %mul3A_209 = arith.constant 4 : i32
      %mul3A_210 = arith.muli %select_n3A_208, %mul3A_209 : i32
      %dma_start3A_211 = arith.constant 0 : i32
      %dma_start3A_212 = arith.constant 0 : i32
      %dma_start3A_213 = arith.constant 0 : i32
      %dma_start3A_214 = tpu.memref_slice %arg4[%select_n3A_192, %dma_start3A_211, %mul3A_210, %dma_start3A_212, %dma_start3A_213] : memref<26x4x128x8x128xf32, #tpu.memory_space<hbm>> -> memref<1x4x4x8x128xf32, #tpu.memory_space<hbm>>
      %dma_start3A_215 = tpu.memref_squeeze %dma_start3A_214 : memref<1x4x4x8x128xf32, #tpu.memory_space<hbm>> -> memref<4x4x8x128xf32, #tpu.memory_space<hbm>>
      %dma_start3A_216 = arith.constant 0 : i32
      %dma_start3A_217 = arith.constant 0 : i32
      %dma_start3A_218 = arith.constant 0 : i32
      %dma_start3A_219 = tpu.memref_slice %arg4[%select_n3A_192, %dma_start3A_216, %mul3A_210, %dma_start3A_217, %dma_start3A_218] : memref<26x4x128x8x128xf32, #tpu.memory_space<hbm>> -> memref<1x4x4x8x128xf32, #tpu.memory_space<hbm>>
      %dma_start3A_220 = tpu.memref_squeeze %dma_start3A_219 : memref<1x4x4x8x128xf32, #tpu.memory_space<hbm>> -> memref<4x4x8x128xf32, #tpu.memory_space<hbm>>
      tpu.enqueue_dma source(%arg8 : memref<4x4x8x128xf32, #tpu.memory_space<vmem>>) target(%dma_start3A_220 : memref<4x4x8x128xf32, #tpu.memory_space<hbm>>) target_semaphore(%arg12 : memref<!tpu.dma_semaphore, #tpu.memory_space<semaphore_mem>>)
      %add3A_221 = arith.constant 2 : i32
      %add3A_222 = arith.addi %add3A_124, %add3A_221 : i32
      %lt3A_223 = arith.constant 26 : i32
      %lt3A_224 = arith.cmpi slt, %add3A_222, %lt3A_223 : i32
      %convert_element_type3A_225 = arith.extui %lt3A_224 : i1 to i32
      %cond3A_226 = arith.constant 0 : i32
      %cond3A_227 = arith.cmpi ne, %convert_element_type3A_225, %cond3A_226 : i32
      scf.if %cond3A_227 {
        %add3A_340 = arith.constant 2 : i32
        %add3A_341 = arith.addi %add3A_124, %add3A_340 : i32
        %dma_start3A_342 = arith.constant 0 : i32
        %dma_start3A_343 = tpu.memref_slice %arg5[%add3A_341, %dma_start3A_342] : memref<26x512xi32, #tpu.memory_space<vmem>> -> memref<1x512xi32, #tpu.memory_space<vmem>>
        %dma_start3A_344 = tpu.memref_squeeze %dma_start3A_343 : memref<1x512xi32, #tpu.memory_space<vmem>> -> memref<512xi32, #tpu.memory_space<vmem>>
        %dma_start3A_345 = arith.constant 0 : i32
        %dma_start3A_346 = arith.constant 0 : i32
        %dma_start3A_347 = tpu.memref_slice %arg3[%dma_start3A_345, %dma_start3A_346] : memref<1000000x32xf32, #tpu.memory_space<hbm>> -> memref<1000000x32xf32, #tpu.memory_space<hbm>>
        tpu.enqueue_indirect_dma source(%dma_start3A_347 : memref<1000000x32xf32, #tpu.memory_space<hbm>>) target(%arg6 : memref<512x32xf32, #tpu.memory_space<vmem>>) offsets(%dma_start3A_344 : memref<512xi32, #tpu.memory_space<vmem>>) semaphore(%arg10 : memref<!tpu.dma_semaphore, #tpu.memory_space<semaphore_mem>>)
      } else {
      }
      %mul3A_228 = arith.constant 2 : i32
      %mul3A_229 = arith.muli %scan3A_120, %mul3A_228 : i32
      %add3A_230 = arith.constant 1 : i32
      %add3A_231 = arith.addi %mul3A_229, %add3A_230 : i32
      %dma_wait3A_232 = arith.constant 0 : i32
      %dma_wait3A_233 = tpu.memref_slice %arg5[%add3A_231, %dma_wait3A_232] : memref<26x512xi32, #tpu.memory_space<vmem>> -> memref<1x512xi32, #tpu.memory_space<vmem>>
      %dma_wait3A_234 = tpu.memref_squeeze %dma_wait3A_233 : memref<1x512xi32, #tpu.memory_space<vmem>> -> memref<512xi32, #tpu.memory_space<vmem>>
      %dma_wait3A_235 = arith.constant 0 : i32
      %dma_wait3A_236 = arith.constant 0 : i32
      %dma_wait3A_237 = tpu.memref_slice %arg3[%dma_wait3A_235, %dma_wait3A_236] : memref<1000000x32xf32, #tpu.memory_space<hbm>> -> memref<1000000x32xf32, #tpu.memory_space<hbm>>
      tpu.wait_indirect_dma semaphore(%arg11 : memref<!tpu.dma_semaphore, #tpu.memory_space<semaphore_mem>>) src(%dma_wait3A_237 : memref<1000000x32xf32, #tpu.memory_space<hbm>>) dst(%arg7 : memref<512x32xf32, #tpu.memory_space<vmem>>)
      %ge3A_238 = arith.constant 2 : i32
      %ge3A_239 = arith.cmpi sge, %add3A_231, %ge3A_238 : i32
      %convert_element_type3A_240 = arith.extui %ge3A_239 : i1 to i32
      %cond3A_241 = arith.constant 0 : i32
      %cond3A_242 = arith.cmpi ne, %convert_element_type3A_240, %cond3A_241 : i32
      scf.if %cond3A_242 {
        %sub3A_340 = arith.constant 2 : i32
        %sub3A_341 = arith.subi %add3A_231, %sub3A_340 : i32
        %mul3A_342 = arith.constant 26 : i32
        %mul3A_343 = arith.muli %add3A, %mul3A_342 : i32
        %add3A_344 = arith.addi %mul3A_343, %sub3A_341 : i32
        %jit3A_345 = arith.constant 32 : i32
        %div3A_346 = arith.divsi %add3A_344, %jit3A_345 : i32
        %sign3A_347 = arith.constant 0 : i32
        %sign3A_348 = arith.cmpi sgt, %add3A_344, %sign3A_347 : i32
        %sign3A_349 = arith.extui %sign3A_348 : i1 to i32
        %sign3A_350 = arith.constant 0 : i32
        %sign3A_351 = arith.cmpi slt, %add3A_344, %sign3A_350 : i32
        %sign3A_352 = arith.extui %sign3A_351 : i1 to i32
        %sign3A_353 = arith.subi %sign3A_349, %sign3A_352 : i32
        %sign3A_354 = arith.constant 0 : i32
        %sign3A_355 = arith.cmpi sgt, %jit3A_345, %sign3A_354 : i32
        %sign3A_356 = arith.extui %sign3A_355 : i1 to i32
        %sign3A_357 = arith.constant 0 : i32
        %sign3A_358 = arith.cmpi slt, %jit3A_345, %sign3A_357 : i32
        %sign3A_359 = arith.extui %sign3A_358 : i1 to i32
        %sign3A_360 = arith.subi %sign3A_356, %sign3A_359 : i32
        %ne3A_361 = arith.cmpi ne, %sign3A_353, %sign3A_360 : i32
        %rem3A_362 = arith.remsi %add3A_344, %jit3A_345 : i32
        %ne3A_363 = arith.constant 0 : i32
        %ne3A_364 = arith.cmpi ne, %rem3A_362, %ne3A_363 : i32
        %and3A_365 = arith.andi %ne3A_361, %ne3A_364 : i1
        %sub3A_366 = arith.constant 1 : i32
        %sub3A_367 = arith.subi %div3A_346, %sub3A_366 : i32
        %select_n3A_368 = arith.select %and3A_365, %sub3A_367, %div3A_346 : i32
        %jit3A_369 = arith.constant 32 : i32
        %eq3A_370 = arith.constant 0 : i32
        %eq3A_371 = arith.cmpi eq, %jit3A_369, %eq3A_370 : i32
        %jit3A_372 = arith.constant 1 : i32
        %select_n3A_373 = arith.select %eq3A_371, %jit3A_372, %jit3A_369 : i32
        %rem3A_374 = arith.remsi %add3A_344, %select_n3A_373 : i32
        %ne3A_375 = arith.constant 0 : i32
        %ne3A_376 = arith.cmpi ne, %rem3A_374, %ne3A_375 : i32
        %lt3A_377 = arith.constant 0 : i32
        %lt3A_378 = arith.cmpi slt, %rem3A_374, %lt3A_377 : i32
        %lt3A_379 = arith.constant 0 : i32
        %lt3A_380 = arith.cmpi slt, %select_n3A_373, %lt3A_379 : i32
        %ne3A_381 = arith.xori %lt3A_378, %lt3A_380 : i1
        %and3A_382 = arith.andi %ne3A_381, %ne3A_376 : i1
        %add3A_383 = arith.addi %rem3A_374, %select_n3A_373 : i32
        %select_n3A_384 = arith.select %and3A_382, %add3A_383, %rem3A_374 : i32
        %mul3A_385 = arith.constant 4 : i32
        %mul3A_386 = arith.muli %select_n3A_384, %mul3A_385 : i32
        %dma_wait3A_387 = arith.constant 0 : i32
        %dma_wait3A_388 = arith.constant 0 : i32
        %dma_wait3A_389 = arith.constant 0 : i32
        %dma_wait3A_390 = tpu.memref_slice %arg4[%select_n3A_368, %dma_wait3A_387, %mul3A_386, %dma_wait3A_388, %dma_wait3A_389] : memref<26x4x128x8x128xf32, #tpu.memory_space<hbm>> -> memref<1x4x4x8x128xf32, #tpu.memory_space<hbm>>
        %dma_wait3A_391 = tpu.memref_squeeze %dma_wait3A_390 : memref<1x4x4x8x128xf32, #tpu.memory_space<hbm>> -> memref<4x4x8x128xf32, #tpu.memory_space<hbm>>
        %dma_wait3A_392 = arith.constant 0 : i32
        %dma_wait3A_393 = arith.constant 0 : i32
        %dma_wait3A_394 = arith.constant 0 : i32
        %dma_wait3A_395 = tpu.memref_slice %arg4[%select_n3A_368, %dma_wait3A_392, %mul3A_386, %dma_wait3A_393, %dma_wait3A_394] : memref<26x4x128x8x128xf32, #tpu.memory_space<hbm>> -> memref<1x4x4x8x128xf32, #tpu.memory_space<hbm>>
        %dma_wait3A_396 = tpu.memref_squeeze %dma_wait3A_395 : memref<1x4x4x8x128xf32, #tpu.memory_space<hbm>> -> memref<4x4x8x128xf32, #tpu.memory_space<hbm>>
        tpu.wait_dma2 semaphore(%arg13 : memref<!tpu.dma_semaphore, #tpu.memory_space<semaphore_mem>>) src(%arg9 : memref<4x4x8x128xf32, #tpu.memory_space<vmem>>) dst(%dma_wait3A_396 : memref<4x4x8x128xf32, #tpu.memory_space<hbm>>)
      } else {
      }
      %iota3A_243 = tpu.iota {dimensions = array<i32: 0>} : vector<16xi32>
      %add3A_244 = arith.constant 0 : i32
      %add3A_245 = vector.broadcast %add3A_244 : i32 to vector<16xi32>
      %add3A_246 = arith.addi %iota3A_243, %add3A_245 : vector<16xi32>
      %iota3A_247 = tpu.iota {dimensions = array<i32: 0>} : vector<16xi32>
      %add3A_248 = arith.constant 16 : i32
      %add3A_249 = vector.broadcast %add3A_248 : i32 to vector<16xi32>
      %add3A_250 = arith.addi %iota3A_247, %add3A_249 : vector<16xi32>
      %iota3A_251 = tpu.iota {dimensions = array<i32: 0>} : vector<16xi32>
      %add3A_252 = arith.constant 32 : i32
      %add3A_253 = vector.broadcast %add3A_252 : i32 to vector<16xi32>
      %add3A_254 = arith.addi %iota3A_251, %add3A_253 : vector<16xi32>
      %iota3A_255 = tpu.iota {dimensions = array<i32: 0>} : vector<16xi32>
      %add3A_256 = arith.constant 48 : i32
      %add3A_257 = vector.broadcast %add3A_256 : i32 to vector<16xi32>
      %add3A_258 = arith.addi %iota3A_255, %add3A_257 : vector<16xi32>
      %iota3A_259 = tpu.iota {dimensions = array<i32: 0>} : vector<16xi32>
      %add3A_260 = arith.constant 64 : i32
      %add3A_261 = vector.broadcast %add3A_260 : i32 to vector<16xi32>
      %add3A_262 = arith.addi %iota3A_259, %add3A_261 : vector<16xi32>
      %iota3A_263 = tpu.iota {dimensions = array<i32: 0>} : vector<16xi32>
      %add3A_264 = arith.constant 80 : i32
      %add3A_265 = vector.broadcast %add3A_264 : i32 to vector<16xi32>
      %add3A_266 = arith.addi %iota3A_263, %add3A_265 : vector<16xi32>
      %iota3A_267 = tpu.iota {dimensions = array<i32: 0>} : vector<16xi32>
      %add3A_268 = arith.constant 96 : i32
      %add3A_269 = vector.broadcast %add3A_268 : i32 to vector<16xi32>
      %add3A_270 = arith.addi %iota3A_267, %add3A_269 : vector<16xi32>
      %iota3A_271 = tpu.iota {dimensions = array<i32: 0>} : vector<16xi32>
      %add3A_272 = arith.constant 112 : i32
      %add3A_273 = vector.broadcast %add3A_272 : i32 to vector<16xi32>
      %add3A_274 = arith.addi %iota3A_271, %add3A_273 : vector<16xi32>
      %parallel_loop3A_275 = arith.constant 0 : i32
      %parallel_loop3A_276 = arith.constant 128 : i32
      %parallel_loop3A_277 = arith.constant 1 : i32
      scf.for %parallel_loop3A_340 = %parallel_loop3A_275 to %parallel_loop3A_276 step %parallel_loop3A_277  : i32 {
        %parallel_loop3A_341 = arith.constant 5 : i32
        %parallel_loop3A_342 = arith.shrsi %parallel_loop3A_340, %parallel_loop3A_341 : i32
        %parallel_loop3A_343 = arith.constant 3 : i32
        %parallel_loop3A_344 = arith.shrsi %parallel_loop3A_340, %parallel_loop3A_343 : i32
        %parallel_loop3A_345 = arith.constant 3 : i32
        %parallel_loop3A_346 = arith.andi %parallel_loop3A_344, %parallel_loop3A_345 : i32
        %parallel_loop3A_347 = arith.constant 7 : i32
        %parallel_loop3A_348 = arith.andi %parallel_loop3A_340, %parallel_loop3A_347 : i32
        %parallel_loop3A_349 = arith.constant 5 : i32
        %parallel_loop3A_350 = arith.shrsi %parallel_loop3A_340, %parallel_loop3A_349 : i32
        %parallel_loop3A_351 = arith.constant 3 : i32
        %parallel_loop3A_352 = arith.shli %parallel_loop3A_350, %parallel_loop3A_351 : i32
        %parallel_loop3A_353 = arith.constant 7 : i32
        %parallel_loop3A_354 = arith.andi %parallel_loop3A_340, %parallel_loop3A_353 : i32
        %parallel_loop3A_355 = arith.ori %parallel_loop3A_352, %parallel_loop3A_354 : i32
        %parallel_loop3A_356 = vector.broadcast %parallel_loop3A_355 : i32 to vector<16xi32>
        %parallel_loop3A_357 = arith.constant 7 : i32
        %parallel_loop3A_358 = arith.shli %parallel_loop3A_346, %parallel_loop3A_357 : i32
        %parallel_loop3A_359 = vector.broadcast %parallel_loop3A_358 : i32 to vector<16xi32>
        %parallel_loop3A_360 = arith.addi %add3A_246, %parallel_loop3A_359 : vector<16xi32>
        %parallel_loop3A_361 = tpu.vector_load_idx %arg7[%parallel_loop3A_360, %parallel_loop3A_356] : memref<512x32xf32, #tpu.memory_space<vmem>>[vector<16xi32>, vector<16xi32>], vector<16xf32>,
        %parallel_loop3A_362 = arith.index_cast %parallel_loop3A_342 : i32 to index
        %parallel_loop3A_363 = arith.index_cast %parallel_loop3A_346 : i32 to index
        %parallel_loop3A_364 = arith.index_cast %parallel_loop3A_348 : i32 to index
        %parallel_loop3A_365 = arith.constant 0 : index
        %parallel_loop3A_366 = tpu.vector_load %arg9[%parallel_loop3A_362, %parallel_loop3A_363, %parallel_loop3A_364, %parallel_loop3A_365] {strides = array<i32>} : memref<4x4x8x128xf32, #tpu.memory_space<vmem>>, vector<16xf32>,
        tpu.vector_store %arg9[%parallel_loop3A_362, %parallel_loop3A_363, %parallel_loop3A_364, %parallel_loop3A_365], %parallel_loop3A_361 {strides = array<i32>} : memref<4x4x8x128xf32, #tpu.memory_space<vmem>>, vector<16xf32>,
        %parallel_loop3A_367 = arith.addi %add3A_250, %parallel_loop3A_359 : vector<16xi32>
        %parallel_loop3A_368 = tpu.vector_load_idx %arg7[%parallel_loop3A_367, %parallel_loop3A_356] : memref<512x32xf32, #tpu.memory_space<vmem>>[vector<16xi32>, vector<16xi32>], vector<16xf32>,
        %parallel_loop3A_369 = arith.index_cast %parallel_loop3A_342 : i32 to index
        %parallel_loop3A_370 = arith.index_cast %parallel_loop3A_346 : i32 to index
        %parallel_loop3A_371 = arith.index_cast %parallel_loop3A_348 : i32 to index
        %parallel_loop3A_372 = arith.constant 16 : index
        %parallel_loop3A_373 = tpu.vector_load %arg9[%parallel_loop3A_369, %parallel_loop3A_370, %parallel_loop3A_371, %parallel_loop3A_372] {strides = array<i32>} : memref<4x4x8x128xf32, #tpu.memory_space<vmem>>, vector<16xf32>,
        tpu.vector_store %arg9[%parallel_loop3A_369, %parallel_loop3A_370, %parallel_loop3A_371, %parallel_loop3A_372], %parallel_loop3A_368 {strides = array<i32>} : memref<4x4x8x128xf32, #tpu.memory_space<vmem>>, vector<16xf32>,
        %parallel_loop3A_374 = arith.addi %add3A_254, %parallel_loop3A_359 : vector<16xi32>
        %parallel_loop3A_375 = tpu.vector_load_idx %arg7[%parallel_loop3A_374, %parallel_loop3A_356] : memref<512x32xf32, #tpu.memory_space<vmem>>[vector<16xi32>, vector<16xi32>], vector<16xf32>,
        %parallel_loop3A_376 = arith.index_cast %parallel_loop3A_342 : i32 to index
        %parallel_loop3A_377 = arith.index_cast %parallel_loop3A_346 : i32 to index
        %parallel_loop3A_378 = arith.index_cast %parallel_loop3A_348 : i32 to index
        %parallel_loop3A_379 = arith.constant 32 : index
        %parallel_loop3A_380 = tpu.vector_load %arg9[%parallel_loop3A_376, %parallel_loop3A_377, %parallel_loop3A_378, %parallel_loop3A_379] {strides = array<i32>} : memref<4x4x8x128xf32, #tpu.memory_space<vmem>>, vector<16xf32>,
        tpu.vector_store %arg9[%parallel_loop3A_376, %parallel_loop3A_377, %parallel_loop3A_378, %parallel_loop3A_379], %parallel_loop3A_375 {strides = array<i32>} : memref<4x4x8x128xf32, #tpu.memory_space<vmem>>, vector<16xf32>,
        %parallel_loop3A_381 = arith.addi %add3A_258, %parallel_loop3A_359 : vector<16xi32>
        %parallel_loop3A_382 = tpu.vector_load_idx %arg7[%parallel_loop3A_381, %parallel_loop3A_356] : memref<512x32xf32, #tpu.memory_space<vmem>>[vector<16xi32>, vector<16xi32>], vector<16xf32>,
        %parallel_loop3A_383 = arith.index_cast %parallel_loop3A_342 : i32 to index
        %parallel_loop3A_384 = arith.index_cast %parallel_loop3A_346 : i32 to index
        %parallel_loop3A_385 = arith.index_cast %parallel_loop3A_348 : i32 to index
        %parallel_loop3A_386 = arith.constant 48 : index
        %parallel_loop3A_387 = tpu.vector_load %arg9[%parallel_loop3A_383, %parallel_loop3A_384, %parallel_loop3A_385, %parallel_loop3A_386] {strides = array<i32>} : memref<4x4x8x128xf32, #tpu.memory_space<vmem>>, vector<16xf32>,
        tpu.vector_store %arg9[%parallel_loop3A_383, %parallel_loop3A_384, %parallel_loop3A_385, %parallel_loop3A_386], %parallel_loop3A_382 {strides = array<i32>} : memref<4x4x8x128xf32, #tpu.memory_space<vmem>>, vector<16xf32>,
        %parallel_loop3A_388 = arith.addi %add3A_262, %parallel_loop3A_359 : vector<16xi32>
        %parallel_loop3A_389 = tpu.vector_load_idx %arg7[%parallel_loop3A_388, %parallel_loop3A_356] : memref<512x32xf32, #tpu.memory_space<vmem>>[vector<16xi32>, vector<16xi32>], vector<16xf32>,
        %parallel_loop3A_390 = arith.index_cast %parallel_loop3A_342 : i32 to index
        %parallel_loop3A_391 = arith.index_cast %parallel_loop3A_346 : i32 to index
        %parallel_loop3A_392 = arith.index_cast %parallel_loop3A_348 : i32 to index
        %parallel_loop3A_393 = arith.constant 64 : index
        %parallel_loop3A_394 = tpu.vector_load %arg9[%parallel_loop3A_390, %parallel_loop3A_391, %parallel_loop3A_392, %parallel_loop3A_393] {strides = array<i32>} : memref<4x4x8x128xf32, #tpu.memory_space<vmem>>, vector<16xf32>,
        tpu.vector_store %arg9[%parallel_loop3A_390, %parallel_loop3A_391, %parallel_loop3A_392, %parallel_loop3A_393], %parallel_loop3A_389 {strides = array<i32>} : memref<4x4x8x128xf32, #tpu.memory_space<vmem>>, vector<16xf32>,
        %parallel_loop3A_395 = arith.addi %add3A_266, %parallel_loop3A_359 : vector<16xi32>
        %parallel_loop3A_396 = tpu.vector_load_idx %arg7[%parallel_loop3A_395, %parallel_loop3A_356] : memref<512x32xf32, #tpu.memory_space<vmem>>[vector<16xi32>, vector<16xi32>], vector<16xf32>,
        %parallel_loop3A_397 = arith.index_cast %parallel_loop3A_342 : i32 to index
        %parallel_loop3A_398 = arith.index_cast %parallel_loop3A_346 : i32 to index
        %parallel_loop3A_399 = arith.index_cast %parallel_loop3A_348 : i32 to index
        %parallel_loop3A_400 = arith.constant 80 : index
        %parallel_loop3A_401 = tpu.vector_load %arg9[%parallel_loop3A_397, %parallel_loop3A_398, %parallel_loop3A_399, %parallel_loop3A_400] {strides = array<i32>} : memref<4x4x8x128xf32, #tpu.memory_space<vmem>>, vector<16xf32>,
        tpu.vector_store %arg9[%parallel_loop3A_397, %parallel_loop3A_398, %parallel_loop3A_399, %parallel_loop3A_400], %parallel_loop3A_396 {strides = array<i32>} : memref<4x4x8x128xf32, #tpu.memory_space<vmem>>, vector<16xf32>,
        %parallel_loop3A_402 = arith.addi %add3A_270, %parallel_loop3A_359 : vector<16xi32>
        %parallel_loop3A_403 = tpu.vector_load_idx %arg7[%parallel_loop3A_402, %parallel_loop3A_356] : memref<512x32xf32, #tpu.memory_space<vmem>>[vector<16xi32>, vector<16xi32>], vector<16xf32>,
        %parallel_loop3A_404 = arith.index_cast %parallel_loop3A_342 : i32 to index
        %parallel_loop3A_405 = arith.index_cast %parallel_loop3A_346 : i32 to index
        %parallel_loop3A_406 = arith.index_cast %parallel_loop3A_348 : i32 to index
        %parallel_loop3A_407 = arith.constant 96 : index
        %parallel_loop3A_408 = tpu.vector_load %arg9[%parallel_loop3A_404, %parallel_loop3A_405, %parallel_loop3A_406, %parallel_loop3A_407] {strides = array<i32>} : memref<4x4x8x128xf32, #tpu.memory_space<vmem>>, vector<16xf32>,
        tpu.vector_store %arg9[%parallel_loop3A_404, %parallel_loop3A_405, %parallel_loop3A_406, %parallel_loop3A_407], %parallel_loop3A_403 {strides = array<i32>} : memref<4x4x8x128xf32, #tpu.memory_space<vmem>>, vector<16xf32>,
        %parallel_loop3A_409 = arith.addi %add3A_274, %parallel_loop3A_359 : vector<16xi32>
        %parallel_loop3A_410 = tpu.vector_load_idx %arg7[%parallel_loop3A_409, %parallel_loop3A_356] : memref<512x32xf32, #tpu.memory_space<vmem>>[vector<16xi32>, vector<16xi32>], vector<16xf32>,
        %parallel_loop3A_411 = arith.index_cast %parallel_loop3A_342 : i32 to index
        %parallel_loop3A_412 = arith.index_cast %parallel_loop3A_346 : i32 to index
        %parallel_loop3A_413 = arith.index_cast %parallel_loop3A_348 : i32 to index
        %parallel_loop3A_414 = arith.constant 112 : index
        %parallel_loop3A_415 = tpu.vector_load %arg9[%parallel_loop3A_411, %parallel_loop3A_412, %parallel_loop3A_413, %parallel_loop3A_414] {strides = array<i32>} : memref<4x4x8x128xf32, #tpu.memory_space<vmem>>, vector<16xf32>,
        tpu.vector_store %arg9[%parallel_loop3A_411, %parallel_loop3A_412, %parallel_loop3A_413, %parallel_loop3A_414], %parallel_loop3A_410 {strides = array<i32>} : memref<4x4x8x128xf32, #tpu.memory_space<vmem>>, vector<16xf32>,
      } {sc.loop_unroll_factor = 4 : i64, sc.parallel_access}
      %mul3A_278 = arith.constant 26 : i32
      %mul3A_279 = arith.muli %add3A, %mul3A_278 : i32
      %add3A_280 = arith.addi %mul3A_279, %add3A_231 : i32
      %jit3A_281 = arith.constant 32 : i32
      %div3A_282 = arith.divsi %add3A_280, %jit3A_281 : i32
      %sign3A_283 = arith.constant 0 : i32
      %sign3A_284 = arith.cmpi sgt, %add3A_280, %sign3A_283 : i32
      %sign3A_285 = arith.extui %sign3A_284 : i1 to i32
      %sign3A_286 = arith.constant 0 : i32
      %sign3A_287 = arith.cmpi slt, %add3A_280, %sign3A_286 : i32
      %sign3A_288 = arith.extui %sign3A_287 : i1 to i32
      %sign3A_289 = arith.subi %sign3A_285, %sign3A_288 : i32
      %sign3A_290 = arith.constant 0 : i32
      %sign3A_291 = arith.cmpi sgt, %jit3A_281, %sign3A_290 : i32
      %sign3A_292 = arith.extui %sign3A_291 : i1 to i32
      %sign3A_293 = arith.constant 0 : i32
      %sign3A_294 = arith.cmpi slt, %jit3A_281, %sign3A_293 : i32
      %sign3A_295 = arith.extui %sign3A_294 : i1 to i32
      %sign3A_296 = arith.subi %sign3A_292, %sign3A_295 : i32
      %ne3A_297 = arith.cmpi ne, %sign3A_289, %sign3A_296 : i32
      %rem3A_298 = arith.remsi %add3A_280, %jit3A_281 : i32
      %ne3A_299 = arith.constant 0 : i32
      %ne3A_300 = arith.cmpi ne, %rem3A_298, %ne3A_299 : i32
      %and3A_301 = arith.andi %ne3A_297, %ne3A_300 : i1
      %sub3A_302 = arith.constant 1 : i32
      %sub3A_303 = arith.subi %div3A_282, %sub3A_302 : i32
      %select_n3A_304 = arith.select %and3A_301, %sub3A_303, %div3A_282 : i32
      %jit3A_305 = arith.constant 32 : i32
      %eq3A_306 = arith.constant 0 : i32
      %eq3A_307 = arith.cmpi eq, %jit3A_305, %eq3A_306 : i32
      %jit3A_308 = arith.constant 1 : i32
      %select_n3A_309 = arith.select %eq3A_307, %jit3A_308, %jit3A_305 : i32
      %rem3A_310 = arith.remsi %add3A_280, %select_n3A_309 : i32
      %ne3A_311 = arith.constant 0 : i32
      %ne3A_312 = arith.cmpi ne, %rem3A_310, %ne3A_311 : i32
      %lt3A_313 = arith.constant 0 : i32
      %lt3A_314 = arith.cmpi slt, %rem3A_310, %lt3A_313 : i32
      %lt3A_315 = arith.constant 0 : i32
      %lt3A_316 = arith.cmpi slt, %select_n3A_309, %lt3A_315 : i32
      %ne3A_317 = arith.xori %lt3A_314, %lt3A_316 : i1
      %and3A_318 = arith.andi %ne3A_317, %ne3A_312 : i1
      %add3A_319 = arith.addi %rem3A_310, %select_n3A_309 : i32
      %select_n3A_320 = arith.select %and3A_318, %add3A_319, %rem3A_310 : i32
      %mul3A_321 = arith.constant 4 : i32
      %mul3A_322 = arith.muli %select_n3A_320, %mul3A_321 : i32
      %dma_start3A_323 = arith.constant 0 : i32
      %dma_start3A_324 = arith.constant 0 : i32
      %dma_start3A_325 = arith.constant 0 : i32
      %dma_start3A_326 = tpu.memref_slice %arg4[%select_n3A_304, %dma_start3A_323, %mul3A_322, %dma_start3A_324, %dma_start3A_325] : memref<26x4x128x8x128xf32, #tpu.memory_space<hbm>> -> memref<1x4x4x8x128xf32, #tpu.memory_space<hbm>>
      %dma_start3A_327 = tpu.memref_squeeze %dma_start3A_326 : memref<1x4x4x8x128xf32, #tpu.memory_space<hbm>> -> memref<4x4x8x128xf32, #tpu.memory_space<hbm>>
      %dma_start3A_328 = arith.constant 0 : i32
      %dma_start3A_329 = arith.constant 0 : i32
      %dma_start3A_330 = arith.constant 0 : i32
      %dma_start3A_331 = tpu.memref_slice %arg4[%select_n3A_304, %dma_start3A_328, %mul3A_322, %dma_start3A_329, %dma_start3A_330] : memref<26x4x128x8x128xf32, #tpu.memory_space<hbm>> -> memref<1x4x4x8x128xf32, #tpu.memory_space<hbm>>
      %dma_start3A_332 = tpu.memref_squeeze %dma_start3A_331 : memref<1x4x4x8x128xf32, #tpu.memory_space<hbm>> -> memref<4x4x8x128xf32, #tpu.memory_space<hbm>>
      tpu.enqueue_dma source(%arg9 : memref<4x4x8x128xf32, #tpu.memory_space<vmem>>) target(%dma_start3A_332 : memref<4x4x8x128xf32, #tpu.memory_space<hbm>>) target_semaphore(%arg13 : memref<!tpu.dma_semaphore, #tpu.memory_space<semaphore_mem>>)
      %add3A_333 = arith.constant 2 : i32
      %add3A_334 = arith.addi %add3A_231, %add3A_333 : i32
      %lt3A_335 = arith.constant 26 : i32
      %lt3A_336 = arith.cmpi slt, %add3A_334, %lt3A_335 : i32
      %convert_element_type3A_337 = arith.extui %lt3A_336 : i1 to i32
      %cond3A_338 = arith.constant 0 : i32
      %cond3A_339 = arith.cmpi ne, %convert_element_type3A_337, %cond3A_338 : i32
      scf.if %cond3A_339 {
        %add3A_340 = arith.constant 2 : i32
        %add3A_341 = arith.addi %add3A_231, %add3A_340 : i32
        %dma_start3A_342 = arith.constant 0 : i32
        %dma_start3A_343 = tpu.memref_slice %arg5[%add3A_341, %dma_start3A_342] : memref<26x512xi32, #tpu.memory_space<vmem>> -> memref<1x512xi32, #tpu.memory_space<vmem>>
        %dma_start3A_344 = tpu.memref_squeeze %dma_start3A_343 : memref<1x512xi32, #tpu.memory_space<vmem>> -> memref<512xi32, #tpu.memory_space<vmem>>
        %dma_start3A_345 = arith.constant 0 : i32
        %dma_start3A_346 = arith.constant 0 : i32
        %dma_start3A_347 = tpu.memref_slice %arg3[%dma_start3A_345, %dma_start3A_346] : memref<1000000x32xf32, #tpu.memory_space<hbm>> -> memref<1000000x32xf32, #tpu.memory_space<hbm>>
        tpu.enqueue_indirect_dma source(%dma_start3A_347 : memref<1000000x32xf32, #tpu.memory_space<hbm>>) target(%arg7 : memref<512x32xf32, #tpu.memory_space<vmem>>) offsets(%dma_start3A_344 : memref<512xi32, #tpu.memory_space<vmem>>) semaphore(%arg11 : memref<!tpu.dma_semaphore, #tpu.memory_space<semaphore_mem>>)
      } else {
      }
    }
    %scan3A_18 = arith.constant 13 : i32
    %mul3A_19 = arith.constant 26 : i32
    %mul3A_20 = arith.muli %add3A, %mul3A_19 : i32
    %add3A_21 = arith.constant 24 : i32
    %add3A_22 = arith.addi %mul3A_20, %add3A_21 : i32
    %jit3A = arith.constant 32 : i32
    %div3A = arith.divsi %add3A_22, %jit3A : i32
    %sign3A = arith.constant 0 : i32
    %sign3A_23 = arith.cmpi sgt, %add3A_22, %sign3A : i32
    %sign3A_24 = arith.extui %sign3A_23 : i1 to i32
    %sign3A_25 = arith.constant 0 : i32
    %sign3A_26 = arith.cmpi slt, %add3A_22, %sign3A_25 : i32
    %sign3A_27 = arith.extui %sign3A_26 : i1 to i32
    %sign3A_28 = arith.subi %sign3A_24, %sign3A_27 : i32
    %sign3A_29 = arith.constant 0 : i32
    %sign3A_30 = arith.cmpi sgt, %jit3A, %sign3A_29 : i32
    %sign3A_31 = arith.extui %sign3A_30 : i1 to i32
    %sign3A_32 = arith.constant 0 : i32
    %sign3A_33 = arith.cmpi slt, %jit3A, %sign3A_32 : i32
    %sign3A_34 = arith.extui %sign3A_33 : i1 to i32
    %sign3A_35 = arith.subi %sign3A_31, %sign3A_34 : i32
    %ne3A = arith.cmpi ne, %sign3A_28, %sign3A_35 : i32
    %rem3A = arith.remsi %add3A_22, %jit3A : i32
    %ne3A_36 = arith.constant 0 : i32
    %ne3A_37 = arith.cmpi ne, %rem3A, %ne3A_36 : i32
    %and3A = arith.andi %ne3A, %ne3A_37 : i1
    %sub3A = arith.constant 1 : i32
    %sub3A_38 = arith.subi %div3A, %sub3A : i32
    %select_n3A = arith.select %and3A, %sub3A_38, %div3A : i32
    %jit3A_39 = arith.constant 32 : i32
    %eq3A = arith.constant 0 : i32
    %eq3A_40 = arith.cmpi eq, %jit3A_39, %eq3A : i32
    %jit3A_41 = arith.constant 1 : i32
    %select_n3A_42 = arith.select %eq3A_40, %jit3A_41, %jit3A_39 : i32
    %rem3A_43 = arith.remsi %add3A_22, %select_n3A_42 : i32
    %ne3A_44 = arith.constant 0 : i32
    %ne3A_45 = arith.cmpi ne, %rem3A_43, %ne3A_44 : i32
    %lt3A = arith.constant 0 : i32
    %lt3A_46 = arith.cmpi slt, %rem3A_43, %lt3A : i32
    %lt3A_47 = arith.constant 0 : i32
    %lt3A_48 = arith.cmpi slt, %select_n3A_42, %lt3A_47 : i32
    %ne3A_49 = arith.xori %lt3A_46, %lt3A_48 : i1
    %and3A_50 = arith.andi %ne3A_49, %ne3A_45 : i1
    %add3A_51 = arith.addi %rem3A_43, %select_n3A_42 : i32
    %select_n3A_52 = arith.select %and3A_50, %add3A_51, %rem3A_43 : i32
    %mul3A_53 = arith.constant 4 : i32
    %mul3A_54 = arith.muli %select_n3A_52, %mul3A_53 : i32
    %dma_wait3A = arith.constant 0 : i32
    %dma_wait3A_55 = arith.constant 0 : i32
    %dma_wait3A_56 = arith.constant 0 : i32
    %dma_wait3A_57 = tpu.memref_slice %arg4[%select_n3A, %dma_wait3A, %mul3A_54, %dma_wait3A_55, %dma_wait3A_56] : memref<26x4x128x8x128xf32, #tpu.memory_space<hbm>> -> memref<1x4x4x8x128xf32, #tpu.memory_space<hbm>>
    %dma_wait3A_58 = tpu.memref_squeeze %dma_wait3A_57 : memref<1x4x4x8x128xf32, #tpu.memory_space<hbm>> -> memref<4x4x8x128xf32, #tpu.memory_space<hbm>>
    %dma_wait3A_59 = arith.constant 0 : i32
    %dma_wait3A_60 = arith.constant 0 : i32
    %dma_wait3A_61 = arith.constant 0 : i32
    %dma_wait3A_62 = tpu.memref_slice %arg4[%select_n3A, %dma_wait3A_59, %mul3A_54, %dma_wait3A_60, %dma_wait3A_61] : memref<26x4x128x8x128xf32, #tpu.memory_space<hbm>> -> memref<1x4x4x8x128xf32, #tpu.memory_space<hbm>>
    %dma_wait3A_63 = tpu.memref_squeeze %dma_wait3A_62 : memref<1x4x4x8x128xf32, #tpu.memory_space<hbm>> -> memref<4x4x8x128xf32, #tpu.memory_space<hbm>>
    tpu.wait_dma2 semaphore(%arg12 : memref<!tpu.dma_semaphore, #tpu.memory_space<semaphore_mem>>) src(%arg8 : memref<4x4x8x128xf32, #tpu.memory_space<vmem>>) dst(%dma_wait3A_63 : memref<4x4x8x128xf32, #tpu.memory_space<hbm>>)
    %mul3A_64 = arith.constant 26 : i32
    %mul3A_65 = arith.muli %add3A, %mul3A_64 : i32
    %add3A_66 = arith.constant 25 : i32
    %add3A_67 = arith.addi %mul3A_65, %add3A_66 : i32
    %jit3A_68 = arith.constant 32 : i32
    %div3A_69 = arith.divsi %add3A_67, %jit3A_68 : i32
    %sign3A_70 = arith.constant 0 : i32
    %sign3A_71 = arith.cmpi sgt, %add3A_67, %sign3A_70 : i32
    %sign3A_72 = arith.extui %sign3A_71 : i1 to i32
    %sign3A_73 = arith.constant 0 : i32
    %sign3A_74 = arith.cmpi slt, %add3A_67, %sign3A_73 : i32
    %sign3A_75 = arith.extui %sign3A_74 : i1 to i32
    %sign3A_76 = arith.subi %sign3A_72, %sign3A_75 : i32
    %sign3A_77 = arith.constant 0 : i32
    %sign3A_78 = arith.cmpi sgt, %jit3A_68, %sign3A_77 : i32
    %sign3A_79 = arith.extui %sign3A_78 : i1 to i32
    %sign3A_80 = arith.constant 0 : i32
    %sign3A_81 = arith.cmpi slt, %jit3A_68, %sign3A_80 : i32
    %sign3A_82 = arith.extui %sign3A_81 : i1 to i32
    %sign3A_83 = arith.subi %sign3A_79, %sign3A_82 : i32
    %ne3A_84 = arith.cmpi ne, %sign3A_76, %sign3A_83 : i32
    %rem3A_85 = arith.remsi %add3A_67, %jit3A_68 : i32
    %ne3A_86 = arith.constant 0 : i32
    %ne3A_87 = arith.cmpi ne, %rem3A_85, %ne3A_86 : i32
    %and3A_88 = arith.andi %ne3A_84, %ne3A_87 : i1
    %sub3A_89 = arith.constant 1 : i32
    %sub3A_90 = arith.subi %div3A_69, %sub3A_89 : i32
    %select_n3A_91 = arith.select %and3A_88, %sub3A_90, %div3A_69 : i32
    %jit3A_92 = arith.constant 32 : i32
    %eq3A_93 = arith.constant 0 : i32
    %eq3A_94 = arith.cmpi eq, %jit3A_92, %eq3A_93 : i32
    %jit3A_95 = arith.constant 1 : i32
    %select_n3A_96 = arith.select %eq3A_94, %jit3A_95, %jit3A_92 : i32
    %rem3A_97 = arith.remsi %add3A_67, %select_n3A_96 : i32
    %ne3A_98 = arith.constant 0 : i32
    %ne3A_99 = arith.cmpi ne, %rem3A_97, %ne3A_98 : i32
    %lt3A_100 = arith.constant 0 : i32
    %lt3A_101 = arith.cmpi slt, %rem3A_97, %lt3A_100 : i32
    %lt3A_102 = arith.constant 0 : i32
    %lt3A_103 = arith.cmpi slt, %select_n3A_96, %lt3A_102 : i32
    %ne3A_104 = arith.xori %lt3A_101, %lt3A_103 : i1
    %and3A_105 = arith.andi %ne3A_104, %ne3A_99 : i1
    %add3A_106 = arith.addi %rem3A_97, %select_n3A_96 : i32
    %select_n3A_107 = arith.select %and3A_105, %add3A_106, %rem3A_97 : i32
    %mul3A_108 = arith.constant 4 : i32
    %mul3A_109 = arith.muli %select_n3A_107, %mul3A_108 : i32
    %dma_wait3A_110 = arith.constant 0 : i32
    %dma_wait3A_111 = arith.constant 0 : i32
    %dma_wait3A_112 = arith.constant 0 : i32
    %dma_wait3A_113 = tpu.memref_slice %arg4[%select_n3A_91, %dma_wait3A_110, %mul3A_109, %dma_wait3A_111, %dma_wait3A_112] : memref<26x4x128x8x128xf32, #tpu.memory_space<hbm>> -> memref<1x4x4x8x128xf32, #tpu.memory_space<hbm>>
    %dma_wait3A_114 = tpu.memref_squeeze %dma_wait3A_113 : memref<1x4x4x8x128xf32, #tpu.memory_space<hbm>> -> memref<4x4x8x128xf32, #tpu.memory_space<hbm>>
    %dma_wait3A_115 = arith.constant 0 : i32
    %dma_wait3A_116 = arith.constant 0 : i32
    %dma_wait3A_117 = arith.constant 0 : i32
    %dma_wait3A_118 = tpu.memref_slice %arg4[%select_n3A_91, %dma_wait3A_115, %mul3A_109, %dma_wait3A_116, %dma_wait3A_117] : memref<26x4x128x8x128xf32, #tpu.memory_space<hbm>> -> memref<1x4x4x8x128xf32, #tpu.memory_space<hbm>>
    %dma_wait3A_119 = tpu.memref_squeeze %dma_wait3A_118 : memref<1x4x4x8x128xf32, #tpu.memory_space<hbm>> -> memref<4x4x8x128xf32, #tpu.memory_space<hbm>>
    tpu.wait_dma2 semaphore(%arg13 : memref<!tpu.dma_semaphore, #tpu.memory_space<semaphore_mem>>) src(%arg9 : memref<4x4x8x128xf32, #tpu.memory_space<vmem>>) dst(%dma_wait3A_119 : memref<4x4x8x128xf32, #tpu.memory_space<hbm>>)
    return
  }
}

#map = affine_map<(d0, d1) -> (0, 0)>
module attributes {stable_mosaic.version = 14 : i64} {
  func.func @k(%arg0: i32, %arg1: i32, %arg2: memref<32x1000000xf32, #tpu.memory_space<hbm>>, %arg3: memref<32x128xf32, #tpu.memory_space<hbm>>, %arg4: memref<250000x128xf32, #tpu.memory_space<hbm>>, %arg5: memref<32x512xf32, #tpu.memory_space<vmem>>, %arg6: memref<32x512xf32, #tpu.memory_space<vmem>>, %arg7: memref<128x128xf32, #tpu.memory_space<vmem>>, %arg8: memref<128x128xf32, #tpu.memory_space<vmem>>, %arg9: memref<!tpu.dma_semaphore, #tpu.memory_space<semaphore_mem>>, %arg10: memref<!tpu.dma_semaphore, #tpu.memory_space<semaphore_mem>>, %arg11: memref<!tpu.dma_semaphore, #tpu.memory_space<semaphore_mem>>, %arg12: memref<!tpu.dma_semaphore, #tpu.memory_space<semaphore_mem>>) attributes {dimension_semantics = [#tpu.dimension_semantics<core_parallel>, #tpu.dimension_semantics<subcore_parallel>], iteration_bounds = array<i64: 2, 16>, scalar_prefetch = 0 : i64, scratch_operands = 8 : i64, tpu.core_type = #tpu.core_type<sc_vector_subcore>, window_params = [{transform_indices = #map}, {transform_indices = #map}, {transform_indices = #map}]} {
    %mul3A = arith.constant 2 : i32
    %mul3A_0 = arith.muli %arg1, %mul3A : i32
    %add3A = arith.addi %mul3A_0, %arg0 : i32
    %lt3A = arith.constant 1953 : i32
    %lt3A_1 = arith.cmpi slt, %add3A, %lt3A : i32
    %convert_element_type3A = arith.extui %lt3A_1 : i1 to i32
    %cond3A = arith.constant 0 : i32
    %cond3A_2 = arith.cmpi ne, %convert_element_type3A, %cond3A : i32
    scf.if %cond3A_2 {
      %mul3A_23 = arith.constant 512 : i32
      %mul3A_24 = arith.muli %add3A, %mul3A_23 : i32
      %dma_start3A = arith.constant 0 : i32
      %dma_start3A_25 = tpu.memref_slice %arg2[%dma_start3A, %mul3A_24] : memref<32x1000000xf32, #tpu.memory_space<hbm>> -> memref<32x512xf32, #tpu.memory_space<hbm>>
      %dma_start3A_26 = arith.constant 0 : i32
      %dma_start3A_27 = tpu.memref_slice %arg2[%dma_start3A_26, %mul3A_24] : memref<32x1000000xf32, #tpu.memory_space<hbm>> -> memref<32x512xf32, #tpu.memory_space<hbm>>
      tpu.enqueue_dma source(%dma_start3A_27 : memref<32x512xf32, #tpu.memory_space<hbm>>) target(%arg5 : memref<32x512xf32, #tpu.memory_space<vmem>>) target_semaphore(%arg9 : memref<!tpu.dma_semaphore, #tpu.memory_space<semaphore_mem>>)
    } else {
    }
    %scan3A = arith.constant 0 : i32
    %scan3A_3 = arith.constant 0 : i32
    %scan3A_4 = arith.constant 31 : i32
    %scan3A_5 = arith.addi %scan3A_3, %scan3A_4 : i32
    %scan3A_6 = arith.constant 1 : i32
    scf.for %scan3A_23 = %scan3A_3 to %scan3A_5 step %scan3A_6  : i32 {
      %mul3A_24 = arith.constant 2 : i32
      %mul3A_25 = arith.muli %scan3A_23, %mul3A_24 : i32
      %add3A_26 = arith.constant 0 : i32
      %add3A_27 = arith.addi %mul3A_25, %add3A_26 : i32
      %mul3A_28 = arith.constant 32 : i32
      %mul3A_29 = arith.muli %mul3A_28, %add3A_27 : i32
      %add3A_30 = arith.addi %add3A, %mul3A_29 : i32
      %add3A_31 = arith.constant 32 : i32
      %add3A_32 = arith.addi %add3A_30, %add3A_31 : i32
      %lt3A_33 = arith.constant 1953 : i32
      %lt3A_34 = arith.cmpi slt, %add3A_30, %lt3A_33 : i32
      %convert_element_type3A_35 = arith.extui %lt3A_34 : i1 to i32
      %cond3A_36 = arith.constant 0 : i32
      %cond3A_37 = arith.cmpi ne, %convert_element_type3A_35, %cond3A_36 : i32
      scf.if %cond3A_37 {
        %mul3A_52 = arith.constant 512 : i32
        %mul3A_53 = arith.muli %add3A_30, %mul3A_52 : i32
        %dma_wait3A_54 = arith.constant 0 : i32
        %dma_wait3A_55 = tpu.memref_slice %arg2[%dma_wait3A_54, %mul3A_53] : memref<32x1000000xf32, #tpu.memory_space<hbm>> -> memref<32x512xf32, #tpu.memory_space<hbm>>
        %dma_wait3A_56 = arith.constant 0 : i32
        %dma_wait3A_57 = tpu.memref_slice %arg2[%dma_wait3A_56, %mul3A_53] : memref<32x1000000xf32, #tpu.memory_space<hbm>> -> memref<32x512xf32, #tpu.memory_space<hbm>>
        tpu.wait_dma2 semaphore(%arg9 : memref<!tpu.dma_semaphore, #tpu.memory_space<semaphore_mem>>) src(%dma_wait3A_57 : memref<32x512xf32, #tpu.memory_space<hbm>>) dst(%arg5 : memref<32x512xf32, #tpu.memory_space<vmem>>)
        %lt3A_58 = arith.constant 1953 : i32
        %lt3A_59 = arith.cmpi slt, %add3A_32, %lt3A_58 : i32
        %convert_element_type3A_60 = arith.extui %lt3A_59 : i1 to i32
        %cond3A_61 = arith.constant 0 : i32
        %cond3A_62 = arith.cmpi ne, %convert_element_type3A_60, %cond3A_61 : i32
        scf.if %cond3A_62 {
          %mul3A_78 = arith.constant 512 : i32
          %mul3A_79 = arith.muli %add3A_32, %mul3A_78 : i32
          %dma_start3A_80 = arith.constant 0 : i32
          %dma_start3A_81 = tpu.memref_slice %arg2[%dma_start3A_80, %mul3A_79] : memref<32x1000000xf32, #tpu.memory_space<hbm>> -> memref<32x512xf32, #tpu.memory_space<hbm>>
          %dma_start3A_82 = arith.constant 0 : i32
          %dma_start3A_83 = tpu.memref_slice %arg2[%dma_start3A_82, %mul3A_79] : memref<32x1000000xf32, #tpu.memory_space<hbm>> -> memref<32x512xf32, #tpu.memory_space<hbm>>
          tpu.enqueue_dma source(%dma_start3A_83 : memref<32x512xf32, #tpu.memory_space<hbm>>) target(%arg6 : memref<32x512xf32, #tpu.memory_space<vmem>>) target_semaphore(%arg10 : memref<!tpu.dma_semaphore, #tpu.memory_space<semaphore_mem>>)
        } else {
        }
        %ge3A = arith.constant 2 : i32
        %ge3A_63 = arith.cmpi sge, %add3A_27, %ge3A : i32
        %convert_element_type3A_64 = arith.extui %ge3A_63 : i1 to i32
        %cond3A_65 = arith.constant 0 : i32
        %cond3A_66 = arith.cmpi ne, %convert_element_type3A_64, %cond3A_65 : i32
        scf.if %cond3A_66 {
          %sub3A = arith.constant 64 : i32
          %sub3A_78 = arith.subi %add3A_30, %sub3A : i32
          %mul3A_79 = arith.constant 128 : i32
          %mul3A_80 = arith.muli %sub3A_78, %mul3A_79 : i32
          %dma_wait3A_81 = arith.constant 0 : i32
          %dma_wait3A_82 = tpu.memref_slice %arg4[%mul3A_80, %dma_wait3A_81] : memref<250000x128xf32, #tpu.memory_space<hbm>> -> memref<128x128xf32, #tpu.memory_space<hbm>>
          %dma_wait3A_83 = arith.constant 0 : i32
          %dma_wait3A_84 = tpu.memref_slice %arg4[%mul3A_80, %dma_wait3A_83] : memref<250000x128xf32, #tpu.memory_space<hbm>> -> memref<128x128xf32, #tpu.memory_space<hbm>>
          tpu.wait_dma2 semaphore(%arg11 : memref<!tpu.dma_semaphore, #tpu.memory_space<semaphore_mem>>) src(%arg7 : memref<128x128xf32, #tpu.memory_space<vmem>>) dst(%dma_wait3A_84 : memref<128x128xf32, #tpu.memory_space<hbm>>)
        } else {
        }
        %iota3A = tpu.iota {dimensions = array<i32: 0>} : vector<16xi32>
        %iota3A_67 = tpu.iota {dimensions = array<i32: 0>} : vector<16xi32>
        %add3A_68 = arith.constant 16 : i32
        %add3A_69 = vector.broadcast %add3A_68 : i32 to vector<16xi32>
        %add3A_70 = arith.addi %iota3A_67, %add3A_69 : vector<16xi32>
        %parallel_loop3A = arith.constant 0 : i32
        %parallel_loop3A_71 = arith.constant 512 : i32
        %parallel_loop3A_72 = arith.constant 1 : i32
        scf.for %parallel_loop3A_78 = %parallel_loop3A to %parallel_loop3A_71 step %parallel_loop3A_72  : i32 {
          %parallel_loop3A_79 = vector.broadcast %parallel_loop3A_78 : i32 to vector<16xi32>
          %parallel_loop3A_80 = arith.constant 2 : i32
          %parallel_loop3A_81 = arith.shrsi %parallel_loop3A_78, %parallel_loop3A_80 : i32
          %parallel_loop3A_82 = arith.constant 3 : i32
          %parallel_loop3A_83 = arith.andi %parallel_loop3A_78, %parallel_loop3A_82 : i32
          %parallel_loop3A_84 = arith.constant 32 : i32
          %parallel_loop3A_85 = arith.muli %parallel_loop3A_83, %parallel_loop3A_84 : i32
          %parallel_loop3A_86 = tpu.vector_load_idx %arg5[%iota3A, %parallel_loop3A_79] : memref<32x512xf32, #tpu.memory_space<vmem>>[vector<16xi32>, vector<16xi32>], vector<16xf32>,
          %parallel_loop3A_87 = arith.constant 0 : i32
          %parallel_loop3A_88 = arith.addi %parallel_loop3A_85, %parallel_loop3A_87 : i32
          %parallel_loop3A_89 = arith.index_cast %parallel_loop3A_81 : i32 to index
          %parallel_loop3A_90 = arith.index_cast %parallel_loop3A_88 : i32 to index
          %parallel_loop3A_91 = tpu.vector_load %arg7[%parallel_loop3A_89, %parallel_loop3A_90] {strides = array<i32>} : memref<128x128xf32, #tpu.memory_space<vmem>>, vector<16xf32>,
          tpu.vector_store %arg7[%parallel_loop3A_89, %parallel_loop3A_90], %parallel_loop3A_86 {strides = array<i32>} : memref<128x128xf32, #tpu.memory_space<vmem>>, vector<16xf32>,
          %parallel_loop3A_92 = tpu.vector_load_idx %arg5[%add3A_70, %parallel_loop3A_79] : memref<32x512xf32, #tpu.memory_space<vmem>>[vector<16xi32>, vector<16xi32>], vector<16xf32>,
          %parallel_loop3A_93 = arith.constant 16 : i32
          %parallel_loop3A_94 = arith.addi %parallel_loop3A_85, %parallel_loop3A_93 : i32
          %parallel_loop3A_95 = arith.index_cast %parallel_loop3A_81 : i32 to index
          %parallel_loop3A_96 = arith.index_cast %parallel_loop3A_94 : i32 to index
          %parallel_loop3A_97 = tpu.vector_load %arg7[%parallel_loop3A_95, %parallel_loop3A_96] {strides = array<i32>} : memref<128x128xf32, #tpu.memory_space<vmem>>, vector<16xf32>,
          tpu.vector_store %arg7[%parallel_loop3A_95, %parallel_loop3A_96], %parallel_loop3A_92 {strides = array<i32>} : memref<128x128xf32, #tpu.memory_space<vmem>>, vector<16xf32>,
        } {sc.loop_unroll_factor = 8 : i64, sc.parallel_access}
        %mul3A_73 = arith.constant 128 : i32
        %mul3A_74 = arith.muli %add3A_30, %mul3A_73 : i32
        %dma_start3A = arith.constant 0 : i32
        %dma_start3A_75 = tpu.memref_slice %arg4[%mul3A_74, %dma_start3A] : memref<250000x128xf32, #tpu.memory_space<hbm>> -> memref<128x128xf32, #tpu.memory_space<hbm>>
        %dma_start3A_76 = arith.constant 0 : i32
        %dma_start3A_77 = tpu.memref_slice %arg4[%mul3A_74, %dma_start3A_76] : memref<250000x128xf32, #tpu.memory_space<hbm>> -> memref<128x128xf32, #tpu.memory_space<hbm>>
        tpu.enqueue_dma source(%arg7 : memref<128x128xf32, #tpu.memory_space<vmem>>) target(%dma_start3A_77 : memref<128x128xf32, #tpu.memory_space<hbm>>) target_semaphore(%arg11 : memref<!tpu.dma_semaphore, #tpu.memory_space<semaphore_mem>>)
      } else {
      }
      %mul3A_38 = arith.constant 2 : i32
      %mul3A_39 = arith.muli %scan3A_23, %mul3A_38 : i32
      %add3A_40 = arith.constant 1 : i32
      %add3A_41 = arith.addi %mul3A_39, %add3A_40 : i32
      %mul3A_42 = arith.constant 32 : i32
      %mul3A_43 = arith.muli %mul3A_42, %add3A_41 : i32
      %add3A_44 = arith.addi %add3A, %mul3A_43 : i32
      %add3A_45 = arith.constant 32 : i32
      %add3A_46 = arith.addi %add3A_44, %add3A_45 : i32
      %lt3A_47 = arith.constant 1953 : i32
      %lt3A_48 = arith.cmpi slt, %add3A_44, %lt3A_47 : i32
      %convert_element_type3A_49 = arith.extui %lt3A_48 : i1 to i32
      %cond3A_50 = arith.constant 0 : i32
      %cond3A_51 = arith.cmpi ne, %convert_element_type3A_49, %cond3A_50 : i32
      scf.if %cond3A_51 {
        %mul3A_52 = arith.constant 512 : i32
        %mul3A_53 = arith.muli %add3A_44, %mul3A_52 : i32
        %dma_wait3A_54 = arith.constant 0 : i32
        %dma_wait3A_55 = tpu.memref_slice %arg2[%dma_wait3A_54, %mul3A_53] : memref<32x1000000xf32, #tpu.memory_space<hbm>> -> memref<32x512xf32, #tpu.memory_space<hbm>>
        %dma_wait3A_56 = arith.constant 0 : i32
        %dma_wait3A_57 = tpu.memref_slice %arg2[%dma_wait3A_56, %mul3A_53] : memref<32x1000000xf32, #tpu.memory_space<hbm>> -> memref<32x512xf32, #tpu.memory_space<hbm>>
        tpu.wait_dma2 semaphore(%arg10 : memref<!tpu.dma_semaphore, #tpu.memory_space<semaphore_mem>>) src(%dma_wait3A_57 : memref<32x512xf32, #tpu.memory_space<hbm>>) dst(%arg6 : memref<32x512xf32, #tpu.memory_space<vmem>>)
        %lt3A_58 = arith.constant 1953 : i32
        %lt3A_59 = arith.cmpi slt, %add3A_46, %lt3A_58 : i32
        %convert_element_type3A_60 = arith.extui %lt3A_59 : i1 to i32
        %cond3A_61 = arith.constant 0 : i32
        %cond3A_62 = arith.cmpi ne, %convert_element_type3A_60, %cond3A_61 : i32
        scf.if %cond3A_62 {
          %mul3A_78 = arith.constant 512 : i32
          %mul3A_79 = arith.muli %add3A_46, %mul3A_78 : i32
          %dma_start3A_80 = arith.constant 0 : i32
          %dma_start3A_81 = tpu.memref_slice %arg2[%dma_start3A_80, %mul3A_79] : memref<32x1000000xf32, #tpu.memory_space<hbm>> -> memref<32x512xf32, #tpu.memory_space<hbm>>
          %dma_start3A_82 = arith.constant 0 : i32
          %dma_start3A_83 = tpu.memref_slice %arg2[%dma_start3A_82, %mul3A_79] : memref<32x1000000xf32, #tpu.memory_space<hbm>> -> memref<32x512xf32, #tpu.memory_space<hbm>>
          tpu.enqueue_dma source(%dma_start3A_83 : memref<32x512xf32, #tpu.memory_space<hbm>>) target(%arg5 : memref<32x512xf32, #tpu.memory_space<vmem>>) target_semaphore(%arg9 : memref<!tpu.dma_semaphore, #tpu.memory_space<semaphore_mem>>)
        } else {
        }
        %ge3A = arith.constant 2 : i32
        %ge3A_63 = arith.cmpi sge, %add3A_41, %ge3A : i32
        %convert_element_type3A_64 = arith.extui %ge3A_63 : i1 to i32
        %cond3A_65 = arith.constant 0 : i32
        %cond3A_66 = arith.cmpi ne, %convert_element_type3A_64, %cond3A_65 : i32
        scf.if %cond3A_66 {
          %sub3A = arith.constant 64 : i32
          %sub3A_78 = arith.subi %add3A_44, %sub3A : i32
          %mul3A_79 = arith.constant 128 : i32
          %mul3A_80 = arith.muli %sub3A_78, %mul3A_79 : i32
          %dma_wait3A_81 = arith.constant 0 : i32
          %dma_wait3A_82 = tpu.memref_slice %arg4[%mul3A_80, %dma_wait3A_81] : memref<250000x128xf32, #tpu.memory_space<hbm>> -> memref<128x128xf32, #tpu.memory_space<hbm>>
          %dma_wait3A_83 = arith.constant 0 : i32
          %dma_wait3A_84 = tpu.memref_slice %arg4[%mul3A_80, %dma_wait3A_83] : memref<250000x128xf32, #tpu.memory_space<hbm>> -> memref<128x128xf32, #tpu.memory_space<hbm>>
          tpu.wait_dma2 semaphore(%arg12 : memref<!tpu.dma_semaphore, #tpu.memory_space<semaphore_mem>>) src(%arg8 : memref<128x128xf32, #tpu.memory_space<vmem>>) dst(%dma_wait3A_84 : memref<128x128xf32, #tpu.memory_space<hbm>>)
        } else {
        }
        %iota3A = tpu.iota {dimensions = array<i32: 0>} : vector<16xi32>
        %iota3A_67 = tpu.iota {dimensions = array<i32: 0>} : vector<16xi32>
        %add3A_68 = arith.constant 16 : i32
        %add3A_69 = vector.broadcast %add3A_68 : i32 to vector<16xi32>
        %add3A_70 = arith.addi %iota3A_67, %add3A_69 : vector<16xi32>
        %parallel_loop3A = arith.constant 0 : i32
        %parallel_loop3A_71 = arith.constant 512 : i32
        %parallel_loop3A_72 = arith.constant 1 : i32
        scf.for %parallel_loop3A_78 = %parallel_loop3A to %parallel_loop3A_71 step %parallel_loop3A_72  : i32 {
          %parallel_loop3A_79 = vector.broadcast %parallel_loop3A_78 : i32 to vector<16xi32>
          %parallel_loop3A_80 = arith.constant 2 : i32
          %parallel_loop3A_81 = arith.shrsi %parallel_loop3A_78, %parallel_loop3A_80 : i32
          %parallel_loop3A_82 = arith.constant 3 : i32
          %parallel_loop3A_83 = arith.andi %parallel_loop3A_78, %parallel_loop3A_82 : i32
          %parallel_loop3A_84 = arith.constant 32 : i32
          %parallel_loop3A_85 = arith.muli %parallel_loop3A_83, %parallel_loop3A_84 : i32
          %parallel_loop3A_86 = tpu.vector_load_idx %arg6[%iota3A, %parallel_loop3A_79] : memref<32x512xf32, #tpu.memory_space<vmem>>[vector<16xi32>, vector<16xi32>], vector<16xf32>,
          %parallel_loop3A_87 = arith.constant 0 : i32
          %parallel_loop3A_88 = arith.addi %parallel_loop3A_85, %parallel_loop3A_87 : i32
          %parallel_loop3A_89 = arith.index_cast %parallel_loop3A_81 : i32 to index
          %parallel_loop3A_90 = arith.index_cast %parallel_loop3A_88 : i32 to index
          %parallel_loop3A_91 = tpu.vector_load %arg8[%parallel_loop3A_89, %parallel_loop3A_90] {strides = array<i32>} : memref<128x128xf32, #tpu.memory_space<vmem>>, vector<16xf32>,
          tpu.vector_store %arg8[%parallel_loop3A_89, %parallel_loop3A_90], %parallel_loop3A_86 {strides = array<i32>} : memref<128x128xf32, #tpu.memory_space<vmem>>, vector<16xf32>,
          %parallel_loop3A_92 = tpu.vector_load_idx %arg6[%add3A_70, %parallel_loop3A_79] : memref<32x512xf32, #tpu.memory_space<vmem>>[vector<16xi32>, vector<16xi32>], vector<16xf32>,
          %parallel_loop3A_93 = arith.constant 16 : i32
          %parallel_loop3A_94 = arith.addi %parallel_loop3A_85, %parallel_loop3A_93 : i32
          %parallel_loop3A_95 = arith.index_cast %parallel_loop3A_81 : i32 to index
          %parallel_loop3A_96 = arith.index_cast %parallel_loop3A_94 : i32 to index
          %parallel_loop3A_97 = tpu.vector_load %arg8[%parallel_loop3A_95, %parallel_loop3A_96] {strides = array<i32>} : memref<128x128xf32, #tpu.memory_space<vmem>>, vector<16xf32>,
          tpu.vector_store %arg8[%parallel_loop3A_95, %parallel_loop3A_96], %parallel_loop3A_92 {strides = array<i32>} : memref<128x128xf32, #tpu.memory_space<vmem>>, vector<16xf32>,
        } {sc.loop_unroll_factor = 8 : i64, sc.parallel_access}
        %mul3A_73 = arith.constant 128 : i32
        %mul3A_74 = arith.muli %add3A_44, %mul3A_73 : i32
        %dma_start3A = arith.constant 0 : i32
        %dma_start3A_75 = tpu.memref_slice %arg4[%mul3A_74, %dma_start3A] : memref<250000x128xf32, #tpu.memory_space<hbm>> -> memref<128x128xf32, #tpu.memory_space<hbm>>
        %dma_start3A_76 = arith.constant 0 : i32
        %dma_start3A_77 = tpu.memref_slice %arg4[%mul3A_74, %dma_start3A_76] : memref<250000x128xf32, #tpu.memory_space<hbm>> -> memref<128x128xf32, #tpu.memory_space<hbm>>
        tpu.enqueue_dma source(%arg8 : memref<128x128xf32, #tpu.memory_space<vmem>>) target(%dma_start3A_77 : memref<128x128xf32, #tpu.memory_space<hbm>>) target_semaphore(%arg12 : memref<!tpu.dma_semaphore, #tpu.memory_space<semaphore_mem>>)
      } else {
      }
    }
    %scan3A_7 = arith.constant 31 : i32
    %mul3A_8 = arith.constant 128 : i32
    %mul3A_9 = arith.muli %add3A, %mul3A_8 : i32
    %dma_wait3A = arith.constant 0 : i32
    %dma_wait3A_10 = tpu.memref_slice %arg4[%mul3A_9, %dma_wait3A] : memref<250000x128xf32, #tpu.memory_space<hbm>> -> memref<128x128xf32, #tpu.memory_space<hbm>>
    %dma_wait3A_11 = arith.constant 0 : i32
    %dma_wait3A_12 = tpu.memref_slice %arg4[%mul3A_9, %dma_wait3A_11] : memref<250000x128xf32, #tpu.memory_space<hbm>> -> memref<128x128xf32, #tpu.memory_space<hbm>>
    tpu.wait_dma2 semaphore(%arg11 : memref<!tpu.dma_semaphore, #tpu.memory_space<semaphore_mem>>) src(%arg7 : memref<128x128xf32, #tpu.memory_space<vmem>>) dst(%dma_wait3A_12 : memref<128x128xf32, #tpu.memory_space<hbm>>)
    %mul3A_13 = arith.constant 128 : i32
    %mul3A_14 = arith.muli %add3A, %mul3A_13 : i32
    %dma_wait3A_15 = arith.constant 0 : i32
    %dma_wait3A_16 = tpu.memref_slice %arg4[%mul3A_14, %dma_wait3A_15] : memref<250000x128xf32, #tpu.memory_space<hbm>> -> memref<128x128xf32, #tpu.memory_space<hbm>>
    %dma_wait3A_17 = arith.constant 0 : i32
    %dma_wait3A_18 = tpu.memref_slice %arg4[%mul3A_14, %dma_wait3A_17] : memref<250000x128xf32, #tpu.memory_space<hbm>> -> memref<128x128xf32, #tpu.memory_space<hbm>>
    tpu.wait_dma2 semaphore(%arg12 : memref<!tpu.dma_semaphore, #tpu.memory_space<semaphore_mem>>) src(%arg8 : memref<128x128xf32, #tpu.memory_space<vmem>>) dst(%dma_wait3A_18 : memref<128x128xf32, #tpu.memory_space<hbm>>)
    %eq3A = arith.constant 0 : i32
    %eq3A_19 = arith.cmpi eq, %add3A, %eq3A : i32
    %convert_element_type3A_20 = arith.extui %eq3A_19 : i1 to i32
    %cond3A_21 = arith.constant 0 : i32
    %cond3A_22 = arith.cmpi ne, %convert_element_type3A_20, %cond3A_21 : i32
    scf.if %cond3A_22 {
      "tpu.region"() ({
        %run_scoped3A = tpu.sem_alloc : memref<!tpu.dma_semaphore, #tpu.memory_space<semaphore_mem>>
        %dma_start3A = arith.constant 0 : i32
        %dma_start3A_29 = arith.constant 0 : i32
        %dma_start3A_30 = tpu.memref_slice %arg5[%dma_start3A, %dma_start3A_29] : memref<32x512xf32, #tpu.memory_space<vmem>> -> memref<32x128xf32, #tpu.memory_space<vmem>>
        %dma_start3A_31 = arith.constant 0 : i32
        %dma_start3A_32 = arith.constant 0 : i32
        %dma_start3A_33 = tpu.memref_slice %arg5[%dma_start3A_31, %dma_start3A_32] : memref<32x512xf32, #tpu.memory_space<vmem>> -> memref<32x128xf32, #tpu.memory_space<vmem>>
        tpu.enqueue_dma source(%arg3 : memref<32x128xf32, #tpu.memory_space<hbm>>) target(%dma_start3A_33 : memref<32x128xf32, #tpu.memory_space<vmem>>) target_semaphore(%run_scoped3A : memref<!tpu.dma_semaphore, #tpu.memory_space<semaphore_mem>>)
        %dma_wait3A_34 = arith.constant 0 : i32
        %dma_wait3A_35 = arith.constant 0 : i32
        %dma_wait3A_36 = tpu.memref_slice %arg5[%dma_wait3A_34, %dma_wait3A_35] : memref<32x512xf32, #tpu.memory_space<vmem>> -> memref<32x128xf32, #tpu.memory_space<vmem>>
        %dma_wait3A_37 = arith.constant 0 : i32
        %dma_wait3A_38 = arith.constant 0 : i32
        %dma_wait3A_39 = tpu.memref_slice %arg5[%dma_wait3A_37, %dma_wait3A_38] : memref<32x512xf32, #tpu.memory_space<vmem>> -> memref<32x128xf32, #tpu.memory_space<vmem>>
        tpu.wait_dma2 semaphore(%run_scoped3A : memref<!tpu.dma_semaphore, #tpu.memory_space<semaphore_mem>>) src(%arg3 : memref<32x128xf32, #tpu.memory_space<hbm>>) dst(%dma_wait3A_39 : memref<32x128xf32, #tpu.memory_space<vmem>>)
        tpu.yield
      }) : () -> ()
      %scan3A_23 = arith.constant 0 : i32
      %scan3A_24 = arith.constant 0 : i32
      %scan3A_25 = arith.constant 16 : i32
      %scan3A_26 = arith.addi %scan3A_24, %scan3A_25 : i32
      %scan3A_27 = arith.constant 1 : i32
      scf.for %scan3A_29 = %scan3A_24 to %scan3A_26 step %scan3A_27  : i32 {
        %iota3A = tpu.iota {dimensions = array<i32: 0>} : vector<16xi32>
        %add3A_30 = arith.constant 0 : i32
        %add3A_31 = vector.broadcast %add3A_30 : i32 to vector<16xi32>
        %add3A_32 = arith.addi %iota3A, %add3A_31 : vector<16xi32>
        %mul3A_33 = arith.constant 4 : i32
        %mul3A_34 = arith.muli %mul3A_33, %scan3A_29 : i32
        %add3A_35 = arith.constant 0 : i32
        %add3A_36 = arith.addi %mul3A_34, %add3A_35 : i32
        %broadcast_in_dim3A = vector.broadcast %add3A_36 : i32 to vector<16xi32>
        %gather3A = tpu.vector_load_idx %arg5[%add3A_32, %broadcast_in_dim3A] : memref<32x512xf32, #tpu.memory_space<vmem>>[vector<16xi32>, vector<16xi32>], vector<16xf32>,
        %swap3A = arith.index_cast %scan3A_29 : i32 to index
        %swap3A_37 = arith.constant 0 : index
        %swap3A_38 = tpu.vector_load %arg7[%swap3A, %swap3A_37] {strides = array<i32>} : memref<128x128xf32, #tpu.memory_space<vmem>>, vector<16xf32>,
        tpu.vector_store %arg7[%swap3A, %swap3A_37], %gather3A {strides = array<i32>} : memref<128x128xf32, #tpu.memory_space<vmem>>, vector<16xf32>,
        %iota3A_39 = tpu.iota {dimensions = array<i32: 0>} : vector<16xi32>
        %add3A_40 = arith.constant 16 : i32
        %add3A_41 = vector.broadcast %add3A_40 : i32 to vector<16xi32>
        %add3A_42 = arith.addi %iota3A_39, %add3A_41 : vector<16xi32>
        %mul3A_43 = arith.constant 4 : i32
        %mul3A_44 = arith.muli %mul3A_43, %scan3A_29 : i32
        %add3A_45 = arith.constant 0 : i32
        %add3A_46 = arith.addi %mul3A_44, %add3A_45 : i32
        %broadcast_in_dim3A_47 = vector.broadcast %add3A_46 : i32 to vector<16xi32>
        %gather3A_48 = tpu.vector_load_idx %arg5[%add3A_42, %broadcast_in_dim3A_47] : memref<32x512xf32, #tpu.memory_space<vmem>>[vector<16xi32>, vector<16xi32>], vector<16xf32>,
        %swap3A_49 = arith.index_cast %scan3A_29 : i32 to index
        %swap3A_50 = arith.constant 16 : index
        %swap3A_51 = tpu.vector_load %arg7[%swap3A_49, %swap3A_50] {strides = array<i32>} : memref<128x128xf32, #tpu.memory_space<vmem>>, vector<16xf32>,
        tpu.vector_store %arg7[%swap3A_49, %swap3A_50], %gather3A_48 {strides = array<i32>} : memref<128x128xf32, #tpu.memory_space<vmem>>, vector<16xf32>,
        %iota3A_52 = tpu.iota {dimensions = array<i32: 0>} : vector<16xi32>
        %add3A_53 = arith.constant 0 : i32
        %add3A_54 = vector.broadcast %add3A_53 : i32 to vector<16xi32>
        %add3A_55 = arith.addi %iota3A_52, %add3A_54 : vector<16xi32>
        %mul3A_56 = arith.constant 4 : i32
        %mul3A_57 = arith.muli %mul3A_56, %scan3A_29 : i32
        %add3A_58 = arith.constant 1 : i32
        %add3A_59 = arith.addi %mul3A_57, %add3A_58 : i32
        %broadcast_in_dim3A_60 = vector.broadcast %add3A_59 : i32 to vector<16xi32>
        %gather3A_61 = tpu.vector_load_idx %arg5[%add3A_55, %broadcast_in_dim3A_60] : memref<32x512xf32, #tpu.memory_space<vmem>>[vector<16xi32>, vector<16xi32>], vector<16xf32>,
        %swap3A_62 = arith.index_cast %scan3A_29 : i32 to index
        %swap3A_63 = arith.constant 32 : index
        %swap3A_64 = tpu.vector_load %arg7[%swap3A_62, %swap3A_63] {strides = array<i32>} : memref<128x128xf32, #tpu.memory_space<vmem>>, vector<16xf32>,
        tpu.vector_store %arg7[%swap3A_62, %swap3A_63], %gather3A_61 {strides = array<i32>} : memref<128x128xf32, #tpu.memory_space<vmem>>, vector<16xf32>,
        %iota3A_65 = tpu.iota {dimensions = array<i32: 0>} : vector<16xi32>
        %add3A_66 = arith.constant 16 : i32
        %add3A_67 = vector.broadcast %add3A_66 : i32 to vector<16xi32>
        %add3A_68 = arith.addi %iota3A_65, %add3A_67 : vector<16xi32>
        %mul3A_69 = arith.constant 4 : i32
        %mul3A_70 = arith.muli %mul3A_69, %scan3A_29 : i32
        %add3A_71 = arith.constant 1 : i32
        %add3A_72 = arith.addi %mul3A_70, %add3A_71 : i32
        %broadcast_in_dim3A_73 = vector.broadcast %add3A_72 : i32 to vector<16xi32>
        %gather3A_74 = tpu.vector_load_idx %arg5[%add3A_68, %broadcast_in_dim3A_73] : memref<32x512xf32, #tpu.memory_space<vmem>>[vector<16xi32>, vector<16xi32>], vector<16xf32>,
        %swap3A_75 = arith.index_cast %scan3A_29 : i32 to index
        %swap3A_76 = arith.constant 48 : index
        %swap3A_77 = tpu.vector_load %arg7[%swap3A_75, %swap3A_76] {strides = array<i32>} : memref<128x128xf32, #tpu.memory_space<vmem>>, vector<16xf32>,
        tpu.vector_store %arg7[%swap3A_75, %swap3A_76], %gather3A_74 {strides = array<i32>} : memref<128x128xf32, #tpu.memory_space<vmem>>, vector<16xf32>,
        %iota3A_78 = tpu.iota {dimensions = array<i32: 0>} : vector<16xi32>
        %add3A_79 = arith.constant 0 : i32
        %add3A_80 = vector.broadcast %add3A_79 : i32 to vector<16xi32>
        %add3A_81 = arith.addi %iota3A_78, %add3A_80 : vector<16xi32>
        %mul3A_82 = arith.constant 4 : i32
        %mul3A_83 = arith.muli %mul3A_82, %scan3A_29 : i32
        %add3A_84 = arith.constant 2 : i32
        %add3A_85 = arith.addi %mul3A_83, %add3A_84 : i32
        %broadcast_in_dim3A_86 = vector.broadcast %add3A_85 : i32 to vector<16xi32>
        %gather3A_87 = tpu.vector_load_idx %arg5[%add3A_81, %broadcast_in_dim3A_86] : memref<32x512xf32, #tpu.memory_space<vmem>>[vector<16xi32>, vector<16xi32>], vector<16xf32>,
        %swap3A_88 = arith.index_cast %scan3A_29 : i32 to index
        %swap3A_89 = arith.constant 64 : index
        %swap3A_90 = tpu.vector_load %arg7[%swap3A_88, %swap3A_89] {strides = array<i32>} : memref<128x128xf32, #tpu.memory_space<vmem>>, vector<16xf32>,
        tpu.vector_store %arg7[%swap3A_88, %swap3A_89], %gather3A_87 {strides = array<i32>} : memref<128x128xf32, #tpu.memory_space<vmem>>, vector<16xf32>,
        %iota3A_91 = tpu.iota {dimensions = array<i32: 0>} : vector<16xi32>
        %add3A_92 = arith.constant 16 : i32
        %add3A_93 = vector.broadcast %add3A_92 : i32 to vector<16xi32>
        %add3A_94 = arith.addi %iota3A_91, %add3A_93 : vector<16xi32>
        %mul3A_95 = arith.constant 4 : i32
        %mul3A_96 = arith.muli %mul3A_95, %scan3A_29 : i32
        %add3A_97 = arith.constant 2 : i32
        %add3A_98 = arith.addi %mul3A_96, %add3A_97 : i32
        %broadcast_in_dim3A_99 = vector.broadcast %add3A_98 : i32 to vector<16xi32>
        %gather3A_100 = tpu.vector_load_idx %arg5[%add3A_94, %broadcast_in_dim3A_99] : memref<32x512xf32, #tpu.memory_space<vmem>>[vector<16xi32>, vector<16xi32>], vector<16xf32>,
        %swap3A_101 = arith.index_cast %scan3A_29 : i32 to index
        %swap3A_102 = arith.constant 80 : index
        %swap3A_103 = tpu.vector_load %arg7[%swap3A_101, %swap3A_102] {strides = array<i32>} : memref<128x128xf32, #tpu.memory_space<vmem>>, vector<16xf32>,
        tpu.vector_store %arg7[%swap3A_101, %swap3A_102], %gather3A_100 {strides = array<i32>} : memref<128x128xf32, #tpu.memory_space<vmem>>, vector<16xf32>,
        %iota3A_104 = tpu.iota {dimensions = array<i32: 0>} : vector<16xi32>
        %add3A_105 = arith.constant 0 : i32
        %add3A_106 = vector.broadcast %add3A_105 : i32 to vector<16xi32>
        %add3A_107 = arith.addi %iota3A_104, %add3A_106 : vector<16xi32>
        %mul3A_108 = arith.constant 4 : i32
        %mul3A_109 = arith.muli %mul3A_108, %scan3A_29 : i32
        %add3A_110 = arith.constant 3 : i32
        %add3A_111 = arith.addi %mul3A_109, %add3A_110 : i32
        %broadcast_in_dim3A_112 = vector.broadcast %add3A_111 : i32 to vector<16xi32>
        %gather3A_113 = tpu.vector_load_idx %arg5[%add3A_107, %broadcast_in_dim3A_112] : memref<32x512xf32, #tpu.memory_space<vmem>>[vector<16xi32>, vector<16xi32>], vector<16xf32>,
        %swap3A_114 = arith.index_cast %scan3A_29 : i32 to index
        %swap3A_115 = arith.constant 96 : index
        %swap3A_116 = tpu.vector_load %arg7[%swap3A_114, %swap3A_115] {strides = array<i32>} : memref<128x128xf32, #tpu.memory_space<vmem>>, vector<16xf32>,
        tpu.vector_store %arg7[%swap3A_114, %swap3A_115], %gather3A_113 {strides = array<i32>} : memref<128x128xf32, #tpu.memory_space<vmem>>, vector<16xf32>,
        %iota3A_117 = tpu.iota {dimensions = array<i32: 0>} : vector<16xi32>
        %add3A_118 = arith.constant 16 : i32
        %add3A_119 = vector.broadcast %add3A_118 : i32 to vector<16xi32>
        %add3A_120 = arith.addi %iota3A_117, %add3A_119 : vector<16xi32>
        %mul3A_121 = arith.constant 4 : i32
        %mul3A_122 = arith.muli %mul3A_121, %scan3A_29 : i32
        %add3A_123 = arith.constant 3 : i32
        %add3A_124 = arith.addi %mul3A_122, %add3A_123 : i32
        %broadcast_in_dim3A_125 = vector.broadcast %add3A_124 : i32 to vector<16xi32>
        %gather3A_126 = tpu.vector_load_idx %arg5[%add3A_120, %broadcast_in_dim3A_125] : memref<32x512xf32, #tpu.memory_space<vmem>>[vector<16xi32>, vector<16xi32>], vector<16xf32>,
        %swap3A_127 = arith.index_cast %scan3A_29 : i32 to index
        %swap3A_128 = arith.constant 112 : index
        %swap3A_129 = tpu.vector_load %arg7[%swap3A_127, %swap3A_128] {strides = array<i32>} : memref<128x128xf32, #tpu.memory_space<vmem>>, vector<16xf32>,
        tpu.vector_store %arg7[%swap3A_127, %swap3A_128], %gather3A_126 {strides = array<i32>} : memref<128x128xf32, #tpu.memory_space<vmem>>, vector<16xf32>,
      }
      %scan3A_28 = arith.constant 16 : i32
      "tpu.region"() ({
        %run_scoped3A = tpu.sem_alloc : memref<!tpu.dma_semaphore, #tpu.memory_space<semaphore_mem>>
        %dma_start3A = arith.constant 0 : i32
        %dma_start3A_29 = arith.constant 0 : i32
        %dma_start3A_30 = tpu.memref_slice %arg7[%dma_start3A, %dma_start3A_29] : memref<128x128xf32, #tpu.memory_space<vmem>> -> memref<16x128xf32, #tpu.memory_space<vmem>>
        %dma_start3A_31 = arith.constant 249984 : i32
        %dma_start3A_32 = arith.constant 0 : i32
        %dma_start3A_33 = tpu.memref_slice %arg4[%dma_start3A_31, %dma_start3A_32] : memref<250000x128xf32, #tpu.memory_space<hbm>> -> memref<16x128xf32, #tpu.memory_space<hbm>>
        %dma_start3A_34 = arith.constant 249984 : i32
        %dma_start3A_35 = arith.constant 0 : i32
        %dma_start3A_36 = tpu.memref_slice %arg4[%dma_start3A_34, %dma_start3A_35] : memref<250000x128xf32, #tpu.memory_space<hbm>> -> memref<16x128xf32, #tpu.memory_space<hbm>>
        %dma_start3A_37 = arith.constant 0 : i32
        %dma_start3A_38 = arith.constant 0 : i32
        %dma_start3A_39 = tpu.memref_slice %arg7[%dma_start3A_37, %dma_start3A_38] : memref<128x128xf32, #tpu.memory_space<vmem>> -> memref<16x128xf32, #tpu.memory_space<vmem>>
        tpu.enqueue_dma source(%dma_start3A_39 : memref<16x128xf32, #tpu.memory_space<vmem>>) target(%dma_start3A_36 : memref<16x128xf32, #tpu.memory_space<hbm>>) target_semaphore(%run_scoped3A : memref<!tpu.dma_semaphore, #tpu.memory_space<semaphore_mem>>)
        %dma_wait3A_40 = arith.constant 0 : i32
        %dma_wait3A_41 = arith.constant 0 : i32
        %dma_wait3A_42 = tpu.memref_slice %arg7[%dma_wait3A_40, %dma_wait3A_41] : memref<128x128xf32, #tpu.memory_space<vmem>> -> memref<16x128xf32, #tpu.memory_space<vmem>>
        %dma_wait3A_43 = arith.constant 249984 : i32
        %dma_wait3A_44 = arith.constant 0 : i32
        %dma_wait3A_45 = tpu.memref_slice %arg4[%dma_wait3A_43, %dma_wait3A_44] : memref<250000x128xf32, #tpu.memory_space<hbm>> -> memref<16x128xf32, #tpu.memory_space<hbm>>
        %dma_wait3A_46 = arith.constant 249984 : i32
        %dma_wait3A_47 = arith.constant 0 : i32
        %dma_wait3A_48 = tpu.memref_slice %arg4[%dma_wait3A_46, %dma_wait3A_47] : memref<250000x128xf32, #tpu.memory_space<hbm>> -> memref<16x128xf32, #tpu.memory_space<hbm>>
        %dma_wait3A_49 = arith.constant 0 : i32
        %dma_wait3A_50 = arith.constant 0 : i32
        %dma_wait3A_51 = tpu.memref_slice %arg7[%dma_wait3A_49, %dma_wait3A_50] : memref<128x128xf32, #tpu.memory_space<vmem>> -> memref<16x128xf32, #tpu.memory_space<vmem>>
        tpu.wait_dma2 semaphore(%run_scoped3A : memref<!tpu.dma_semaphore, #tpu.memory_space<semaphore_mem>>) src(%dma_wait3A_51 : memref<16x128xf32, #tpu.memory_space<vmem>>) dst(%dma_wait3A_48 : memref<16x128xf32, #tpu.memory_space<hbm>>)
        tpu.yield
      }) : () -> ()
    } else {
    }
    return
  }
}

</mosaic_0001>

<sc_bundles>
// kernel: kernel.4.cloned.1.call-start
scs
__scs_entry_jumppad:
0x0: {  	(pc) =	sbr.rel $0x88, $3  }
0x1: {  	(tag) =	ssettag $0x0;
	lr =	simm.s32 $0x1  }
0x2: {  	[smem:$0x3F9F] =	sst lr;
	_ =	strace $0xD0000000  }
0x3: {  	_ = 	snop  }
0x4: {  	_ = 	snop  }
0x5: {  	_ = 	snop  }
0x6: {  	_ = 	snop  }
0x7: {  	_ = 	snop  }
__scs_overlays_trampoline_lowered:
0x8: {  	[smem:$0x3FAE] =	sst s0  }
0x9: {  	[smem:$0x3FAF] =	sst s1  }
0xa: {  	[smem:$0x3FB0] =	sst s2  }
0xb: {  	[smem:$0x3FB1] =	sst s3  }
0xc: {  	[smem:$0x3FB2] =	sst s4  }
0xd: {  	[smem:$0x3FB3] =	sst s5  }
0xe: {  	[smem:$0x3FB4] =	sst s6  }
0xf: {  	[smem:$0x3FB5] =	sst s7  }
0x10: {  	[smem:$0x3FB6] =	sst s8  }
0x11: {  	[smem:$0x3FB7] =	sst s9;
	s0 =	simm.s32 @!p0 $0x0  }
0x12: {  	s1 =	sld [smem:$0x3F9D];
	s0 =	simm.s32 @p0 $0x1  }
0x13: {  	[smem:$0x3FB8] =	sst s0;
	s0 =	simm.s32 @!p1 $0x0  }
0x14: {  	s2 =	sld [smem:$0x3F9C];
	s0 =	simm.s32 @p1 $0x1  }
0x15: {  	[smem:$0x3FB9] =	sst s0;
	s0 =	simm.s32 @!p2 $0x0  }
0x16: {  	s3 =	sld [smem:$0x3FDB];
	s0 =	simm.s32 @p2 $0x1  }
0x17: {  	s4 =	simm.s32 $0x1BF5;
	[smem:$0x3FBB] =	sst s0  }
0x18: {  	s0 =	sld [smem:$0x3F9E];
	_ =	swait.ge [sflag:s4], $0x0  }
0x19: {  	s7 =	sld [smem:$0x3F9F]  }
0x1a: {  	s8 =	sadd.s32 $0xFFFFE003, lr  }
0x1b: {  	s9 =	sadd.s32 $0xFFFFFEF7, lr;
	s5 =	simm.s32 $0xFFFFFFFF;
	p2 =	slt.u32 s8, $0xFFFFF086  }
0x1c: {  	p1 =	slt.u32 s9, $0xF7A;
	s5 =	simm.s32 @!p2 $0x0  }
0x1d: {  	s5 =	simm.s32 @p1 $0x1;
	p0 =	seq.s32 s7, s2  }
0x1e: {  	s7 =	smul.u32 @!p0 $0xF7A, s2;
	p2 =	seq.s32 @!p0 s5, $0x0  }
0x1f: {  	s9 =	smul.u32 $0xF7A, s1;
	s8 =	simm.s32 @!p0 $0x1BF5;
	p2 =	por !p2, p0  }
0x20: {  	[sflag:s8] =	ssyncset.s32 @!p0 $0xFFFFF086;
	s6 =	sadd.s32 @!p0 s3, s7;
	s7 =	simm.s32 @!p0 $0x108  }
0x21: {  	s3 =	sadd.s32 s3, s9;
	s6 =	sadd.s32 @!p0 $0x88, s6;
	s7 =	simm.s32 @p2 $0x1082  }
0x22: {  	[simem:s7], [sflag:s8] =	dma.local @!p0 [hbm:s6], $0xF7A  }
0x23: {  	s9 =	sor.u32 $0xD0000000, s2;
	s6 =	simm.s32 $0x108;
	_ =	swait.ge @!p0 [sflag:s8], $0x0  }
0x24: {  	s3 =	sadd.s32 $0x88, s3;
	s6 =	simm.s32 @!p1 $0x1082;
	[sflag:s4] =	ssyncset.s32 $0xFFFFF086  }
0x25: {  	[simem:s6], [sflag:s4] =	dma.local [hbm:s3], $0xF7A  }
0x26: {  	[smem:$0x3F9F] =	sst s1;
	(tag) =	ssettag s2;
	_ =	strace s9  }
0x27: {  	s1 =	sld [smem:$0x3FAF]  }
0x28: {  	s2 =	sld [smem:$0x3FB0]  }
0x29: {  	s4 =	sld [smem:$0x3FB2]  }
0x2a: {  	p0 =	seq.s32 s5, $0x0;
	s5 =	sld [smem:$0x3FB3]  }
0x2b: {  	s6 =	sld [smem:$0x3FB4]  }
0x2c: {  	s7 =	sld [smem:$0x3FB5]  }
0x2d: {  	s3 =	simm.s32 $0x108;
	s8 =	sld [smem:$0x3FB6]  }
0x2e: {  	s3 =	simm.s32 @!p0 $0x1082;
	s9 =	sld [smem:$0x3FB7]  }
0x2f: {  	lr =	sadd.s32 s0, s3;
	s0 =	sld [smem:$0x3FAE]  }
0x30: {  	s3 =	sld [smem:$0x3FB1]  }
0x31: {  	[smem:$0x3FBA] =	sst s10  }
0x32: {  	s10 =	sld [smem:$0x3FB8];
	_ =	sdelay $0x3  }
0x33: {  	p0 =	seq.s32 s10, $0x1;
	s10 =	sld [smem:$0x3FBA];
	_ =	sdelay $0x3  }
0x34: {  	[smem:$0x3FBA] =	sst s10  }
0x35: {  	s10 =	sld [smem:$0x3FB9];
	_ =	sdelay $0x3  }
0x36: {  	p1 =	seq.s32 s10, $0x1;
	s10 =	sld [smem:$0x3FBA];
	_ =	sdelay $0x3  }
0x37: {  	[smem:$0x3FBA] =	sst s10  }
0x38: {  	s10 =	sld [smem:$0x3FBB]  }
0x39: {  	_ = 	snop;
	(pc) =	sbr.ind lr, $3  }
0x3a: {  	_ = 	snop  }
0x3b: {  	_ = 	snop  }
0x3c: {  	p2 =	seq.s32 s10, $0x1;
	s10 =	sld [smem:$0x3FBA]  }
0x3d: {  	_ =	shalt  }
0x3e: {  	_ =	shalt  }
0x3f: {  	_ =	shalt  }
0x40: {  	_ =	shalt  }
0x41: {  	_ =	shalt  }
0x42: {  	_ =	shalt  }
0x43: {  	_ =	shalt  }
0x44: {  	_ =	shalt  }
0x45: {  	_ =	shalt  }
0x46: {  	_ =	shalt  }
0x47: {  	_ =	shalt  }
0x48: {  	_ =	shalt  }
0x49: {  	_ =	shalt  }
0x4a: {  	_ =	shalt  }
0x4b: {  	_ =	shalt  }
0x4c: {  	_ =	shalt  }
0x4d: {  	_ =	shalt  }
0x4e: {  	_ =	shalt  }
0x4f: {  	_ =	shalt  }
0x50: {  	_ =	shalt  }
0x51: {  	_ =	shalt  }
0x52: {  	_ =	shalt  }
0x53: {  	_ =	shalt  }
0x54: {  	_ =	shalt  }
0x55: {  	_ =	shalt  }
0x56: {  	_ =	shalt  }
0x57: {  	_ =	shalt  }
0x58: {  	_ =	shalt  }
0x59: {  	_ =	shalt  }
0x5a: {  	_ =	shalt  }
0x5b: {  	_ =	shalt  }
0x5c: {  	_ =	shalt  }
0x5d: {  	_ =	shalt  }
0x5e: {  	_ =	shalt  }
0x5f: {  	_ =	shalt  }
0x60: {  	_ =	shalt  }
0x61: {  	_ =	shalt  }
0x62: {  	_ =	shalt  }
0x63: {  	_ =	shalt  }
0x64: {  	_ =	shalt  }
0x65: {  	_ =	shalt  }
0x66: {  	_ =	shalt  }
0x67: {  	_ =	shalt  }
0x68: {  	_ =	shalt  }
0x69: {  	_ =	shalt  }
0x6a: {  	_ =	shalt  }
0x6b: {  	_ =	shalt  }
0x6c: {  	_ =	shalt  }
0x6d: {  	_ =	shalt  }
0x6e: {  	_ =	shalt  }
0x6f: {  	_ =	shalt  }
0x70: {  	_ =	shalt  }
0x71: {  	_ =	shalt  }
0x72: {  	_ =	shalt  }
0x73: {  	_ =	shalt  }
0x74: {  	_ =	shalt  }
0x75: {  	_ =	shalt  }
0x76: {  	_ =	shalt  }
0x77: {  	_ =	shalt  }
0x78: {  	_ =	shalt  }
0x79: {  	_ =	shalt  }
0x7a: {  	_ =	shalt  }
0x7b: {  	_ =	shalt  }
0x7c: {  	_ =	shalt  }
0x7d: {  	_ =	shalt  }
0x7e: {  	_ =	shalt  }
0x7f: {  	_ =	shalt  }
0x80: {  	_ =	shalt  }
0x81: {  	_ =	shalt  }
0x82: {  	_ =	shalt  }
0x83: {  	_ =	shalt  }
0x84: {  	_ =	shalt  }
0x85: {  	_ =	shalt  }
0x86: {  	_ =	shalt  }
0x87: {  	_ =	shalt  }
.Lfunc_end0:
.L_simem_size_0:
called_computation_lowered:
.L_overlay_start_0:
0x88: {  	s2 =	sld [smem:$0x3FD9]  }
0x89: {  	s3 =	sld [smem:$0x3FFE];
	_ =	sdelay $0x1  }
0x8a: {  	s1 =	srdreg.scid  }
0x8b: {  	s0 =	sand.u32 $0x1, s1  }
0x8c: {  	s17 =	sshll.u32 s0, $0xA;
	s2 =	sadd.s32 s3, s2  }
0x8d: {  	s2 =	sadd.s32 s2, s17  }
0x8e: {  	[smem:$0x3FC6] =	sst s2  }
0x8f: {  	_ = 	snop  }
0x90: {  	s2 =	sld [smem:$0x3FC8]  }
0x91: {  	s18 =	sld [smem:$0x3FD0];
	(tm) =	ssettm $0x1  }
0x92: {  	s4 =	sld [smem:$0x3FFB];
	_ =	sdelay $0x3  }
0x93: {  	_ =	strace s4  }
0x94: {  	s4 =	sld [smem:$0x3FFC];
	_ =	sdelay $0x3  }
0x95: {  	_ =	strace s4  }
0x96: {  	s4 =	sld [smem:$0x3FFD];
	_ =	sdelay $0x3  }
0x97: {  	_ =	strace s4  }
0x98: {  	_ =	strace $0x8FFFFFFF  }
0x99: {  	s19 =	sld [smem:$0x3FDB];
	_ =	sdelay $0x1  }
0x9a: {  	s5 =	simm.s32 $_scs_section_size  }
0x9b: {  	s6 =	simm.s32 $_size__tile_overlayer_lowered;
	s7 =	simm.s32 $_tile_overlayer_lowered  }
0x9c: {  	s22 =	simm.s32 $0x1BFF;
	s21 =	sshll.u32 s7, $0x1;
	s4 =	sadd.s32 s5, s19  }
0x9d: {  	s8 =	simm.s32 $0x0;
	s20 =	sshll.u32 s6, $0x1;
	s6 =	sadd.s32 s21, s4  }
0x9e: {  	[timem:s8], [sflag:s22] =	dma.local [hbm:s6], s20  }
0x9f: {  	_ =	swait.ge [sflag:s22], s20  }
0xa0: {  	s5 =	ssub.s32 $0x0, s20;
	[sflag:s22] =	ssyncset.done $0x0  }
0xa1: {  	[sflag:s22] =	ssyncadd.s32 s5;
	_ =	sdelay $0x1  }
0xa2: {  	s23 =	simm.s32 $0x1B8B  }
0xa3: {  	_ =	swait.ge [sflag:s23], $0x1  }
0xa4: {  	[sflag:s23] =	ssyncset.done $0x0  }
0xa5: {  	s25 =	simm.s32 $0x1B8E;
	s24 =	sld [smem:$0x3FFE];
	[sflag:s23] =	ssyncadd.s32 $0xFFFFFFFF  }
0xa6: {  	s26 =	simm.s32 $execute0_lowered;
	[smem:$0x3FD2] =	sst s25  }
0xa7: {  	s6 =	sshll.u32 s26, $0x1;
	_ =	strace $0x80000046;
	[dreg:$0x1] =	wrdreg $0xFFFFFFFF  }
0xa8: {  	s28 =	simm.s32 $_size_execute0_lowered;
	s4 =	sadd.s32 s4, s6;
	[dreg:$0x0] =	wrdreg $0x0  }
0xa9: {  	s6 =	sshll.u32 s28, $0x1;
	[dreg:$0x2] =	wrdreg s4  }
0xaa: {  	[dreg:$0x3] =	wrdreg s6  }
0xab: {  	[dreg:$0x4] =	wrdreg $0xC0  }
0xac: {  	_ =	task [dreg:s8], $0x5FFFF  }
0xad: {  	[dreg:$0x1] =	wrdreg $0xFFFFFFFF  }
0xae: {  	[dreg:$0x0] =	wrdreg $0x60  }
0xaf: {  	[dreg:$0x2] =	wrdreg s2  }
0xb0: {  	[dreg:$0x3] =	wrdreg s18  }
0xb1: {  	[dreg:$0x4] =	wrdreg s24  }
0xb2: {  	[dreg:$0x5] =	wrdreg $0x9  }
0xb3: {  	_ =	task.clear_ibuf [dreg:s8], $0x6FFFF;
	_ =	strace $0x90000046  }
0xb4: {  	s29 =	simm.s32 $0x9;
	_ =	strace $0x80000048  }
0xb5: {  	_ =	swait.ge [sflag:s29], $0x1  }
0xb6: {  	[sflag:s29] =	ssyncadd.s32 $0xFFFFFFFF  }
0xb7: {  	_ =	strace $0x90000048  }
0xb8: {  	_ =	sfence  }
0xb9: {  	s30 =	sld [smem:$0x0];
	_ =	sdelay $0x2  }
0xba: {  	s31 =	sshll.u32 s1, $0xD;
	s1 =	sshrl.u32 s1, $0x2  }
0xbb: {  	s3 =	sand.u32 $0x4000, s31;
	s1 =	sadd.s32 s1, s30  }
0xbc: {  	s0 =	sor.u32 s3, s0;
	s1 =	sshll.u32 s1, $0x11  }
0xbd: {  	s0 =	sor.u32 s1, s0  }
0xbe: {  	s0 =	sadd.s32 $0x8F2B, s0  }
0xbf: {  	[sflag:s0] =	ssyncadd.remote.s32 $0x1  }
0xc0: {  	_ =	sfence.sel $0xFFFF  }
0xc1: {  	[dreg:$0x0] =	wrdreg $0xFFFFFFFF;
	(pc) =	sbr.abs _section_cstart, $3  }
0xc2: {  	[dreg:$0x1] =	wrdreg $0xFFFFFFFF  }
0xc3: {  	_ =	task.clear_ibuf [dreg:s8], $0x2FFFF;
	_ =	strace $0x9FFFFFFF  }
0xc4: {  	(tm) =	ssettm $0x7FFFFFFF  }
0xc5: {  	_ =	shalt  }
tec
execute0_lowered:
.L_overlay_start_1:
0x0: {  	(tag) =	ssettag $0x1  }
0x1: {  	v0 =	vimm.s32 $0x1380;
	vm0 =	vcmask $0x300;
	v1 =	vimm.s32 $0x3380  }
0x2: {  	vm1 =	vcmask $0x704;
	v0 =	vsel vm0, $0x0, v0;
	v1 =	vsel vm0, $0x2000, v1  }
0x3: {  	s0 =	rddreg [dreg:$0x0];
	vm15 =	vcmask $0xB08;
	v0 =	vsel vm1, $0x80, v0;
	v1 =	vsel vm1, $0x2080, v1  }
0x4: {  	s1 =	rddreg [dreg:$0x1];
	vm4 =	vcmask $0xF0C;
	v0 =	vsel vm15, $0x100, v0;
	v1 =	vsel vm15, $0x2100, v1  }
0x5: {  	s2 =	rddreg [dreg:$0x2];
	vm5 =	vcmask $0x1310;
	v0 =	vsel vm4, $0x180, v0;
	v1 =	vsel vm4, $0x2180, v1  }
0x6: {  	s3 =	srdreg.scid;
	s4 =	simm.s32 $0x0;
	s5 =	stileid.u32;
	vm6 =	vcmask $0x1714;
	v0 =	vsel vm5, $0x200, v0;
	v1 =	vsel vm5, $0x2200, v1  }
0x7: {  	vm7 =	vcmask $0x1B18;
	s14 =	simm.s32 $0x1000;
	s15 =	simm.s32 $0x7A1400;
	s16 =	simm.s32 $0x1;
	v0 =	vsel vm6, $0x280, v0;
	v1 =	vsel vm6, $0x2280, v1  }
0x8: {  	vm8 =	vcmask $0x1F1C;
	s17 =	simm.s32 $0x8000;
	s18 =	simm.s32 $0x2;
	s19 =	simm.s32 $0x4000;
	v0 =	vsel vm7, $0x300, v0;
	v1 =	vsel vm7, $0x2300, v1  }
0x9: {  	vm9 =	vcmask $0x2320;
	s20 =	simm.s32 $0xC000;
	s21 =	simm.s32 $0x3;
	s22 =	simm.s32 $0x4;
	v0 =	vsel vm8, $0x380, v0;
	v1 =	vsel vm8, $0x2380, v1  }
0xa: {  	vm10 =	vcmask $0x2724;
	s25 =	simm.s32 $0x5;
	s26 =	simm.s32 $0x0;
	s3 =	sand.u32 $0x1, s3;
	v0 =	vsel vm9, $0x1000, v0;
	v1 =	vsel vm9, $0x3000, v1  }
0xb: {  	vm11 =	vcmask $0x2B28;
	[smem:$0x7FF] =	sst s4;
	s5 =	sshll.u32 s5, $0x1;
	s6 =	sadd.s32 $0xA00, s2;
	v0 =	vsel vm10, $0x1080, v0;
	v1 =	vsel vm10, $0x3080, v1  }
.Ltmp0:
0xc: {  	vm12 =	vcmask $0x2F2C;
	s9 =	sadd.s32 $0x3D1200, s2;
	s11 =	sadd.s32 $0x80, s1;
	v0 =	vsel vm11, $0x1100, v0;
	v1 =	vsel vm11, $0x3100, v1;
	(pc) =	sbr.rel .LBB2_1-.Ltmp0, $4  }
0xd: {  	vm13 =	vcmask $0x3330;
	s12 =	sadd.s32 $0x180, s1;
	s13 =	sadd.s32 $0x100, s1;
	s7 =	ssub.s32 $0x2, s3;
	v0 =	vsel vm12, $0x1180, v0;
	v1 =	vsel vm12, $0x3180, v1  }
0xe: {  	vm14 =	vcmask $0x3734;
	_ =	strace $0x80000047;
	s5 =	sor.u32 s3, s5;
	s8 =	sshrl.u32 s7, $0x1;
	v0 =	vsel vm13, $0x1200, v0;
	v1 =	vsel vm13, $0x3200, v1  }
0xf: {  	s31 =	sshll.u32 s5, $0x9;
	p0 =	sne.s32 s5, $0x0;
	vm15 =	vcmask $0x3B38;
	s30 =	ssub.s32 s7, s8;
	v0 =	vsel vm14, $0x1280, v0;
	v1 =	vsel vm14, $0x3280, v1  }
0x10: {  	s7 =	sadd.s32 s0, s31;
	s8 =	sadd.s32 $0x4000, s0;
	s10 =	smax.u32 s30, $0x1;
	v0 =	vsel vm15, $0x1300, v0;
	v1 =	vsel vm15, $0x3300, v1  }
.LBB2_9:
0x11: {  	_ =	swait.ge [sflag:s21], $0x4000  }
.Ltmp1:
0x12: {  	[sflag:s21] =	ssyncset.done $0x0;
	(pc) =	sbr.rel @!p0 .LBB2_10-.Ltmp1, $4  }
0x13: {  	[sflag:s21] =	ssyncadd.s32 $0xFFFFC000  }
0x14: {  	_ =	swait.ge [sflag:s22], $0x4000  }
0x15: {  	[sflag:s22] =	ssyncset.done $0x0  }
0x16: {  	[sflag:s22] =	ssyncadd.s32 $0xFFFFC000  }
.LBB2_13:
0x17: {  	s26 =	sadd.s32 $0x1, s26  }
0x18: {  	p1 =	sne.s32 s26, s10  }
.Ltmp2:
0x19: {  	_ = 	snop;
	(pc) =	sbr.rel @!p1 .LBB2_14-.Ltmp2, $1  }
0x1a: {  	_ =	sdelay $0x3  }
.LBB2_1:
.Ltmp3:
0x1b: {  	(pc) =	sbr.rel .LBB2_2-.Ltmp3, $3  }
0x1c: {  	_ =	sdelay $0x1  }
0x1d: {  	[tilespmem:s4], [sflag:$0x1] =	stream.strided.gather [hbm4b:s7+s14], $0x4000, s15, s14, $0x38;
	[tilespmem:$0x10000] =	vst v63  }
0x1e: {  	s28 =	simm.s32 $0x0  }
.LBB2_8:
0x1f: {  	s28 =	sadd.s32 $0x1, s28  }
0x20: {  	p1 =	sne.s32 s28, $0x1F  }
.Ltmp4:
0x21: {  	_ = 	snop;
	(pc) =	sbr.rel @!p1 .LBB2_9-.Ltmp4, $1  }
0x22: {  	_ =	sdelay $0x3  }
.LBB2_2:
0x23: {  	s2 =	simm.s32 $0x0;
	s23 =	simm.s32 $0x1;
	s3 =	simm.s32 $0x2  }
0x24: {  	s24 =	simm.s32 $0x3;
	s1 =	simm.s32 $0x4;
	v2 =	vmov s2;
	v4 =	vmov s23;
	v5 =	vmov s3  }
0x25: {  	s23 =	simm.s32 $0x5;
	v6 =	vmov s24;
	v7 =	vmov s1;
	s3 =	simm.s32 $0x6;
	v3 =	vand.u32 $0x78, v2  }
0x26: {  	v2 =	vshll.u32 v2, $0x3;
	v8 =	vmov s23;
	v9 =	vmov s3  }
0x27: {  	v10 =	vand.u32 $0x79, v4;
	v11 =	vand.u32 $0x7A, v5;
	v12 =	vand.u32 $0x7B, v6  }
0x28: {  	s24 =	simm.s32 $0x7;
	v13 =	vand.u32 $0x7C, v7;
	v4 =	vshll.u32 v4, $0x3;
	v5 =	vshll.u32 v5, $0x3  }
0x29: {  	v6 =	vshll.u32 v6, $0x3;
	v7 =	vshll.u32 v7, $0x3;
	v16 =	vmov s24  }
0x2a: {  	s23 =	sshll.u32 s28, $0x6;
	v2 =	vand.u32 $0xC00, v2;
	v14 =	vand.u32 $0x7D, v8;
	v15 =	vand.u32 $0x7E, v9  }
0x2b: {  	_ =	swait.ge [sflag:s16], $0x4000;
	s30 =	sor.u32 s5, s23;
	v8 =	vshll.u32 v8, $0x3;
	v9 =	vshll.u32 v9, $0x3;
	v17 =	vshll.u32 v16, $0x3  }
0x2c: {  	[sflag:s16] =	ssyncset.done $0x0;
	s24 =	simm.s32 $0xA;
	v4 =	vand.u32 $0xC00, v4;
	v5 =	vand.u32 $0xC00, v5;
	v6 =	vand.u32 $0xC00, v6;
	s29 =	sor.u32 $0x20, s30  }
0x2d: {  	p1 =	seq.s32 s28, $0x0;
	[sflag:s16] =	ssyncadd.s32 $0xFFFFC000;
	v7 =	vand.u32 $0xC00, v7;
	v21 =	vmov s24;
	v2 =	vor.u32 v3, v2;
	p2 =	sgt.u32 s29, $0x7A0  }
0x2e: {  	s24 =	simm.s32 $0xE;
	v3 =	vand.u32 $0x7F, v16;
	v16 =	vand.u32 $0xC00, v17;
	v4 =	vor.u32 v10, v4;
	s2 =	sshll.u32 @!p2 s29, $0x9;
	s3 =	simm.s32 @!p2 $0x1000  }
0x2f: {  	v5 =	vor.u32 v11, v5;
	v6 =	vor.u32 v12, v6;
	v3 =	vor.u32 v3, v16;
	s23 =	simm.s32 @!p2 $0x7A1400;
	s31 =	simm.s32 @!p2 $0x4000;
	s2 =	sadd.s32 @!p2 s0, s2  }
0x30: {  	v7 =	vor.u32 v13, v7;
	v8 =	vand.u32 $0xC00, v8;
	v10 =	vor.u32 v0, v3;
	[tilespmem:s31], [sflag:$0x2] =	stream.strided.gather @!p2 [hbm4b:s2+s3], $0x4000, s23, s3, $0x38;
	[tilespmem:$0x10000] =	vst v63  }
0x31: {  	v9 =	vand.u32 $0xC00, v9;
	v25 =	vmov s24;
	v16 =	vor.u32 v0, v4;
	s2 =	simm.s32 @!p1 $0x3  }
0x32: {  	v27 =	vand.u32 $0x7A, v21;
	v17 =	vor.u32 v0, v2;
	v11 =	vor.u32 v0, v5;
	_ =	swait.ge @!p1 [sflag:s2], $0x4000  }
0x33: {  	s1 =	simm.s32 $0x8;
	v12 =	vor.u32 v0, v6;
	v13 =	vor.u32 v0, v7;
	v8 =	vor.u32 v14, v8;
	[sflag:s2] =	ssyncset.done @!p1 $0x0  }
0x34: {  	v14 =	vmov s1;
	v9 =	vor.u32 v15, v9;
	v4 =	vor.u32 v1, v4;
	[sflag:s2] =	ssyncadd.s32 @!p1 $0xFFFFC000  }
0x35: {  	v5 =	vor.u32 v1, v5;
	v6 =	vor.u32 v1, v6;
	v15 =	vor.u32 v0, v8;
	v10 =	vld.idx.msk [tilespmem:v10+s4+$0x0], $0xffff  }
0x36: {  	v7 =	vor.u32 v1, v7;
	v31 =	vand.u32 $0x7E, v25;
	v19 =	vor.u32 v0, v9;
	v16 =	vld.idx.msk [tilespmem:v16+s4+$0x0], $0xffff  }
0x37: {  	s1 =	simm.s32 $0xB;
	v18 =	vand.u32 $0x78, v14;
	v14 =	vshll.u32 v14, $0x3;
	v3 =	vor.u32 v1, v3;
	v11 =	vld.idx.msk [tilespmem:v11+s4+$0x0], $0xffff  }
0x38: {  	v22 =	vmov s1;
	v8 =	vor.u32 v1, v8;
	v9 =	vor.u32 v1, v9;
	s23 =	simm.s32 $0x9;
	v12 =	vld.idx.msk [tilespmem:v12+s4+$0x0], $0xffff  }
0x39: {  	v14 =	vand.u32 $0xC00, v14;
	v28 =	vand.u32 $0x7B, v22;
	s3 =	simm.s32 $0xC;
	v20 =	vmov s23;
	s23 =	simm.s32 $0xD;
	s2 =	simm.s32 $0x8070;
	v13 =	vld.idx.msk [tilespmem:v13+s4+$0x0], $0xffff  }
0x3a: {  	v23 =	vmov s3;
	v24 =	vmov s23;
	v26 =	vand.u32 $0x79, v20;
	v15 =	vld.idx.msk [tilespmem:v15+s4+$0x0], $0xffff;
	[tilespmem:s2+$0x70] =	vst v10  }
0x3b: {  	v29 =	vand.u32 $0x7C, v23;
	v30 =	vand.u32 $0x7D, v24;
	v10 =	vld.idx.msk [tilespmem:v19+s4+$0x0], $0xffff;
	v19 =	vshll.u32 v20, $0x3;
	[tilespmem:s2+$0xFFFFFFB0] =	vst v16  }
0x3c: {  	s1 =	simm.s32 $0xF;
	v17 =	vld.idx.msk [tilespmem:v17+s4+$0x0], $0xffff;
	v20 =	vshll.u32 v21, $0x3;
	v21 =	vshll.u32 v22, $0x3;
	v16 =	vshll.u32 v23, $0x3;
	[tilespmem:s2+$0xFFFFFFD0] =	vst v11  }
0x3d: {  	v22 =	vmov s1;
	v23 =	vor.u32 v1, v2;
	v11 =	vshll.u32 v24, $0x3;
	[tilespmem:s2+$0xFFFFFFF0] =	vst v12;
	v3 =	vld.idx.msk [tilespmem:v3+s4+$0x0], $0xffff  }
0x3e: {  	v24 =	vshll.u32 v25, $0x3;
	v2 =	vor.u32 v18, v14;
	[tilespmem:s2+$0x10] =	vst v13;
	v4 =	vld.idx.msk [tilespmem:v4+s4+$0x0], $0xffff;
	v25 =	vshll.u32 v22, $0x3  }
0x3f: {  	[tilespmem:s2+$0x30] =	vst v15;
	v5 =	vld.idx.msk [tilespmem:v5+s4+$0x0], $0xffff;
	v12 =	vand.u32 $0x7F, v22;
	v13 =	vor.u32 v0, v2;
	v15 =	vand.u32 $0xC00, v20  }
0x40: {  	v6 =	vld.idx.msk [tilespmem:v6+s4+$0x0], $0xffff;
	v18 =	vand.u32 $0xC00, v19;
	v19 =	vand.u32 $0xC00, v21;
	v15 =	vor.u32 v27, v15  }
0x41: {  	[tilespmem:s2+$0xFFFFFF90] =	vst v17;
	v7 =	vld.idx.msk [tilespmem:v7+s4+$0x0], $0xffff;
	v14 =	vand.u32 $0xC00, v25;
	v20 =	vor.u32 v28, v19;
	v17 =	vor.u32 v0, v15  }
0x42: {  	s31 =	simm.s32 $0xE0;
	v8 =	vld.idx.msk [tilespmem:v8+s4+$0x0], $0xffff;
	v12 =	vor.u32 v12, v14;
	v21 =	vor.u32 v0, v20  }
0x43: {  	s23 =	sor.u32 $0x70, s31;
	v11 =	vand.u32 $0xC00, v11;
	v14 =	vor.u32 v26, v18;
	v18 =	vor.u32 v0, v12;
	[tilespmem:s2+$0x50] =	vst v10;
	v19 =	vld.idx.msk [tilespmem:v23+s4+$0x0], $0xffff  }
0x44: {  	v16 =	vand.u32 $0xC00, v16;
	v22 =	vor.u32 v30, v11;
	v10 =	vor.u32 v0, v14;
	v9 =	vld.idx.msk [tilespmem:v9+s4+$0x0], $0xffff;
	[tilespmem:s23+$0x8000] =	vst v3  }
0x45: {  	s1 =	simm.s32 $0xA0;
	v16 =	vor.u32 v29, v16;
	v11 =	vor.u32 v0, v22;
	[tilespmem:s2+$0xFFFFFFC0] =	vst v4;
	v3 =	vld.idx.msk [tilespmem:v13+s4+$0x0], $0xffff;
	v4 =	vand.u32 $0xC00, v24  }
0x46: {  	s3 =	sor.u32 $0x30, s1;
	s1 =	simm.s32 $0x13;
	v13 =	vor.u32 v0, v16;
	[tilespmem:s2+$0xFFFFFFE0] =	vst v5;
	v25 =	vor.u32 v31, v4;
	v17 =	vld.idx.msk [tilespmem:v17+s4+$0x0], $0xffff  }
0x47: {  	s24 =	simm.s32 $0x10;
	v63 =	vmov s1;
	v33 =	vor.u32 v1, v15;
	[tilespmem:s2+$0x0] =	vst v6;
	v28 =	vor.u32 v0, v25;
	v32 =	vld.idx.msk [tilespmem:v21+s4+$0x0], $0xffff  }
0x48: {  	v22 =	vor.u32 v1, v22;
	v23 =	vor.u32 v1, v20;
	v5 =	vmov s24;
	s24 =	simm.s32 $0x11;
	[tilespmem:s2+$0x20] =	vst v7;
	v26 =	vld.idx.msk [tilespmem:v18+s4+$0x0], $0xffff  }
0x49: {  	s23 =	simm.s32 $0xC0;
	v7 =	vor.u32 v1, v12;
	[tilespmem:s3+$0x8000] =	vst v8;
	v12 =	vor.u32 v1, v14;
	v29 =	vmov s24;
	s24 =	simm.s32 $0x12;
	v27 =	vld.idx.msk [tilespmem:v10+s4+$0x0], $0xffff  }
0x4a: {  	v4 =	vand.u32 $0x78, v5;
	v5 =	vshll.u32 v5, $0x3;
	s23 =	sor.u32 $0x50, s23;
	v62 =	vmov s24;
	s24 =	simm.s32 $0x15;
	v21 =	vld.idx.msk [tilespmem:v11+s4+$0x0], $0xffff;
	[tilespmem:s2+$0xFFFFFFA0] =	vst v19  }
0x4b: {  	v20 =	vor.u32 v1, v16;
	s3 =	simm.s32 $0x14;
	v6 =	vand.u32 $0xC00, v5;
	v14 =	vmov s24;
	s24 =	simm.s32 $0x16;
	s2 =	simm.s32 $0x8170;
	[tilespmem:s23+$0x8000] =	vst v9;
	v24 =	vld.idx.msk [tilespmem:v13+s4+$0x0], $0xffff  }
0x4c: {  	v11 =	vand.u32 $0x79, v29;
	v18 =	vmov s3;
	v19 =	vmov s24;
	v16 =	vld.idx.msk [tilespmem:v28+s4+$0x0], $0xffff;
	[tilespmem:s2+$0xFFFFFFD0] =	vst v17  }
0x4d: {  	v10 =	vand.u32 $0x7A, v62;
	v8 =	vand.u32 $0x7C, v18;
	v9 =	vand.u32 $0x7B, v63;
	[tilespmem:s2+$0x70] =	vst v26;
	v13 =	vld.idx.msk [tilespmem:v33+s4+$0x0], $0xffff  }
0x4e: {  	v5 =	vand.u32 $0x7E, v19;
	v17 =	vor.u32 v1, v25;
	v25 =	vshll.u32 v63, $0x3;
	[tilespmem:s2+$0xFFFFFFB0] =	vst v27;
	v15 =	vld.idx.msk [tilespmem:v7+s4+$0x0], $0xffff  }
0x4f: {  	s3 =	simm.s32 $0x18;
	s23 =	simm.s32 $0x17;
	[tilespmem:s2+$0xFFFFFFF0] =	vst v32;
	v26 =	vshll.u32 v62, $0x3;
	v7 =	vand.u32 $0x7D, v14;
	v27 =	vshll.u32 v29, $0x3;
	v12 =	vld.idx.msk [tilespmem:v12+s4+$0x0], $0xffff  }
.LBB2_3:
0x50: {  	p3 =	slt.u32 s3, $0x1F8;
	v18 =	vshll.u32 v18, $0x3;
	v28 =	vmov s23;
	v29 =	vor.u32 v1, v2;
	v23 =	vld.idx.msk [tilespmem:v23+s4+$0x0], $0xffff;
	[tilespmem:s2+$0x10] =	vst v24  }
0x51: {  	v14 =	vshll.u32 v14, $0x3;
	v19 =	vshll.u32 v19, $0x3;
	s31 =	sadd.s32 $0x100, s31;
	v24 =	vshll.u32 v28, $0x3;
	v20 =	vld.idx.msk [tilespmem:v20+s4+$0x0], $0xffff;
	[tilespmem:s2+$0x30] =	vst v21  }
0x52: {  	v2 =	vor.u32 v4, v6;
	v4 =	vand.u32 $0x7F, v28;
	s1 =	sadd.s32 $0xFFFFFFC0, s31;
	s23 =	sadd.s32 $0xFFFFFFE0, s31;
	s24 =	sor.u32 $0x70, s31;
	v6 =	vand.u32 $0xC00, v24;
	v21 =	vld.idx.msk [tilespmem:v22+s4+$0x0], $0xffff;
	[tilespmem:s2+$0x50] =	vst v16  }
0x53: {  	v16 =	vor.u32 v0, v2;
	v22 =	vand.u32 $0xC00, v27;
	s1 =	sor.u32 $0x30, s1;
	s23 =	sor.u32 $0x50, s23;
	v6 =	vor.u32 v4, v6;
	v17 =	vld.idx.msk [tilespmem:v17+s4+$0x0], $0xffff;
	[tilespmem:s24+$0x8000] =	vst v15  }
0x54: {  	v11 =	vor.u32 v11, v22;
	v4 =	vand.u32 $0xC00, v26;
	v15 =	vor.u32 v0, v6;
	[tilespmem:s2+$0xFFFFFF90] =	vst v3  }
0x55: {  	v22 =	vor.u32 v0, v11;
	v10 =	vor.u32 v10, v4;
	v3 =	vand.u32 $0xC00, v25;
	v24 =	vld.idx.msk [tilespmem:v29+s4+$0x0], $0xffff;
	[tilespmem:s2+$0xFFFFFFC0] =	vst v12  }
0x56: {  	v12 =	vor.u32 v0, v10;
	v9 =	vor.u32 v9, v3;
	v3 =	vand.u32 $0xC00, v18;
	[tilespmem:s2+$0xFFFFFFE0] =	vst v13  }
0x57: {  	v4 =	vand.u32 $0xC00, v14;
	v13 =	vor.u32 v0, v9;
	v8 =	vor.u32 v8, v3;
	[tilespmem:s2+$0x0] =	vst v23  }
0x58: {  	v7 =	vor.u32 v7, v4;
	v4 =	vand.u32 $0xC00, v19;
	v3 =	vld.idx.msk [tilespmem:v16+s4+$0x0], $0xffff;
	v16 =	vor.u32 v0, v8;
	[tilespmem:s2+$0x20] =	vst v20  }
0x59: {  	v14 =	vmov s3;
	v25 =	vor.u32 v5, v4;
	v20 =	vor.u32 v0, v7;
	v5 =	vld.idx.msk [tilespmem:v15+s4+$0x0], $0xffff;
	[tilespmem:s1+$0x8000] =	vst v21  }
0x5a: {  	v4 =	vand.u32 $0x78, v14;
	s1 =	sadd.s32 $0x1, s3;
	v15 =	vld.idx.msk [tilespmem:v22+s4+$0x0], $0xffff;
	v22 =	vor.u32 v0, v25;
	[tilespmem:s23+$0x8000] =	vst v17  }
0x5b: {  	v17 =	vshll.u32 v14, $0x3;
	v26 =	vmov s1;
	s1 =	sadd.s32 $0x2, s3;
	s23 =	sadd.s32 $0x3, s3;
	v27 =	vld.idx.msk [tilespmem:v12+s4+$0x0], $0xffff;
	v12 =	vor.u32 v1, v6;
	[tilespmem:s2+$0xFFFFFFA0] =	vst v24  }
0x5c: {  	v30 =	vor.u32 v1, v11;
	v28 =	vmov s1;
	v29 =	vmov s23;
	s1 =	sadd.s32 $0x4, s3;
	s23 =	sadd.s32 $0x5, s3;
	v31 =	vld.idx.msk [tilespmem:v13+s4+$0x0], $0xffff  }
0x5d: {  	v18 =	vmov s1;
	v14 =	vmov s23;
	s1 =	sadd.s32 $0x6, s3;
	v13 =	vor.u32 v1, v10;
	v24 =	vld.idx.msk [tilespmem:v16+s4+$0x0], $0xffff  }
.Ltmp5:
0x5e: {  	v23 =	vor.u32 v1, v9;
	v6 =	vand.u32 $0xC00, v17;
	s2 =	sadd.s32 $0x100, s2;
	v19 =	vmov s1;
	v21 =	vld.idx.msk [tilespmem:v20+s4+$0x0], $0xffff;
	(pc) =	sbr.rel @p3 .LBB2_3-.Ltmp5, $4  }
0x5f: {  	v11 =	vand.u32 $0x79, v26;
	v10 =	vand.u32 $0x7A, v28;
	v20 =	vor.u32 v1, v8;
	v16 =	vld.idx.msk [tilespmem:v22+s4+$0x0], $0xffff;
	[tilespmem:s2+$0x70] =	vst v5  }
0x60: {  	v9 =	vand.u32 $0x7B, v29;
	v8 =	vand.u32 $0x7C, v18;
	v22 =	vor.u32 v1, v7;
	[tilespmem:s2+$0xFFFFFFB0] =	vst v15;
	v15 =	vld.idx.msk [tilespmem:v12+s4+$0x0], $0xffff  }
0x61: {  	v17 =	vor.u32 v1, v25;
	v7 =	vand.u32 $0x7D, v14;
	v5 =	vand.u32 $0x7E, v19;
	v12 =	vld.idx.msk [tilespmem:v30+s4+$0x0], $0xffff;
	[tilespmem:s2+$0xFFFFFFD0] =	vst v27  }
0x62: {  	v25 =	vshll.u32 v29, $0x3;
	s23 =	sadd.s32 $0x7, s3;
	s3 =	sadd.s32 $0x8, s3;
	v27 =	vshll.u32 v26, $0x3;
	v26 =	vshll.u32 v28, $0x3;
	v13 =	vld.idx.msk [tilespmem:v13+s4+$0x0], $0xffff;
	[tilespmem:s2+$0xFFFFFFF0] =	vst v31  }
0x63: {  	v28 =	vmov s23  }
0x64: {  	v18 =	vshll.u32 v18, $0x3;
	v2 =	vor.u32 v1, v2;
	v14 =	vshll.u32 v14, $0x3  }
0x65: {  	[tilespmem:s2+$0x10] =	vst v24;
	v19 =	vshll.u32 v19, $0x3;
	v46 =	vand.u32 $0xC00, v27;
	v47 =	vand.u32 $0xC00, v26  }
0x66: {  	[tilespmem:s2+$0x30] =	vst v21;
	v50 =	vand.u32 $0xC00, v25;
	v29 =	vshll.u32 v28, $0x3;
	v11 =	vor.u32 v11, v46  }
0x67: {  	s3 =	sadd.s32 $0x100, s31;
	v23 =	vld.idx.msk [tilespmem:v23+s4+$0x0], $0xffff;
	[tilespmem:s2+$0xFFFFFF90] =	vst v3;
	v44 =	vand.u32 $0x7F, v28;
	v10 =	vor.u32 v10, v47;
	v49 =	vor.u32 v0, v11  }
0x68: {  	[tilespmem:s2+$0x50] =	vst v16;
	s1 =	sor.u32 $0x70, s3;
	v20 =	vld.idx.msk [tilespmem:v20+s4+$0x0], $0xffff;
	v9 =	vor.u32 v9, v50;
	v51 =	vand.u32 $0xC00, v18;
	v3 =	vor.u32 v0, v10  }
0x69: {  	v22 =	vld.idx.msk [tilespmem:v22+s4+$0x0], $0xffff;
	v14 =	vand.u32 $0xC00, v14;
	[tilespmem:s1+$0x8000] =	vst v15;
	v52 =	vor.u32 v0, v9;
	v8 =	vor.u32 v8, v51  }
0x6a: {  	v54 =	vand.u32 $0xC00, v19;
	v17 =	vld.idx.msk [tilespmem:v17+s4+$0x0], $0xffff;
	v7 =	vor.u32 v7, v14;
	[tilespmem:s2+$0xFFFFFFC0] =	vst v12;
	v53 =	vor.u32 v0, v8  }
0x6b: {  	v45 =	vand.u32 $0xC00, v29;
	v5 =	vor.u32 v5, v54;
	v55 =	vor.u32 v0, v7;
	[tilespmem:s2+$0xFFFFFFE0] =	vst v13;
	v2 =	vld.idx.msk [tilespmem:v2+s4+$0x0], $0xffff  }
0x6c: {  	s23 =	sadd.s32 $0xFFFFFFC0, s3;
	v24 =	vor.u32 v44, v45;
	v57 =	vor.u32 v0, v5;
	[tilespmem:s2+$0x0] =	vst v23;
	v15 =	vld.idx.msk [tilespmem:v49+s4+$0x0], $0xffff  }
0x6d: {  	v4 =	vor.u32 v4, v6;
	s24 =	sadd.s32 $0xFFFFFFE0, s3;
	s1 =	sor.u32 $0x30, s23;
	v48 =	vor.u32 v0, v24;
	[tilespmem:s2+$0x20] =	vst v20;
	v3 =	vld.idx.msk [tilespmem:v3+s4+$0x0], $0xffff  }
0x6e: {  	v59 =	vor.u32 v0, v4;
	s23 =	sor.u32 $0x50, s24;
	[tilespmem:s1+$0x8000] =	vst v22;
	v12 =	vld.idx.msk [tilespmem:v52+s4+$0x0], $0xffff  }
0x6f: {  	v10 =	vor.u32 v1, v10;
	[tilespmem:s23+$0x8000] =	vst v17;
	v60 =	vld.idx.msk [tilespmem:v53+s4+$0x0], $0xffff  }
0x70: {  	s31 =	sadd.s32 $0x100, s2;
	v9 =	vor.u32 v1, v9;
	v61 =	vld.idx.msk [tilespmem:v55+s4+$0x0], $0xffff;
	[tilespmem:s2+$0xFFFFFFA0] =	vst v2  }
0x71: {  	v62 =	vld.idx.msk [tilespmem:v57+s4+$0x0], $0xffff;
	v2 =	vor.u32 v1, v11;
	[tilespmem:s31+$0xFFFFFFB0] =	vst v15  }
0x72: {  	v8 =	vor.u32 v1, v8;
	v56 =	vld.idx.msk [tilespmem:v48+s4+$0x0], $0xffff;
	[tilespmem:s31+$0xFFFFFFD0] =	vst v3  }
0x73: {  	v58 =	vor.u32 v1, v24;
	v3 =	vld.idx.msk [tilespmem:v59+s4+$0x0], $0xffff;
	[tilespmem:s31+$0xFFFFFFF0] =	vst v12  }
0x74: {  	v7 =	vor.u32 v1, v7;
	[tilespmem:s31+$0x10] =	vst v60;
	v10 =	vld.idx.msk [tilespmem:v10+s4+$0x0], $0xffff  }
0x75: {  	v5 =	vor.u32 v1, v5;
	[tilespmem:s31+$0x30] =	vst v61;
	v9 =	vld.idx.msk [tilespmem:v9+s4+$0x0], $0xffff  }
0x76: {  	v4 =	vor.u32 v1, v4;
	[tilespmem:s31+$0x50] =	vst v62;
	v2 =	vld.idx.msk [tilespmem:v2+s4+$0x0], $0xffff  }
0x77: {  	[tilespmem:s31+$0x70] =	vst v56;
	v8 =	vld.idx.msk [tilespmem:v8+s4+$0x0], $0xffff  }
0x78: {  	v6 =	vld.idx.msk [tilespmem:v58+s4+$0x0], $0xffff;
	[tilespmem:s31+$0xFFFFFF90] =	vst v3  }
0x79: {  	v63 =	vld.idx.msk [tilespmem:v7+s4+$0x0], $0xffff;
	[tilespmem:s31+$0xFFFFFFE0] =	vst v10  }
0x7a: {  	v3 =	vld.idx.msk [tilespmem:v5+s4+$0x0], $0xffff;
	[tilespmem:s31+$0x0] =	vst v9  }
0x7b: {  	s23 =	sadd.s32 $0x100, s3;
	[tilespmem:s31+$0xFFFFFFC0] =	vst v2;
	v2 =	vld.idx.msk [tilespmem:v4+s4+$0x0], $0xffff  }
0x7c: {  	s3 =	sor.u32 $0x70, s23;
	s24 =	sadd.s32 $0xFFFFFFC0, s23;
	[tilespmem:s31+$0x20] =	vst v8  }
.Ltmp6:
0x7d: {  	s2 =	sadd.s32 $0xFFFFFFE0, s23;
	[tilespmem:s3+$0x8000] =	vst v6;
	s3 =	sor.u32 $0x30, s24;
	(pc) =	sbr.rel @p2 .LBB2_8-.Ltmp6, $4  }
0x7e: {  	s2 =	sor.u32 $0x50, s2;
	[tilespmem:s3+$0x8000] =	vst v63  }
0x7f: {  	s30 =	sshll.u32 s30, $0xB;
	[tilespmem:s2+$0x8000] =	vst v3  }
0x80: {  	[tilespmem:s31+$0xFFFFFFA0] =	vst v2;
	s31 =	sadd.s32 s6, s30  }
0x81: {  	[hbm4b:s31+s4] =	stream.linear.scatter [tilespmem:s17], [sflag:$0x3], $0x4000, $0x38;
	[tilespmem:$0x10000] =	vst v63  }
0x82: {  	s1 =	simm.s32 $0x0;
	s3 =	simm.s32 $0x1;
	s2 =	simm.s32 $0x2  }
0x83: {  	s23 =	simm.s32 $0x3;
	s24 =	simm.s32 $0x4;
	s31 =	simm.s32 $0x6;
	v2 =	vmov s1;
	v4 =	vmov s3;
	v5 =	vmov s2  }
0x84: {  	s3 =	simm.s32 $0x5;
	v6 =	vmov s23;
	v7 =	vmov s24;
	v9 =	vmov s31  }
0x85: {  	v3 =	vand.u32 $0x78, v2;
	v2 =	vshll.u32 v2, $0x3;
	v8 =	vmov s3  }
0x86: {  	v10 =	vand.u32 $0x79, v4;
	v11 =	vand.u32 $0x7A, v5;
	v12 =	vand.u32 $0x7B, v6  }
0x87: {  	v13 =	vand.u32 $0x7C, v7;
	v15 =	vand.u32 $0x7E, v9;
	v4 =	vshll.u32 v4, $0x3  }
0x88: {  	s2 =	simm.s32 $0x7;
	s24 =	simm.s32 $0xA;
	v5 =	vshll.u32 v5, $0x3;
	v6 =	vshll.u32 v6, $0x3;
	v7 =	vshll.u32 v7, $0x3  }
0x89: {  	s31 =	simm.s32 $0xB;
	v16 =	vmov s2;
	v9 =	vshll.u32 v9, $0x3;
	v21 =	vmov s24  }
0x8a: {  	v22 =	vmov s31;
	v2 =	vand.u32 $0xC00, v2;
	v14 =	vand.u32 $0x7D, v8  }
0x8b: {  	_ =	swait.ge [sflag:s18], $0x4000;
	v8 =	vshll.u32 v8, $0x3;
	v17 =	vshll.u32 v16, $0x3;
	v4 =	vand.u32 $0xC00, v4  }
0x8c: {  	p2 =	sgt.u32 s29, $0x780;
	[sflag:s18] =	ssyncset.done $0x0;
	v5 =	vand.u32 $0xC00, v5;
	v6 =	vand.u32 $0xC00, v6;
	v7 =	vand.u32 $0xC00, v7  }
0x8d: {  	s1 =	sshll.u32 @!p2 s29, $0x9;
	s23 =	simm.s32 @!p2 $0x0;
	[sflag:s18] =	ssyncadd.s32 $0xFFFFC000;
	v9 =	vand.u32 $0xC00, v9;
	v27 =	vand.u32 $0x7A, v21;
	v2 =	vor.u32 v3, v2  }
0x8e: {  	s1 =	sadd.s32 @!p2 s1, s8;
	s2 =	simm.s32 @!p2 $0x1000;
	s3 =	simm.s32 @!p2 $0x7A1400;
	v3 =	vand.u32 $0x7F, v16;
	v16 =	vand.u32 $0xC00, v17;
	v4 =	vor.u32 v10, v4  }
0x8f: {  	[tilespmem:s23], [sflag:$0x1] =	stream.strided.gather @!p2 [hbm4b:s1+s2], $0x4000, s3, s2, $0x38;
	v5 =	vor.u32 v11, v5;
	v3 =	vor.u32 v3, v16;
	v16 =	vor.u32 v0, v4;
	[tilespmem:$0x10000] =	vst v63  }
0x90: {  	s1 =	simm.s32 @!p1 $0x4;
	v28 =	vand.u32 $0x7B, v22;
	v6 =	vor.u32 v12, v6;
	v11 =	vor.u32 v0, v5  }
0x91: {  	s23 =	simm.s32 $0x9;
	v7 =	vor.u32 v13, v7;
	_ =	swait.ge @!p1 [sflag:s1], $0x4000;
	v8 =	vand.u32 $0xC00, v8;
	v10 =	vor.u32 v0, v3  }
0x92: {  	s2 =	simm.s32 $0xC;
	v9 =	vor.u32 v15, v9;
	v20 =	vmov s23;
	v12 =	vor.u32 v0, v6;
	[sflag:s1] =	ssyncset.done @!p1 $0x0  }
0x93: {  	s3 =	simm.s32 $0x8;
	v23 =	vmov s2;
	v13 =	vor.u32 v0, v7;
	v8 =	vor.u32 v14, v8;
	[sflag:s1] =	ssyncadd.s32 @!p1 $0xFFFFC000  }
0x94: {  	v17 =	vor.u32 v0, v2;
	v14 =	vmov s3;
	v15 =	vor.u32 v0, v8;
	v16 =	vld.idx.msk [tilespmem:v16+s19+$0x0], $0xffff  }
0x95: {  	s23 =	simm.s32 $0xE;
	v19 =	vor.u32 v0, v9;
	v4 =	vor.u32 v1, v4;
	v5 =	vor.u32 v1, v5;
	v11 =	vld.idx.msk [tilespmem:v11+s19+$0x0], $0xffff  }
0x96: {  	v25 =	vmov s23;
	v6 =	vor.u32 v1, v6;
	v26 =	vand.u32 $0x79, v20;
	v10 =	vld.idx.msk [tilespmem:v10+s19+$0x0], $0xffff  }
0x97: {  	v7 =	vor.u32 v1, v7;
	v29 =	vand.u32 $0x7C, v23;
	v9 =	vor.u32 v1, v9;
	v12 =	vld.idx.msk [tilespmem:v12+s19+$0x0], $0xffff  }
0x98: {  	s2 =	simm.s32 $0xC070;
	s3 =	simm.s32 $0xD;
	v18 =	vand.u32 $0x78, v14;
	v14 =	vshll.u32 v14, $0x3;
	v3 =	vor.u32 v1, v3;
	v13 =	vld.idx.msk [tilespmem:v13+s19+$0x0], $0xffff  }
0x99: {  	v24 =	vmov s3;
	v8 =	vor.u32 v1, v8;
	v31 =	vand.u32 $0x7E, v25;
	v15 =	vld.idx.msk [tilespmem:v15+s19+$0x0], $0xffff;
	[tilespmem:s2+$0xFFFFFFB0] =	vst v16  }
0x9a: {  	v14 =	vand.u32 $0xC00, v14;
	v30 =	vand.u32 $0x7D, v24;
	v17 =	vld.idx.msk [tilespmem:v17+s19+$0x0], $0xffff;
	v16 =	vshll.u32 v23, $0x3;
	[tilespmem:s2+$0xFFFFFFD0] =	vst v11  }
0x9b: {  	v23 =	vor.u32 v1, v2;
	v11 =	vshll.u32 v24, $0x3;
	v24 =	vshll.u32 v25, $0x3;
	[tilespmem:s2+$0x70] =	vst v10;
	v10 =	vld.idx.msk [tilespmem:v19+s19+$0x0], $0xffff  }
0x9c: {  	s24 =	simm.s32 $0xF;
	[tilespmem:s2+$0xFFFFFFF0] =	vst v12;
	v2 =	vor.u32 v18, v14;
	v19 =	vshll.u32 v20, $0x3;
	v20 =	vshll.u32 v21, $0x3;
	v4 =	vld.idx.msk [tilespmem:v4+s19+$0x0], $0xffff  }
0x9d: {  	[tilespmem:s2+$0x10] =	vst v13;
	v21 =	vshll.u32 v22, $0x3;
	v22 =	vmov s24;
	v5 =	vld.idx.msk [tilespmem:v5+s19+$0x0], $0xffff;
	v13 =	vor.u32 v0, v2  }
0x9e: {  	v6 =	vld.idx.msk [tilespmem:v6+s19+$0x0], $0xffff;
	[tilespmem:s2+$0x30] =	vst v15;
	v25 =	vshll.u32 v22, $0x3;
	v12 =	vand.u32 $0x7F, v22;
	v15 =	vand.u32 $0xC00, v20  }
0x9f: {  	v3 =	vld.idx.msk [tilespmem:v3+s19+$0x0], $0xffff;
	v18 =	vand.u32 $0xC00, v19;
	v19 =	vand.u32 $0xC00, v21;
	v15 =	vor.u32 v27, v15  }
0xa0: {  	[tilespmem:s2+$0xFFFFFF90] =	vst v17;
	v7 =	vld.idx.msk [tilespmem:v7+s19+$0x0], $0xffff;
	v14 =	vand.u32 $0xC00, v25;
	v20 =	vor.u32 v28, v19;
	v17 =	vor.u32 v0, v15  }
0xa1: {  	v8 =	vld.idx.msk [tilespmem:v8+s19+$0x0], $0xffff;
	v12 =	vor.u32 v12, v14;
	v21 =	vor.u32 v0, v20  }
0xa2: {  	s30 =	simm.s32 $0xE0;
	v11 =	vand.u32 $0xC00, v11;
	v14 =	vor.u32 v26, v18;
	v18 =	vor.u32 v0, v12;
	v19 =	vld.idx.msk [tilespmem:v23+s19+$0x0], $0xffff;
	[tilespmem:s2+$0x50] =	vst v10  }
0xa3: {  	s31 =	sor.u32 $0x70, s30;
	v16 =	vand.u32 $0xC00, v16;
	v22 =	vor.u32 v30, v11;
	v10 =	vor.u32 v0, v14;
	[tilespmem:s2+$0xFFFFFFC0] =	vst v4;
	v9 =	vld.idx.msk [tilespmem:v9+s19+$0x0], $0xffff  }
0xa4: {  	v16 =	vor.u32 v29, v16;
	v11 =	vor.u32 v0, v22;
	v4 =	vand.u32 $0xC00, v24;
	[tilespmem:s31+$0xC000] =	vst v3;
	v3 =	vld.idx.msk [tilespmem:v13+s19+$0x0], $0xffff  }
0xa5: {  	s24 =	simm.s32 $0x11;
	[tilespmem:s2+$0xFFFFFFE0] =	vst v5;
	v13 =	vor.u32 v0, v16;
	v25 =	vor.u32 v31, v4;
	v17 =	vld.idx.msk [tilespmem:v17+s19+$0x0], $0xffff  }
0xa6: {  	s23 =	simm.s32 $0xA0;
	v29 =	vmov s24;
	s24 =	simm.s32 $0x13;
	v22 =	vor.u32 v1, v22;
	[tilespmem:s2+$0x0] =	vst v6;
	v28 =	vor.u32 v0, v25;
	v32 =	vld.idx.msk [tilespmem:v21+s19+$0x0], $0xffff  }
0xa7: {  	s3 =	simm.s32 $0x10;
	s1 =	sor.u32 $0x30, s23;
	v63 =	vmov s24;
	v33 =	vor.u32 v1, v15;
	v23 =	vor.u32 v1, v20;
	[tilespmem:s2+$0x20] =	vst v7;
	v26 =	vld.idx.msk [tilespmem:v18+s19+$0x0], $0xffff  }
0xa8: {  	v20 =	vor.u32 v1, v16;
	v5 =	vmov s3;
	s3 =	simm.s32 $0xC0;
	v7 =	vor.u32 v1, v12;
	[tilespmem:s1+$0xC000] =	vst v8;
	v27 =	vld.idx.msk [tilespmem:v10+s19+$0x0], $0xffff  }
0xa9: {  	s24 =	simm.s32 $0x15;
	v12 =	vor.u32 v1, v14;
	v4 =	vand.u32 $0x78, v5;
	v5 =	vshll.u32 v5, $0x3;
	s31 =	simm.s32 $0x12;
	s3 =	sor.u32 $0x50, s3;
	v21 =	vld.idx.msk [tilespmem:v11+s19+$0x0], $0xffff;
	[tilespmem:s2+$0xFFFFFFA0] =	vst v19  }
0xaa: {  	s23 =	simm.s32 $0x14;
	v14 =	vmov s24;
	v62 =	vmov s31;
	s31 =	simm.s32 $0x16;
	v6 =	vand.u32 $0xC00, v5;
	s2 =	simm.s32 $0xC170;
	[tilespmem:s3+$0xC000] =	vst v9;
	v24 =	vld.idx.msk [tilespmem:v13+s19+$0x0], $0xffff  }
0xab: {  	v11 =	vand.u32 $0x79, v29;
	v18 =	vmov s23;
	v19 =	vmov s31;
	v16 =	vld.idx.msk [tilespmem:v28+s19+$0x0], $0xffff;
	[tilespmem:s2+$0xFFFFFFD0] =	vst v17  }
0xac: {  	v10 =	vand.u32 $0x7A, v62;
	v8 =	vand.u32 $0x7C, v18;
	v5 =	vand.u32 $0x7E, v19;
	[tilespmem:s2+$0x70] =	vst v26;
	v13 =	vld.idx.msk [tilespmem:v33+s19+$0x0], $0xffff  }
0xad: {  	v9 =	vand.u32 $0x7B, v63;
	v17 =	vor.u32 v1, v25;
	v25 =	vshll.u32 v63, $0x3;
	[tilespmem:s2+$0xFFFFFFB0] =	vst v27;
	v15 =	vld.idx.msk [tilespmem:v7+s19+$0x0], $0xffff  }
0xae: {  	s23 =	simm.s32 $0x17;
	s3 =	simm.s32 $0x18;
	[tilespmem:s2+$0xFFFFFFF0] =	vst v32;
	v26 =	vshll.u32 v62, $0x3;
	v7 =	vand.u32 $0x7D, v14;
	v27 =	vshll.u32 v29, $0x3;
	v12 =	vld.idx.msk [tilespmem:v12+s19+$0x0], $0xffff  }
.LBB2_6:
0xaf: {  	p1 =	slt.u32 s3, $0x1F8;
	v18 =	vshll.u32 v18, $0x3;
	v28 =	vmov s23;
	v29 =	vor.u32 v1, v2;
	v23 =	vld.idx.msk [tilespmem:v23+s19+$0x0], $0xffff;
	[tilespmem:s2+$0x10] =	vst v24  }
0xb0: {  	v14 =	vshll.u32 v14, $0x3;
	v19 =	vshll.u32 v19, $0x3;
	s30 =	sadd.s32 $0x100, s30;
	v24 =	vshll.u32 v28, $0x3;
	v20 =	vld.idx.msk [tilespmem:v20+s19+$0x0], $0xffff;
	[tilespmem:s2+$0x30] =	vst v21  }
0xb1: {  	v2 =	vor.u32 v4, v6;
	v4 =	vand.u32 $0x7F, v28;
	s1 =	sadd.s32 $0xFFFFFFC0, s30;
	s23 =	sadd.s32 $0xFFFFFFE0, s30;
	s24 =	sor.u32 $0x70, s30;
	v6 =	vand.u32 $0xC00, v24;
	v21 =	vld.idx.msk [tilespmem:v22+s19+$0x0], $0xffff;
	[tilespmem:s2+$0x50] =	vst v16  }
0xb2: {  	v16 =	vor.u32 v0, v2;
	v22 =	vand.u32 $0xC00, v27;
	s1 =	sor.u32 $0x30, s1;
	s23 =	sor.u32 $0x50, s23;
	v6 =	vor.u32 v4, v6;
	v17 =	vld.idx.msk [tilespmem:v17+s19+$0x0], $0xffff;
	[tilespmem:s24+$0xC000] =	vst v15  }
0xb3: {  	v11 =	vor.u32 v11, v22;
	v4 =	vand.u32 $0xC00, v26;
	v15 =	vor.u32 v0, v6;
	[tilespmem:s2+$0xFFFFFF90] =	vst v3  }
0xb4: {  	v22 =	vor.u32 v0, v11;
	v10 =	vor.u32 v10, v4;
	v3 =	vand.u32 $0xC00, v25;
	v24 =	vld.idx.msk [tilespmem:v29+s19+$0x0], $0xffff;
	[tilespmem:s2+$0xFFFFFFC0] =	vst v12  }
0xb5: {  	v12 =	vor.u32 v0, v10;
	v9 =	vor.u32 v9, v3;
	v3 =	vand.u32 $0xC00, v18;
	[tilespmem:s2+$0xFFFFFFE0] =	vst v13  }
0xb6: {  	v4 =	vand.u32 $0xC00, v14;
	v13 =	vor.u32 v0, v9;
	v8 =	vor.u32 v8, v3;
	[tilespmem:s2+$0x0] =	vst v23  }
0xb7: {  	v7 =	vor.u32 v7, v4;
	v4 =	vand.u32 $0xC00, v19;
	v3 =	vld.idx.msk [tilespmem:v16+s19+$0x0], $0xffff;
	v16 =	vor.u32 v0, v8;
	[tilespmem:s2+$0x20] =	vst v20  }
0xb8: {  	v14 =	vmov s3;
	v25 =	vor.u32 v5, v4;
	v20 =	vor.u32 v0, v7;
	v5 =	vld.idx.msk [tilespmem:v15+s19+$0x0], $0xffff;
	[tilespmem:s1+$0xC000] =	vst v21  }
0xb9: {  	v4 =	vand.u32 $0x78, v14;
	s1 =	sadd.s32 $0x1, s3;
	v15 =	vld.idx.msk [tilespmem:v22+s19+$0x0], $0xffff;
	v22 =	vor.u32 v0, v25;
	[tilespmem:s23+$0xC000] =	vst v17  }
0xba: {  	v17 =	vshll.u32 v14, $0x3;
	v26 =	vmov s1;
	s1 =	sadd.s32 $0x2, s3;
	s23 =	sadd.s32 $0x3, s3;
	v27 =	vld.idx.msk [tilespmem:v12+s19+$0x0], $0xffff;
	v12 =	vor.u32 v1, v6;
	[tilespmem:s2+$0xFFFFFFA0] =	vst v24  }
0xbb: {  	v30 =	vor.u32 v1, v11;
	v28 =	vmov s1;
	v29 =	vmov s23;
	s1 =	sadd.s32 $0x4, s3;
	s23 =	sadd.s32 $0x5, s3;
	v31 =	vld.idx.msk [tilespmem:v13+s19+$0x0], $0xffff  }
0xbc: {  	v18 =	vmov s1;
	v14 =	vmov s23;
	s1 =	sadd.s32 $0x6, s3;
	v13 =	vor.u32 v1, v10;
	v24 =	vld.idx.msk [tilespmem:v16+s19+$0x0], $0xffff  }
.Ltmp7:
0xbd: {  	v23 =	vor.u32 v1, v9;
	v6 =	vand.u32 $0xC00, v17;
	s2 =	sadd.s32 $0x100, s2;
	v19 =	vmov s1;
	v21 =	vld.idx.msk [tilespmem:v20+s19+$0x0], $0xffff;
	(pc) =	sbr.rel @p1 .LBB2_6-.Ltmp7, $4  }
0xbe: {  	v11 =	vand.u32 $0x79, v26;
	v10 =	vand.u32 $0x7A, v28;
	v20 =	vor.u32 v1, v8;
	v16 =	vld.idx.msk [tilespmem:v22+s19+$0x0], $0xffff;
	[tilespmem:s2+$0x70] =	vst v5  }
0xbf: {  	v9 =	vand.u32 $0x7B, v29;
	v8 =	vand.u32 $0x7C, v18;
	v22 =	vor.u32 v1, v7;
	[tilespmem:s2+$0xFFFFFFB0] =	vst v15;
	v15 =	vld.idx.msk [tilespmem:v12+s19+$0x0], $0xffff  }
0xc0: {  	v17 =	vor.u32 v1, v25;
	v7 =	vand.u32 $0x7D, v14;
	v5 =	vand.u32 $0x7E, v19;
	v12 =	vld.idx.msk [tilespmem:v30+s19+$0x0], $0xffff;
	[tilespmem:s2+$0xFFFFFFD0] =	vst v27  }
0xc1: {  	v25 =	vshll.u32 v29, $0x3;
	s23 =	sadd.s32 $0x7, s3;
	s3 =	sadd.s32 $0x8, s3;
	v27 =	vshll.u32 v26, $0x3;
	v26 =	vshll.u32 v28, $0x3;
	v13 =	vld.idx.msk [tilespmem:v13+s19+$0x0], $0xffff;
	[tilespmem:s2+$0xFFFFFFF0] =	vst v31  }
0xc2: {  	v28 =	vmov s23  }
0xc3: {  	v18 =	vshll.u32 v18, $0x3;
	v2 =	vor.u32 v1, v2;
	v14 =	vshll.u32 v14, $0x3  }
0xc4: {  	[tilespmem:s2+$0x10] =	vst v24;
	v19 =	vshll.u32 v19, $0x3;
	v46 =	vand.u32 $0xC00, v27;
	v47 =	vand.u32 $0xC00, v26  }
0xc5: {  	[tilespmem:s2+$0x30] =	vst v21;
	v50 =	vand.u32 $0xC00, v25;
	v29 =	vshll.u32 v28, $0x3;
	v11 =	vor.u32 v11, v46  }
0xc6: {  	s3 =	sadd.s32 $0x100, s30;
	v23 =	vld.idx.msk [tilespmem:v23+s19+$0x0], $0xffff;
	[tilespmem:s2+$0xFFFFFF90] =	vst v3;
	v44 =	vand.u32 $0x7F, v28;
	v10 =	vor.u32 v10, v47;
	v49 =	vor.u32 v0, v11  }
0xc7: {  	[tilespmem:s2+$0x50] =	vst v16;
	s1 =	sor.u32 $0x70, s3;
	v20 =	vld.idx.msk [tilespmem:v20+s19+$0x0], $0xffff;
	v9 =	vor.u32 v9, v50;
	v51 =	vand.u32 $0xC00, v18;
	v3 =	vor.u32 v0, v10  }
0xc8: {  	v22 =	vld.idx.msk [tilespmem:v22+s19+$0x0], $0xffff;
	v14 =	vand.u32 $0xC00, v14;
	[tilespmem:s1+$0xC000] =	vst v15;
	v52 =	vor.u32 v0, v9;
	v8 =	vor.u32 v8, v51  }
0xc9: {  	v54 =	vand.u32 $0xC00, v19;
	v17 =	vld.idx.msk [tilespmem:v17+s19+$0x0], $0xffff;
	v7 =	vor.u32 v7, v14;
	[tilespmem:s2+$0xFFFFFFC0] =	vst v12;
	v53 =	vor.u32 v0, v8  }
0xca: {  	v45 =	vand.u32 $0xC00, v29;
	v5 =	vor.u32 v5, v54;
	v55 =	vor.u32 v0, v7;
	[tilespmem:s2+$0xFFFFFFE0] =	vst v13;
	v2 =	vld.idx.msk [tilespmem:v2+s19+$0x0], $0xffff  }
0xcb: {  	s24 =	sadd.s32 $0xFFFFFFC0, s3;
	v24 =	vor.u32 v44, v45;
	v57 =	vor.u32 v0, v5;
	[tilespmem:s2+$0x0] =	vst v23;
	v15 =	vld.idx.msk [tilespmem:v49+s19+$0x0], $0xffff  }
0xcc: {  	v4 =	vor.u32 v4, v6;
	s30 =	sadd.s32 $0xFFFFFFE0, s3;
	s1 =	sor.u32 $0x30, s24;
	v48 =	vor.u32 v0, v24;
	[tilespmem:s2+$0x20] =	vst v20;
	v3 =	vld.idx.msk [tilespmem:v3+s19+$0x0], $0xffff  }
0xcd: {  	v59 =	vor.u32 v0, v4;
	s23 =	sor.u32 $0x50, s30;
	[tilespmem:s1+$0xC000] =	vst v22;
	v12 =	vld.idx.msk [tilespmem:v52+s19+$0x0], $0xffff  }
0xce: {  	v10 =	vor.u32 v1, v10;
	[tilespmem:s23+$0xC000] =	vst v17;
	v60 =	vld.idx.msk [tilespmem:v53+s19+$0x0], $0xffff  }
0xcf: {  	s31 =	sadd.s32 $0x100, s2;
	v9 =	vor.u32 v1, v9;
	v61 =	vld.idx.msk [tilespmem:v55+s19+$0x0], $0xffff;
	[tilespmem:s2+$0xFFFFFFA0] =	vst v2  }
0xd0: {  	v62 =	vld.idx.msk [tilespmem:v57+s19+$0x0], $0xffff;
	v2 =	vor.u32 v1, v11;
	[tilespmem:s31+$0xFFFFFFB0] =	vst v15  }
0xd1: {  	v8 =	vor.u32 v1, v8;
	v56 =	vld.idx.msk [tilespmem:v48+s19+$0x0], $0xffff;
	[tilespmem:s31+$0xFFFFFFD0] =	vst v3  }
0xd2: {  	v58 =	vor.u32 v1, v24;
	v3 =	vld.idx.msk [tilespmem:v59+s19+$0x0], $0xffff;
	[tilespmem:s31+$0xFFFFFFF0] =	vst v12  }
0xd3: {  	v7 =	vor.u32 v1, v7;
	[tilespmem:s31+$0x10] =	vst v60;
	v10 =	vld.idx.msk [tilespmem:v10+s19+$0x0], $0xffff  }
0xd4: {  	v5 =	vor.u32 v1, v5;
	[tilespmem:s31+$0x30] =	vst v61;
	v9 =	vld.idx.msk [tilespmem:v9+s19+$0x0], $0xffff  }
0xd5: {  	v4 =	vor.u32 v1, v4;
	[tilespmem:s31+$0x50] =	vst v62;
	v2 =	vld.idx.msk [tilespmem:v2+s19+$0x0], $0xffff  }
0xd6: {  	[tilespmem:s31+$0x70] =	vst v56;
	v8 =	vld.idx.msk [tilespmem:v8+s19+$0x0], $0xffff  }
0xd7: {  	v6 =	vld.idx.msk [tilespmem:v58+s19+$0x0], $0xffff;
	[tilespmem:s31+$0xFFFFFF90] =	vst v3  }
0xd8: {  	v63 =	vld.idx.msk [tilespmem:v7+s19+$0x0], $0xffff;
	[tilespmem:s31+$0xFFFFFFE0] =	vst v10  }
0xd9: {  	v3 =	vld.idx.msk [tilespmem:v5+s19+$0x0], $0xffff;
	[tilespmem:s31+$0x0] =	vst v9  }
0xda: {  	s23 =	sadd.s32 $0x100, s3;
	[tilespmem:s31+$0xFFFFFFC0] =	vst v2;
	v2 =	vld.idx.msk [tilespmem:v4+s19+$0x0], $0xffff  }
0xdb: {  	s3 =	sor.u32 $0x70, s23;
	s24 =	sadd.s32 $0xFFFFFFC0, s23;
	[tilespmem:s31+$0x20] =	vst v8  }
.Ltmp8:
0xdc: {  	s2 =	sadd.s32 $0xFFFFFFE0, s23;
	[tilespmem:s3+$0xC000] =	vst v6;
	s3 =	sor.u32 $0x30, s24;
	(pc) =	sbr.rel .LBB2_8-.Ltmp8, $4  }
0xdd: {  	s2 =	sor.u32 $0x50, s2;
	[tilespmem:s3+$0xC000] =	vst v63  }
0xde: {  	s30 =	sshll.u32 s29, $0xB;
	[tilespmem:s2+$0xC000] =	vst v3  }
0xdf: {  	[tilespmem:s31+$0xFFFFFFA0] =	vst v2;
	s31 =	sadd.s32 s6, s30  }
0xe0: {  	[hbm4b:s31+s4] =	stream.linear.scatter [tilespmem:s20], [sflag:$0x4], $0x4000, $0x38;
	[tilespmem:$0x10000] =	vst v63  }
.LBB2_10:
0xe1: {  	s1 =	simm.s32 $0x0;
	s2 =	rddreg [dreg:$0x1]  }
0xe2: {  	[tilespmem:s1], [sflag:$0x5] =	stream.linear.gather [hbm4b:s2+s1], $0x400, $0x38;
	[tilespmem:$0x10000] =	vst v63  }
0xe3: {  	_ = 	snop  }
0xe4: {  	[tilespmem:s14], [sflag:$0x5] =	stream.linear.gather [hbm4b:s11+s1], $0x400, $0x38;
	[tilespmem:$0x10000] =	vst v63  }
0xe5: {  	s23 =	simm.s32 $0x2000  }
0xe6: {  	[tilespmem:s23], [sflag:$0x5] =	stream.linear.gather [hbm4b:s13+s1], $0x400, $0x38;
	[tilespmem:$0x10000] =	vst v63  }
0xe7: {  	s24 =	simm.s32 $0x3000;
	v2 =	vor.u32 s1, v0  }
0xe8: {  	[tilespmem:s24], [sflag:$0x5] =	stream.linear.gather [hbm4b:s12+s1], $0x400, $0x38;
	[tilespmem:$0x10000] =	vst v63  }
0xe9: {  	_ =	swait.ge [sflag:s25], $0x1000  }
0xea: {  	[sflag:s25] =	ssyncset.done $0x0  }
0xeb: {  	[sflag:s25] =	ssyncadd.s32 $0xFFFFF000  }
0xec: {  	v2 =	vld.idx.msk [tilespmem:v2+s4+$0x0], $0xffff  }
0xed: {  	v3 =	vor.u32 s1, v1;
	_ =	sdelay $0x2  }
0xee: {  	s2 =	simm.s32 $0x8040  }
0xef: {  	[tilespmem:s2+$0xFFFFFFC0] =	vst v2  }
0xf0: {  	s29 =	simm.s32 $0x1;
	v2 =	vld.idx.msk [tilespmem:v3+s4+$0x0], $0xffff  }
0xf1: {  	v3 =	vor.u32 s29, v0;
	_ =	sdelay $0x3  }
0xf2: {  	[tilespmem:s2+$0xFFFFFFD0] =	vst v2  }
0xf3: {  	v2 =	vld.idx.msk [tilespmem:v3+s4+$0x0], $0xffff  }
0xf4: {  	v3 =	vor.u32 s29, v1;
	_ =	sdelay $0x3  }
0xf5: {  	[tilespmem:s2+$0xFFFFFFE0] =	vst v2  }
0xf6: {  	s30 =	simm.s32 $0x2;
	v2 =	vld.idx.msk [tilespmem:v3+s4+$0x0], $0xffff  }
0xf7: {  	v3 =	vor.u32 s30, v0;
	_ =	sdelay $0x3  }
0xf8: {  	[tilespmem:s2+$0xFFFFFFF0] =	vst v2  }
0xf9: {  	v2 =	vld.idx.msk [tilespmem:v3+s4+$0x0], $0xffff  }
0xfa: {  	v3 =	vor.u32 s30, v1;
	_ =	sdelay $0x3  }
0xfb: {  	[tilespmem:s2+$0x0] =	vst v2  }
0xfc: {  	s31 =	simm.s32 $0x3;
	v2 =	vld.idx.msk [tilespmem:v3+s4+$0x0], $0xffff  }
0xfd: {  	v3 =	vor.u32 s31, v0;
	_ =	sdelay $0x3  }
0xfe: {  	[tilespmem:s2+$0x10] =	vst v2  }
0xff: {  	v2 =	vld.idx.msk [tilespmem:v3+s4+$0x0], $0xffff  }
0x100: {  	v3 =	vor.u32 s31, v1;
	_ =	sdelay $0x3  }
0x101: {  	[tilespmem:s2+$0x20] =	vst v2  }
0x102: {  	s3 =	simm.s32 $0x4;
	v2 =	vld.idx.msk [tilespmem:v3+s4+$0x0], $0xffff  }
0x103: {  	s28 =	simm.s32 $0x8;
	v3 =	vor.u32 s3, v0  }
.LBB2_11:
0x104: {  	p1 =	sne.s32 s28, $0x3C;
	_ =	sdelay $0x2  }
0x105: {  	[tilespmem:s2+$0x30] =	vst v2  }
0x106: {  	v2 =	vld.idx.msk [tilespmem:v3+s4+$0x0], $0xffff;
	_ =	sdelay $0x1  }
0x107: {  	v3 =	vor.u32 s3, v1;
	_ =	sdelay $0x2  }
0x108: {  	s2 =	sadd.s32 $0x80, s2  }
0x109: {  	[tilespmem:s2+$0xFFFFFFC0] =	vst v2  }
0x10a: {  	v2 =	vld.idx.msk [tilespmem:v3+s4+$0x0], $0xffff  }
0x10b: {  	s1 =	sadd.s32 $0x1, s3  }
0x10c: {  	v3 =	vor.u32 s1, v0;
	_ =	sdelay $0x3  }
0x10d: {  	[tilespmem:s2+$0xFFFFFFD0] =	vst v2  }
0x10e: {  	v2 =	vld.idx.msk [tilespmem:v3+s4+$0x0], $0xffff;
	_ =	sdelay $0x1  }
0x10f: {  	v3 =	vor.u32 s1, v1;
	_ =	sdelay $0x3  }
0x110: {  	[tilespmem:s2+$0xFFFFFFE0] =	vst v2  }
0x111: {  	v2 =	vld.idx.msk [tilespmem:v3+s4+$0x0], $0xffff  }
0x112: {  	s1 =	sadd.s32 $0x2, s3  }
0x113: {  	v3 =	vor.u32 s1, v0;
	_ =	sdelay $0x3  }
0x114: {  	[tilespmem:s2+$0xFFFFFFF0] =	vst v2  }
0x115: {  	v2 =	vld.idx.msk [tilespmem:v3+s4+$0x0], $0xffff;
	_ =	sdelay $0x1  }
0x116: {  	v3 =	vor.u32 s1, v1;
	_ =	sdelay $0x3  }
0x117: {  	[tilespmem:s2+$0x0] =	vst v2  }
0x118: {  	v2 =	vld.idx.msk [tilespmem:v3+s4+$0x0], $0xffff  }
0x119: {  	s1 =	sadd.s32 $0x3, s3;
	s3 =	smov.u32 s28  }
0x11a: {  	v3 =	vor.u32 s1, v0;
	_ =	sdelay $0x3  }
0x11b: {  	[tilespmem:s2+$0x10] =	vst v2  }
0x11c: {  	v2 =	vld.idx.msk [tilespmem:v3+s4+$0x0], $0xffff;
	_ =	sdelay $0x1  }
0x11d: {  	v3 =	vor.u32 s1, v1;
	_ =	sdelay $0x2  }
.Ltmp9:
0x11e: {  	(pc) =	sbr.rel @p1 .LBB2_11-.Ltmp9, $3  }
0x11f: {  	[tilespmem:s2+$0x20] =	vst v2  }
0x120: {  	v2 =	vld.idx.msk [tilespmem:v3+s4+$0x0], $0xffff;
	_ =	sdelay $0x1  }
0x121: {  	s28 =	sadd.s32 $0x4, s28;
	v3 =	vor.u32 s3, v0  }
0x122: {  	_ =	sdelay $0x2  }
0x123: {  	[tilespmem:s2+$0x30] =	vst v2  }
0x124: {  	v2 =	vld.idx.msk [tilespmem:v3+s4+$0x0], $0xffff  }
0x125: {  	v3 =	vor.u32 s3, v1;
	_ =	sdelay $0x2  }
0x126: {  	s1 =	sadd.s32 $0x80, s2  }
0x127: {  	[tilespmem:s1+$0xFFFFFFC0] =	vst v2  }
0x128: {  	s29 =	sadd.s32 $0x1, s3;
	v2 =	vld.idx.msk [tilespmem:v3+s4+$0x0], $0xffff  }
0x129: {  	v3 =	vor.u32 s29, v0;
	_ =	sdelay $0x3  }
0x12a: {  	[tilespmem:s1+$0xFFFFFFD0] =	vst v2  }
0x12b: {  	v2 =	vld.idx.msk [tilespmem:v3+s4+$0x0], $0xffff  }
0x12c: {  	v3 =	vor.u32 s29, v1;
	_ =	sdelay $0x3  }
0x12d: {  	[tilespmem:s1+$0xFFFFFFE0] =	vst v2  }
0x12e: {  	s30 =	sadd.s32 $0x2, s3;
	v2 =	vld.idx.msk [tilespmem:v3+s4+$0x0], $0xffff  }
0x12f: {  	v3 =	vor.u32 s30, v0;
	_ =	sdelay $0x3  }
0x130: {  	[tilespmem:s1+$0xFFFFFFF0] =	vst v2  }
0x131: {  	v2 =	vld.idx.msk [tilespmem:v3+s4+$0x0], $0xffff  }
0x132: {  	v3 =	vor.u32 s30, v1;
	_ =	sdelay $0x3  }
0x133: {  	[tilespmem:s1+$0x0] =	vst v2  }
0x134: {  	s31 =	sadd.s32 $0x3, s3;
	v2 =	vld.idx.msk [tilespmem:v3+s4+$0x0], $0xffff  }
0x135: {  	v3 =	vor.u32 s31, v0;
	_ =	sdelay $0x3  }
0x136: {  	[tilespmem:s1+$0x10] =	vst v2  }
0x137: {  	v2 =	vld.idx.msk [tilespmem:v3+s4+$0x0], $0xffff  }
0x138: {  	v3 =	vor.u32 s31, v1;
	_ =	sdelay $0x3  }
0x139: {  	[tilespmem:s1+$0x20] =	vst v2  }
0x13a: {  	v2 =	vld.idx.msk [tilespmem:v3+s4+$0x0], $0xffff;
	_ =	sdelay $0x4  }
.Ltmp10:
0x13b: {  	[tilespmem:s1+$0x30] =	vst v2;
	(pc) =	sbr.rel .LBB2_13-.Ltmp10, $4  }
0x13c: {  	[hbm4b:s9+s4] =	stream.linear.scatter [tilespmem:s17], [sflag:$0x5], $0x800, $0x38;
	[tilespmem:$0x10000] =	vst v63  }
0x13d: {  	_ =	swait.ge [sflag:s25], $0x800  }
0x13e: {  	[sflag:s25] =	ssyncset.done $0x0  }
0x13f: {  	[sflag:s25] =	ssyncadd.s32 $0xFFFFF800  }
.LBB2_14:
0x140: {  	_ =	sfence.sel $0x180000  }
0x141: {  	[bflag:$0x0] =	sbarrier.arrive $0xFFFF  }
0x142: {  	_ =	strace $0x90000047  }
0x143: {  	s0 =	stileid.u32;
	[bflag:$0x2] =	sbarrier.arrive $0xFFFF  }
0x144: {  	p0 =	sne.s32 s0, $0x0;
	s0 =	rddreg [dreg:$0x3]  }
0x145: {  	s0 =	sadd.s32 @!p0 $0x100000, s0  }
0x146: {  	[sflag:s0] =	ssyncadd.tile.s32 @!p0 $0x1;
	_ =	shalt  }
.Lfunc_end2:
_tile_overlayer_lowered:
.L_overlay_start_2:
0x147: {  	(tag) =	ssettag $0x2  }
0x148: {  	s0 =	rddreg [dreg:$0x0];
	s2 =	stileid.u32  }
0x149: {  	s1 =	rddreg [dreg:$0x1];
	p0 =	sne.s32 s2, $0x0  }
0x14a: {  	s3 =	rddreg [dreg:$0x2];
	[bflag:$0x3] =	sbarrier.arrive $0xFFFF;
	s2 =	simm.s32 @!p0 $0x1C05  }
0x14b: {  	[timem:s3], [sflag:s2] =	dma.local @!p0 [hbm:s0], s1  }
0x14c: {  	s0 =	simm.s32 @!p0 $0x5  }
0x14d: {  	_ =	swait.ge @!p0 [sflag:s0], s1  }
0x14e: {  	s1 =	ssub.s32 @!p0 $0x0, s1;
	[sflag:s0] =	ssyncset.done @!p0 $0x0  }
0x14f: {  	[sflag:s0] =	ssyncadd.s32 @!p0 s1  }
0x150: {  	[bflag:$0x3] =	sbarrier.arrive $0xFFFF  }
0x151: {  	_ =	shalt  }

// kernel: kernel.7.cloned.1.call-start
scs
__scs_entry_jumppad:
0x0: {  	(pc) =	sbr.rel $0x88, $3  }
0x1: {  	(tag) =	ssettag $0x0;
	lr =	simm.s32 $0x1  }
0x2: {  	[smem:$0x3F9F] =	sst lr;
	_ =	strace $0xD0000000  }
0x3: {  	_ = 	snop  }
0x4: {  	_ = 	snop  }
0x5: {  	_ = 	snop  }
0x6: {  	_ = 	snop  }
0x7: {  	_ = 	snop  }
__scs_overlays_trampoline_lowered:
0x8: {  	[smem:$0x3FAE] =	sst s0  }
0x9: {  	[smem:$0x3FAF] =	sst s1  }
0xa: {  	[smem:$0x3FB0] =	sst s2  }
0xb: {  	[smem:$0x3FB1] =	sst s3  }
0xc: {  	[smem:$0x3FB2] =	sst s4  }
0xd: {  	[smem:$0x3FB3] =	sst s5  }
0xe: {  	[smem:$0x3FB4] =	sst s6  }
0xf: {  	[smem:$0x3FB5] =	sst s7  }
0x10: {  	[smem:$0x3FB6] =	sst s8  }
0x11: {  	[smem:$0x3FB7] =	sst s9;
	s0 =	simm.s32 @!p0 $0x0  }
0x12: {  	s1 =	sld [smem:$0x3F9D];
	s0 =	simm.s32 @p0 $0x1  }
0x13: {  	[smem:$0x3FB8] =	sst s0;
	s0 =	simm.s32 @!p1 $0x0  }
0x14: {  	s2 =	sld [smem:$0x3F9C];
	s0 =	simm.s32 @p1 $0x1  }
0x15: {  	[smem:$0x3FB9] =	sst s0;
	s0 =	simm.s32 @!p2 $0x0  }
0x16: {  	s3 =	sld [smem:$0x3FDB];
	s0 =	simm.s32 @p2 $0x1  }
0x17: {  	s4 =	simm.s32 $0x1BF5;
	[smem:$0x3FBB] =	sst s0  }
0x18: {  	s0 =	sld [smem:$0x3F9E];
	_ =	swait.ge [sflag:s4], $0x0  }
0x19: {  	s7 =	sld [smem:$0x3F9F]  }
0x1a: {  	s8 =	sadd.s32 $0xFFFFE003, lr  }
0x1b: {  	s9 =	sadd.s32 $0xFFFFFEF7, lr;
	s5 =	simm.s32 $0xFFFFFFFF;
	p2 =	slt.u32 s8, $0xFFFFF086  }
0x1c: {  	p1 =	slt.u32 s9, $0xF7A;
	s5 =	simm.s32 @!p2 $0x0  }
0x1d: {  	s5 =	simm.s32 @p1 $0x1;
	p0 =	seq.s32 s7, s2  }
0x1e: {  	s7 =	smul.u32 @!p0 $0xF7A, s2;
	p2 =	seq.s32 @!p0 s5, $0x0  }
0x1f: {  	s9 =	smul.u32 $0xF7A, s1;
	s8 =	simm.s32 @!p0 $0x1BF5;
	p2 =	por !p2, p0  }
0x20: {  	[sflag:s8] =	ssyncset.s32 @!p0 $0xFFFFF086;
	s6 =	sadd.s32 @!p0 s3, s7;
	s7 =	simm.s32 @!p0 $0x108  }
0x21: {  	s3 =	sadd.s32 s3, s9;
	s6 =	sadd.s32 @!p0 $0x88, s6;
	s7 =	simm.s32 @p2 $0x1082  }
0x22: {  	[simem:s7], [sflag:s8] =	dma.local @!p0 [hbm:s6], $0xF7A  }
0x23: {  	s9 =	sor.u32 $0xD0000000, s2;
	s6 =	simm.s32 $0x108;
	_ =	swait.ge @!p0 [sflag:s8], $0x0  }
0x24: {  	s3 =	sadd.s32 $0x88, s3;
	s6 =	simm.s32 @!p1 $0x1082;
	[sflag:s4] =	ssyncset.s32 $0xFFFFF086  }
0x25: {  	[simem:s6], [sflag:s4] =	dma.local [hbm:s3], $0xF7A  }
0x26: {  	[smem:$0x3F9F] =	sst s1;
	(tag) =	ssettag s2;
	_ =	strace s9  }
0x27: {  	s1 =	sld [smem:$0x3FAF]  }
0x28: {  	s2 =	sld [smem:$0x3FB0]  }
0x29: {  	s4 =	sld [smem:$0x3FB2]  }
0x2a: {  	p0 =	seq.s32 s5, $0x0;
	s5 =	sld [smem:$0x3FB3]  }
0x2b: {  	s6 =	sld [smem:$0x3FB4]  }
0x2c: {  	s7 =	sld [smem:$0x3FB5]  }
0x2d: {  	s3 =	simm.s32 $0x108;
	s8 =	sld [smem:$0x3FB6]  }
0x2e: {  	s3 =	simm.s32 @!p0 $0x1082;
	s9 =	sld [smem:$0x3FB7]  }
0x2f: {  	lr =	sadd.s32 s0, s3;
	s0 =	sld [smem:$0x3FAE]  }
0x30: {  	s3 =	sld [smem:$0x3FB1]  }
0x31: {  	[smem:$0x3FBA] =	sst s10  }
0x32: {  	s10 =	sld [smem:$0x3FB8];
	_ =	sdelay $0x3  }
0x33: {  	p0 =	seq.s32 s10, $0x1;
	s10 =	sld [smem:$0x3FBA];
	_ =	sdelay $0x3  }
0x34: {  	[smem:$0x3FBA] =	sst s10  }
0x35: {  	s10 =	sld [smem:$0x3FB9];
	_ =	sdelay $0x3  }
0x36: {  	p1 =	seq.s32 s10, $0x1;
	s10 =	sld [smem:$0x3FBA];
	_ =	sdelay $0x3  }
0x37: {  	[smem:$0x3FBA] =	sst s10  }
0x38: {  	s10 =	sld [smem:$0x3FBB]  }
0x39: {  	_ = 	snop;
	(pc) =	sbr.ind lr, $3  }
0x3a: {  	_ = 	snop  }
0x3b: {  	_ = 	snop  }
0x3c: {  	p2 =	seq.s32 s10, $0x1;
	s10 =	sld [smem:$0x3FBA]  }
0x3d: {  	_ =	shalt  }
0x3e: {  	_ =	shalt  }
0x3f: {  	_ =	shalt  }
0x40: {  	_ =	shalt  }
0x41: {  	_ =	shalt  }
0x42: {  	_ =	shalt  }
0x43: {  	_ =	shalt  }
0x44: {  	_ =	shalt  }
0x45: {  	_ =	shalt  }
0x46: {  	_ =	shalt  }
0x47: {  	_ =	shalt  }
0x48: {  	_ =	shalt  }
0x49: {  	_ =	shalt  }
0x4a: {  	_ =	shalt  }
0x4b: {  	_ =	shalt  }
0x4c: {  	_ =	shalt  }
0x4d: {  	_ =	shalt  }
0x4e: {  	_ =	shalt  }
0x4f: {  	_ =	shalt  }
0x50: {  	_ =	shalt  }
0x51: {  	_ =	shalt  }
0x52: {  	_ =	shalt  }
0x53: {  	_ =	shalt  }
0x54: {  	_ =	shalt  }
0x55: {  	_ =	shalt  }
0x56: {  	_ =	shalt  }
0x57: {  	_ =	shalt  }
0x58: {  	_ =	shalt  }
0x59: {  	_ =	shalt  }
0x5a: {  	_ =	shalt  }
0x5b: {  	_ =	shalt  }
0x5c: {  	_ =	shalt  }
0x5d: {  	_ =	shalt  }
0x5e: {  	_ =	shalt  }
0x5f: {  	_ =	shalt  }
0x60: {  	_ =	shalt  }
0x61: {  	_ =	shalt  }
0x62: {  	_ =	shalt  }
0x63: {  	_ =	shalt  }
0x64: {  	_ =	shalt  }
0x65: {  	_ =	shalt  }
0x66: {  	_ =	shalt  }
0x67: {  	_ =	shalt  }
0x68: {  	_ =	shalt  }
0x69: {  	_ =	shalt  }
0x6a: {  	_ =	shalt  }
0x6b: {  	_ =	shalt  }
0x6c: {  	_ =	shalt  }
0x6d: {  	_ =	shalt  }
0x6e: {  	_ =	shalt  }
0x6f: {  	_ =	shalt  }
0x70: {  	_ =	shalt  }
0x71: {  	_ =	shalt  }
0x72: {  	_ =	shalt  }
0x73: {  	_ =	shalt  }
0x74: {  	_ =	shalt  }
0x75: {  	_ =	shalt  }
0x76: {  	_ =	shalt  }
0x77: {  	_ =	shalt  }
0x78: {  	_ =	shalt  }
0x79: {  	_ =	shalt  }
0x7a: {  	_ =	shalt  }
0x7b: {  	_ =	shalt  }
0x7c: {  	_ =	shalt  }
0x7d: {  	_ =	shalt  }
0x7e: {  	_ =	shalt  }
0x7f: {  	_ =	shalt  }
0x80: {  	_ =	shalt  }
0x81: {  	_ =	shalt  }
0x82: {  	_ =	shalt  }
0x83: {  	_ =	shalt  }
0x84: {  	_ =	shalt  }
0x85: {  	_ =	shalt  }
0x86: {  	_ =	shalt  }
0x87: {  	_ =	shalt  }
.Lfunc_end0:
.L_simem_size_0:
called_computation.1_lowered:
.L_overlay_start_0:
0x88: {  	s2 =	sld [smem:$0x3FD9]  }
0x89: {  	s3 =	sld [smem:$0x3FFE];
	_ =	sdelay $0x1  }
0x8a: {  	s1 =	srdreg.scid  }
0x8b: {  	s0 =	sand.u32 $0x1, s1  }
0x8c: {  	s17 =	sshll.u32 s0, $0xA;
	s2 =	sadd.s32 s3, s2  }
0x8d: {  	s2 =	sadd.s32 s2, s17  }
0x8e: {  	[smem:$0x3FC6] =	sst s2  }
0x8f: {  	_ = 	snop  }
0x90: {  	s2 =	sld [smem:$0x3FD0];
	(tm) =	ssettm $0x1  }
0x91: {  	s18 =	sld [smem:$0x3FFB];
	_ =	sdelay $0x3  }
0x92: {  	_ =	strace s18  }
0x93: {  	s3 =	sld [smem:$0x3FFC];
	_ =	sdelay $0x3  }
0x94: {  	_ =	strace s3  }
0x95: {  	s3 =	sld [smem:$0x3FFD];
	_ =	sdelay $0x3  }
0x96: {  	_ =	strace s3  }
0x97: {  	_ =	strace $0x8FFFFFFF  }
0x98: {  	s19 =	sld [smem:$0x3FDB];
	_ =	sdelay $0x1  }
0x99: {  	s4 =	simm.s32 $_scs_section_size  }
0x9a: {  	s5 =	simm.s32 $_size__tile_overlayer_lowered;
	s6 =	simm.s32 $_tile_overlayer_lowered  }
0x9b: {  	s22 =	simm.s32 $0x1BFF;
	s21 =	sshll.u32 s6, $0x1;
	s3 =	sadd.s32 s4, s19  }
0x9c: {  	s7 =	simm.s32 $0x0;
	s20 =	sshll.u32 s5, $0x1;
	s5 =	sadd.s32 s21, s3  }
0x9d: {  	[timem:s7], [sflag:s22] =	dma.local [hbm:s5], s20  }
0x9e: {  	_ =	swait.ge [sflag:s22], s20  }
0x9f: {  	s4 =	ssub.s32 $0x0, s20;
	[sflag:s22] =	ssyncset.done $0x0  }
0xa0: {  	[sflag:s22] =	ssyncadd.s32 s4;
	_ =	sdelay $0x1  }
0xa1: {  	s23 =	simm.s32 $0x1B8B  }
0xa2: {  	_ =	swait.ge [sflag:s23], $0x1  }
0xa3: {  	[sflag:s23] =	ssyncset.done $0x0  }
0xa4: {  	s25 =	simm.s32 $0x1B8E;
	s24 =	sld [smem:$0x3FFE];
	[sflag:s23] =	ssyncadd.s32 $0xFFFFFFFF  }
0xa5: {  	s26 =	simm.s32 $execute0_lowered;
	[smem:$0x3FD2] =	sst s25  }
0xa6: {  	s5 =	sshll.u32 s26, $0x1;
	_ =	strace $0x80000049;
	[dreg:$0x1] =	wrdreg $0xFFFFFFFF  }
0xa7: {  	s28 =	simm.s32 $_size_execute0_lowered;
	s3 =	sadd.s32 s3, s5;
	[dreg:$0x0] =	wrdreg $0x0  }
0xa8: {  	s5 =	sshll.u32 s28, $0x1;
	[dreg:$0x2] =	wrdreg s3  }
0xa9: {  	[dreg:$0x3] =	wrdreg s5  }
0xaa: {  	[dreg:$0x4] =	wrdreg $0xC0  }
0xab: {  	_ =	task [dreg:s7], $0x5FFFF  }
0xac: {  	[dreg:$0x1] =	wrdreg $0xFFFFFFFF  }
0xad: {  	[dreg:$0x0] =	wrdreg $0x60  }
0xae: {  	[dreg:$0x2] =	wrdreg s24  }
0xaf: {  	[dreg:$0x3] =	wrdreg s2  }
0xb0: {  	[dreg:$0x4] =	wrdreg $0x9  }
0xb1: {  	_ =	task.clear_ibuf [dreg:s7], $0x5FFFF;
	_ =	strace $0x90000049  }
0xb2: {  	s29 =	simm.s32 $0x9;
	_ =	strace $0x8000004B  }
0xb3: {  	_ =	swait.ge [sflag:s29], $0x1  }
0xb4: {  	[sflag:s29] =	ssyncadd.s32 $0xFFFFFFFF  }
0xb5: {  	_ =	strace $0x9000004B  }
0xb6: {  	_ =	sfence  }
0xb7: {  	s30 =	sld [smem:$0x0];
	_ =	sdelay $0x2  }
0xb8: {  	s31 =	sshll.u32 s1, $0xD;
	s1 =	sshrl.u32 s1, $0x2  }
0xb9: {  	s3 =	sand.u32 $0x4000, s31;
	s1 =	sadd.s32 s1, s30  }
0xba: {  	s0 =	sor.u32 s3, s0;
	s1 =	sshll.u32 s1, $0x11  }
0xbb: {  	s0 =	sor.u32 s1, s0  }
0xbc: {  	s0 =	sadd.s32 $0x8F2B, s0  }
0xbd: {  	[sflag:s0] =	ssyncadd.remote.s32 $0x1  }
0xbe: {  	_ =	sfence.sel $0xFFFF  }
0xbf: {  	[dreg:$0x0] =	wrdreg $0xFFFFFFFF;
	(pc) =	sbr.abs _section_cstart, $3  }
0xc0: {  	[dreg:$0x1] =	wrdreg $0xFFFFFFFF  }
0xc1: {  	_ =	task.clear_ibuf [dreg:s7], $0x2FFFF;
	_ =	strace $0x9FFFFFFF  }
0xc2: {  	(tm) =	ssettm $0x7FFFFFFF  }
0xc3: {  	_ =	shalt  }
tec
execute0_lowered:
.L_overlay_start_1:
0x0: {  	(tag) =	ssettag $0x1  }
0x1: {  	s0 =	srdreg.scid  }
0x2: {  	s2 =	stileid.u32;
	s1 =	rddreg [dreg:$0x0];
	s5 =	simm.s32 $0x0  }
0x3: {  	s9 =	simm.s32 $0x200;
	s10 =	simm.s32 $0x3400;
	s11 =	simm.s32 $0x7400  }
0x4: {  	s12 =	simm.s32 $0x1;
	s0 =	sand.u32 $0x1, s0;
	s3 =	sshll.u32 s2, $0x1  }
0x5: {  	s13 =	simm.s32 $0x1000;
	s14 =	simm.s32 $0x20000;
	s3 =	sor.u32 s0, s3  }
0x6: {  	v0 =	vlaneseq.u32;
	s16 =	simm.s32 $0x2;
	s0 =	ssub.s32 $0x2, s0;
	s4 =	smul.u32 $0x680, s3  }
.Ltmp0:
0x7: {  	s2 =	rddreg [dreg:$0x1];
	v0 =	vmul.u32 $0x20, v0;
	s6 =	sshrl.u32 s0, $0x1;
	(pc) =	sbr.rel .LBB2_1-.Ltmp0, $4  }
0x8: {  	s17 =	simm.s32 $0xF400;
	[smem:$0x7FF] =	sst s5;
	s0 =	ssub.s32 s0, s6  }
0x9: {  	_ =	strace $0x8000004A;
	v1 =	vor.u32 $0xE00, v0;
	s30 =	sadd.s32 s4, s1;
	s0 =	smax.u32 s0, $0x1  }
0xa: {  	v2 =	vor.u32 $0xC00, v0;
	v3 =	vor.u32 $0xA00, v0;
	v4 =	vor.u32 $0x800, v0;
	s6 =	smul.u32 $0x1A, s3;
	s31 =	sadd.s32 $0x3D1400, s30;
	[dreg:$0x4] =	wrdreg s0  }
0xb: {  	v5 =	vor.u32 $0x600, v0;
	v6 =	vor.u32 $0x400, v0;
	v7 =	vor.u32 $0x200, v0;
	s3 =	simm.s32 $0x0;
	s4 =	sadd.s32 $0xA00, s1;
	[dreg:$0x3] =	wrdreg s31  }
.LBB2_8:
0xc: {  	s0 =	simm.s32 $0x3  }
0xd: {  	_ =	swait.ge [sflag:s0], $0x4000  }
0xe: {  	[sflag:s0] =	ssyncset.done $0x0  }
0xf: {  	s1 =	simm.s32 $0x4;
	[sflag:s0] =	ssyncadd.s32 $0xFFFFC000  }
0x10: {  	_ =	swait.ge [sflag:s1], $0x4000  }
0x11: {  	s3 =	rddreg [dreg:$0x5]  }
0x12: {  	s31 =	rddreg [dreg:$0x4];
	s3 =	sadd.s32 $0x1, s3  }
0x13: {  	p0 =	sne.s32 s3, s31  }
.Ltmp1:
0x14: {  	_ = 	snop;
	(pc) =	sbr.rel @!p0 .LBB2_9-.Ltmp1, $3  }
0x15: {  	_ =	sdelay $0x1  }
0x16: {  	[sflag:s1] =	ssyncset.done $0x0  }
0x17: {  	[sflag:s1] =	ssyncadd.s32 $0xFFFFC000  }
.LBB2_1:
0x18: {  	[dreg:$0x5] =	wrdreg s3  }
0x19: {  	s0 =	simm.s32 $0x0;
	s1 =	rddreg [dreg:$0x3];
	s31 =	simm.s32 $0x5  }
0x1a: {  	[tilespmem:s0], [sflag:$0x5] =	stream.linear.gather [hbm4b:s1+s0], $0x3400, $0x38;
	[tilespmem:$0x13400] =	vst v63  }
0x1b: {  	_ =	swait.ge [sflag:s31], $0x3400  }
0x1c: {  	[sflag:s31] =	ssyncset.done $0x0  }
0x1d: {  	[sflag:s31] =	ssyncadd.s32 $0xFFFFCC00  }
0x1e: {  	[tilespmem:s10], [sflag:$0x1] =	stream.indirect.gather [hbm4b:s4+s9], $0x20, s0, s9, $0xb8;
	[tilespmem:$0x13400] =	vst v63  }
0x1f: {  	s21 =	simm.s32 $0x0  }
0x20: {  	[tilespmem:s11], [sflag:$0x2] =	stream.indirect.gather [hbm4b:s4+s9], $0x20, s9, s9, $0xb8;
	[tilespmem:$0x13400] =	vst v63  }
.LBB2_2:
0x21: {  	s0 =	simm.s32 $0x0  }
0x22: {  	s1 =	simm.s32 $0x0;
	s0 =	sand.u32 $0x4, s0  }
0x23: {  	s3 =	simm.s32 $0x0;
	s1 =	sand.u32 $0x3FFFFFF8, s1;
	s5 =	sor.u32 $0x3, s0  }
0x24: {  	s3 =	sand.u32 $0x3, s3;
	s7 =	sor.u32 s5, s1  }
0x25: {  	s8 =	sshll.u32 s3, $0x7;
	v8 =	vmov s7  }
0x26: {  	s23 =	sor.u32 $0x1, s0;
	s18 =	sor.u32 s0, s1;
	v9 =	vmov s8;
	v8 =	vand.u32 $0x1F, v8  }
0x27: {  	v10 =	vmov s18;
	s24 =	sor.u32 s23, s1;
	v12 =	vshll.u32 v9, $0x5;
	v11 =	vbroadcast v8, $0x0  }
0x28: {  	_ =	swait.ge [sflag:s12], $0x4000;
	s25 =	sor.u32 $0x2, s0;
	v9 =	vand.u32 $0x1C, v10;
	v13 =	vor.u32 v0, v12;
	v8 =	vmov s24  }
0x29: {  	p0 =	seq.s32 s21, $0x0;
	[sflag:s12] =	ssyncset.done $0x0;
	s1 =	sor.u32 s25, s1;
	v10 =	vbroadcast v9, $0x0;
	v8 =	vand.u32 $0x1D, v8;
	v14 =	vor.u32 v13, v11  }
0x2a: {  	[sflag:s12] =	ssyncadd.s32 $0xFFFFC000;
	s8 =	simm.s32 @!p0 $0x3;
	v15 =	vmov s1;
	v9 =	vbroadcast v8, $0x0  }
0x2b: {  	_ =	swait.ge @!p0 [sflag:s8], $0x4000;
	v8 =	vand.u32 $0x1E, v15;
	v15 =	vor.u32 v13, v10  }
0x2c: {  	[sflag:s8] =	ssyncset.done @!p0 $0x0;
	v8 =	vbroadcast v8, $0x0;
	v16 =	vor.u32 v13, v9  }
0x2d: {  	[sflag:s8] =	ssyncadd.s32 @!p0 $0xFFFFC000  }
0x2e: {  	s26 =	simm.s32 $0x0;
	v17 =	vor.u32 v7, v12;
	v13 =	vor.u32 v13, v8;
	v14 =	vld.idx.msk [tilespmem:v14+s10+$0x0], $0xffff  }
0x2f: {  	s3 =	sshll.u32 s3, $0xA;
	s1 =	sand.u32 $0x3FFFF000, s26;
	v18 =	vor.u32 v17, v11  }
0x30: {  	s1 =	sor.u32 s1, s3;
	v15 =	vld.idx.msk [tilespmem:v15+s10+$0x0], $0xffff  }
0x31: {  	s5 =	sshll.u32 s5, $0x7;
	s3 =	sadd.s32 $0xB400, s1;
	v19 =	vor.u32 v17, v10;
	v16 =	vld.idx.msk [tilespmem:v16+s10+$0x0], $0xffff  }
0x32: {  	s22 =	sor.u32 s5, s3;
	v20 =	vor.u32 v17, v9  }
0x33: {  	s0 =	sshll.u32 s0, $0x7;
	v13 =	vld.idx.msk [tilespmem:v13+s10+$0x0], $0xffff;
	[tilespmem:s22+$0x0] =	vst v14  }
0x34: {  	s7 =	sshll.u32 s23, $0x7;
	s1 =	sor.u32 s0, s3;
	v14 =	vor.u32 v17, v8;
	v17 =	vld.idx.msk [tilespmem:v18+s10+$0x0], $0xffff;
	v18 =	vor.u32 v6, v12  }
0x35: {  	s0 =	sor.u32 s7, s3;
	[tilespmem:s1+$0x0] =	vst v15;
	v15 =	vor.u32 v18, v11  }
0x36: {  	s8 =	sshll.u32 s25, $0x7;
	v19 =	vld.idx.msk [tilespmem:v19+s10+$0x0], $0xffff;
	[tilespmem:s0+$0x0] =	vst v16  }
0x37: {  	s23 =	sor.u32 s8, s3;
	v16 =	vor.u32 v18, v10;
	v20 =	vld.idx.msk [tilespmem:v20+s10+$0x0], $0xffff  }
0x38: {  	v21 =	vor.u32 v18, v9;
	[tilespmem:s23+$0x0] =	vst v13  }
0x39: {  	v13 =	vld.idx.msk [tilespmem:v14+s10+$0x0], $0xffff;
	[tilespmem:s22+$0x10] =	vst v17  }
0x3a: {  	v14 =	vor.u32 v18, v8;
	v17 =	vor.u32 v5, v12;
	v15 =	vld.idx.msk [tilespmem:v15+s10+$0x0], $0xffff  }
0x3b: {  	[tilespmem:s1+$0x10] =	vst v19;
	v18 =	vor.u32 v17, v11  }
0x3c: {  	v16 =	vld.idx.msk [tilespmem:v16+s10+$0x0], $0xffff;
	[tilespmem:s0+$0x10] =	vst v20  }
0x3d: {  	s15 =	simm.s32 $0x4;
	v19 =	vor.u32 v17, v10;
	v20 =	vld.idx.msk [tilespmem:v21+s10+$0x0], $0xffff  }
0x3e: {  	s18 =	simm.s32 $0x1;
	s3 =	sand.u32 $0x4, s15;
	v21 =	vor.u32 v17, v9;
	[tilespmem:s23+$0x10] =	vst v13  }
0x3f: {  	s19 =	simm.s32 $0x0;
	s20 =	sand.u32 $0x3FFFFFF8, s18;
	s8 =	sor.u32 $0x3, s3;
	v13 =	vld.idx.msk [tilespmem:v14+s10+$0x0], $0xffff;
	[tilespmem:s22+$0x20] =	vst v15  }
0x40: {  	s24 =	sand.u32 $0x3, s19;
	s5 =	sor.u32 s8, s20;
	v14 =	vor.u32 v17, v8;
	v15 =	vor.u32 v4, v12;
	v17 =	vld.idx.msk [tilespmem:v18+s10+$0x0], $0xffff  }
0x41: {  	s7 =	sshll.u32 s24, $0x7;
	[tilespmem:s1+$0x20] =	vst v16;
	v22 =	vor.u32 v15, v10;
	v16 =	vor.u32 v15, v11;
	v18 =	vmov s5  }
0x42: {  	v23 =	vor.u32 v15, v9;
	v19 =	vld.idx.msk [tilespmem:v19+s10+$0x0], $0xffff;
	[tilespmem:s0+$0x20] =	vst v20;
	v20 =	vmov s7;
	v24 =	vand.u32 $0x1F, v18  }
0x43: {  	s15 =	sor.u32 $0x1, s3;
	s25 =	sor.u32 s3, s20;
	v25 =	vor.u32 v15, v8;
	v21 =	vld.idx.msk [tilespmem:v21+s10+$0x0], $0xffff;
	v18 =	vshll.u32 v20, $0x5;
	v15 =	vbroadcast v24, $0x0  }
0x44: {  	v29 =	vor.u32 v3, v12;
	s19 =	sor.u32 $0x2, s3;
	s26 =	sor.u32 s15, s20;
	v20 =	vmov s25;
	[tilespmem:s23+$0x20] =	vst v13;
	v24 =	vor.u32 v0, v18  }
0x45: {  	s18 =	sor.u32 s19, s20;
	v13 =	vmov s26;
	v26 =	vld.idx.msk [tilespmem:v14+s10+$0x0], $0xffff;
	v14 =	vand.u32 $0x1C, v20;
	v27 =	vor.u32 v24, v15;
	[tilespmem:s22+$0x30] =	vst v17  }
0x46: {  	v20 =	vmov s18;
	v13 =	vand.u32 $0x1D, v13;
	v14 =	vbroadcast v14, $0x0;
	v28 =	vld.idx.msk [tilespmem:v16+s10+$0x0], $0xffff  }
0x47: {  	v17 =	vand.u32 $0x1E, v20;
	[tilespmem:s1+$0x30] =	vst v19;
	v16 =	vbroadcast v13, $0x0;
	v13 =	vor.u32 v29, v11  }
0x48: {  	v17 =	vbroadcast v17, $0x0;
	v20 =	vld.idx.msk [tilespmem:v22+s10+$0x0], $0xffff;
	v19 =	vor.u32 v24, v14;
	[tilespmem:s0+$0x30] =	vst v21  }
0x49: {  	v21 =	vor.u32 v24, v16;
	v22 =	vld.idx.msk [tilespmem:v23+s10+$0x0], $0xffff  }
0x4a: {  	v23 =	vor.u32 v24, v17;
	[tilespmem:s23+$0x30] =	vst v26;
	v24 =	vld.idx.msk [tilespmem:v27+s10+$0x0], $0xffff  }
0x4b: {  	s20 =	simm.s32 $0x200;
	v26 =	vor.u32 v29, v10;
	v25 =	vld.idx.msk [tilespmem:v25+s10+$0x0], $0xffff;
	[tilespmem:s22+$0x40] =	vst v28  }
0x4c: {  	s24 =	sshll.u32 s24, $0xA;
	v30 =	vor.u32 v29, v9;
	s18 =	sand.u32 $0x3FFFF000, s20;
	v27 =	vor.u32 v7, v18;
	v13 =	vld.idx.msk [tilespmem:v13+s10+$0x0], $0xffff  }
0x4d: {  	v31 =	vor.u32 v2, v12;
	s18 =	sor.u32 s18, s24;
	v28 =	vor.u32 v27, v15;
	v19 =	vld.idx.msk [tilespmem:v19+s10+$0x0], $0xffff  }
0x4e: {  	v32 =	vor.u32 v31, v11;
	s8 =	sshll.u32 s8, $0x7;
	s18 =	sadd.s32 $0xB400, s18;
	[tilespmem:s1+$0x40] =	vst v20;
	v21 =	vld.idx.msk [tilespmem:v21+s10+$0x0], $0xffff  }
0x4f: {  	s28 =	sor.u32 s8, s18;
	v33 =	vor.u32 v27, v14;
	v20 =	vld.idx.msk [tilespmem:v23+s10+$0x0], $0xffff;
	[tilespmem:s0+$0x40] =	vst v22  }
0x50: {  	v23 =	vor.u32 v27, v16;
	[tilespmem:s28+$0x0] =	vst v24;
	v24 =	vld.idx.msk [tilespmem:v26+s10+$0x0], $0xffff  }
0x51: {  	s3 =	sshll.u32 s3, $0x7;
	v26 =	vor.u32 v27, v17;
	v27 =	vor.u32 v29, v8;
	v29 =	vld.idx.msk [tilespmem:v30+s10+$0x0], $0xffff;
	[tilespmem:s23+$0x40] =	vst v25  }
0x52: {  	s5 =	sshll.u32 s15, $0x7;
	s26 =	sor.u32 s3, s18;
	v30 =	vor.u32 v31, v10;
	v22 =	vld.idx.msk [tilespmem:v28+s10+$0x0], $0xffff;
	[tilespmem:s22+$0x50] =	vst v13  }
0x53: {  	s25 =	sshll.u32 s19, $0x7;
	s24 =	sor.u32 s5, s18;
	v28 =	vor.u32 v6, v18;
	[tilespmem:s26+$0x0] =	vst v19;
	v19 =	vld.idx.msk [tilespmem:v32+s10+$0x0], $0xffff  }
0x54: {  	v12 =	vor.u32 v1, v12;
	s25 =	sor.u32 s25, s18;
	v13 =	vor.u32 v28, v15;
	v59 =	vld.idx.msk [tilespmem:v33+s10+$0x0], $0xffff;
	[tilespmem:s24+$0x0] =	vst v21  }
0x55: {  	v11 =	vor.u32 v12, v11;
	[tilespmem:s25+$0x0] =	vst v20;
	v21 =	vld.idx.msk [tilespmem:v23+s10+$0x0], $0xffff  }
0x56: {  	v20 =	vor.u32 v28, v14;
	v23 =	vld.idx.msk [tilespmem:v26+s10+$0x0], $0xffff;
	[tilespmem:s1+$0x50] =	vst v24  }
0x57: {  	v25 =	vor.u32 v28, v16;
	v26 =	vor.u32 v28, v17;
	[tilespmem:s0+$0x50] =	vst v29;
	v28 =	vld.idx.msk [tilespmem:v30+s10+$0x0], $0xffff  }
0x58: {  	[tilespmem:s28+$0x10] =	vst v22;
	v22 =	vld.idx.msk [tilespmem:v27+s10+$0x0], $0xffff  }
0x59: {  	v24 =	vor.u32 v31, v9;
	v27 =	vor.u32 v5, v18;
	v13 =	vld.idx.msk [tilespmem:v13+s10+$0x0], $0xffff;
	[tilespmem:s22+$0x60] =	vst v19  }
0x5a: {  	[tilespmem:s26+$0x10] =	vst v59;
	v19 =	vor.u32 v27, v15;
	v30 =	vld.idx.msk [tilespmem:v11+s10+$0x0], $0xffff  }
0x5b: {  	v11 =	vor.u32 v31, v8;
	v20 =	vld.idx.msk [tilespmem:v20+s10+$0x0], $0xffff;
	[tilespmem:s24+$0x10] =	vst v21  }
0x5c: {  	s29 =	simm.s32 $0x8;
	v21 =	vor.u32 v27, v14;
	[tilespmem:s25+$0x10] =	vst v23;
	v25 =	vld.idx.msk [tilespmem:v25+s10+$0x0], $0xffff  }
0x5d: {  	s7 =	simm.s32 $0x2;
	s3 =	sand.u32 $0x4, s29;
	v23 =	vor.u32 v27, v16;
	v26 =	vld.idx.msk [tilespmem:v26+s10+$0x0], $0xffff;
	[tilespmem:s1+$0x60] =	vst v28  }
0x5e: {  	s8 =	simm.s32 $0x1;
	s18 =	sand.u32 $0x3FFFFFF8, s7;
	s5 =	sor.u32 $0x3, s3;
	v27 =	vor.u32 v27, v17;
	[tilespmem:s28+$0x20] =	vst v13;
	v13 =	vld.idx.msk [tilespmem:v24+s10+$0x0], $0xffff  }
0x5f: {  	s30 =	sand.u32 $0x3, s8;
	s15 =	sor.u32 s5, s18;
	v10 =	vor.u32 v12, v10;
	v29 =	vor.u32 v12, v8;
	[tilespmem:s23+$0x50] =	vst v22;
	v19 =	vld.idx.msk [tilespmem:v19+s10+$0x0], $0xffff  }
0x60: {  	s19 =	sshll.u32 s30, $0x7;
	v8 =	vmov s15;
	v22 =	vor.u32 v4, v18;
	v24 =	vor.u32 v12, v9;
	v11 =	vld.idx.msk [tilespmem:v11+s10+$0x0], $0xffff;
	[tilespmem:s26+$0x20] =	vst v20  }
0x61: {  	v8 =	vand.u32 $0x1F, v8;
	v9 =	vmov s19;
	v20 =	vor.u32 v22, v15;
	v21 =	vld.idx.msk [tilespmem:v21+s10+$0x0], $0xffff;
	[tilespmem:s24+$0x20] =	vst v25  }
0x62: {  	s20 =	sor.u32 $0x1, s3;
	s31 =	sor.u32 s3, s18;
	v8 =	vbroadcast v8, $0x0;
	v9 =	vshll.u32 v9, $0x5;
	[tilespmem:s25+$0x20] =	vst v26;
	v23 =	vld.idx.msk [tilespmem:v23+s10+$0x0], $0xffff  }
0x63: {  	v31 =	vor.u32 v22, v14;
	s19 =	sor.u32 s20, s18;
	v12 =	vmov s31;
	v28 =	vor.u32 v0, v9;
	v26 =	vld.idx.msk [tilespmem:v27+s10+$0x0], $0xffff;
	[tilespmem:s0+$0x60] =	vst v13  }
0x64: {  	s8 =	sor.u32 $0x2, s3;
	v25 =	vor.u32 v22, v16;
	v60 =	vor.u32 v28, v8;
	v27 =	vmov s19;
	[tilespmem:s28+$0x30] =	vst v19;
	v19 =	vld.idx.msk [tilespmem:v10+s10+$0x0], $0xffff  }
0x65: {  	s18 =	sor.u32 s8, s18;
	v22 =	vor.u32 v22, v17;
	v13 =	vand.u32 $0x1D, v27;
	v10 =	vand.u32 $0x1C, v12;
	v24 =	vld.idx.msk [tilespmem:v24+s10+$0x0], $0xffff  }
0x66: {  	v27 =	vor.u32 v3, v18;
	v12 =	vmov s18;
	v20 =	vld.idx.msk [tilespmem:v20+s10+$0x0], $0xffff;
	[tilespmem:s23+$0x60] =	vst v11;
	v10 =	vbroadcast v10, $0x0  }
0x67: {  	v11 =	vand.u32 $0x1E, v12;
	v12 =	vbroadcast v13, $0x0;
	[tilespmem:s26+$0x30] =	vst v21;
	v21 =	vor.u32 v27, v15;
	v13 =	vld.idx.msk [tilespmem:v29+s10+$0x0], $0xffff  }
0x68: {  	v11 =	vbroadcast v11, $0x0;
	v29 =	vor.u32 v28, v10;
	v31 =	vld.idx.msk [tilespmem:v31+s10+$0x0], $0xffff;
	[tilespmem:s24+$0x30] =	vst v23  }
0x69: {  	v23 =	vor.u32 v28, v12;
	[tilespmem:s25+$0x30] =	vst v26;
	v26 =	vld.idx.msk [tilespmem:v60+s10+$0x0], $0xffff  }
0x6a: {  	[tilespmem:s22+$0x70] =	vst v30;
	s22 =	simm.s32 $0x400;
	v25 =	vld.idx.msk [tilespmem:v25+s10+$0x0], $0xffff;
	v28 =	vor.u32 v28, v11  }
0x6b: {  	s15 =	sshll.u32 s30, $0xA;
	v61 =	vor.u32 v7, v9;
	v30 =	vor.u32 v27, v14;
	s18 =	sand.u32 $0x3FFFF000, s22;
	v22 =	vld.idx.msk [tilespmem:v22+s10+$0x0], $0xffff;
	[tilespmem:s28+$0x40] =	vst v20  }
0x6c: {  	[tilespmem:s1+$0x70] =	vst v19;
	v19 =	vor.u32 v61, v8;
	s1 =	sor.u32 s18, s15;
	v20 =	vld.idx.msk [tilespmem:v21+s10+$0x0], $0xffff  }
0x6d: {  	v62 =	vor.u32 v2, v18;
	s19 =	sshll.u32 s5, $0x7;
	[tilespmem:s0+$0x70] =	vst v24;
	s1 =	sadd.s32 $0xB400, s1;
	v21 =	vor.u32 v27, v16;
	v29 =	vld.idx.msk [tilespmem:v29+s10+$0x0], $0xffff  }
0x6e: {  	v24 =	vor.u32 v62, v15;
	s0 =	sor.u32 s19, s1;
	v23 =	vld.idx.msk [tilespmem:v23+s10+$0x0], $0xffff;
	[tilespmem:s26+$0x40] =	vst v31  }
0x6f: {  	v31 =	vor.u32 v61, v10;
	[tilespmem:s0+$0x0] =	vst v26;
	v28 =	vld.idx.msk [tilespmem:v28+s10+$0x0], $0xffff  }
0x70: {  	[tilespmem:s24+$0x40] =	vst v25;
	v25 =	vor.u32 v61, v12;
	v26 =	vld.idx.msk [tilespmem:v30+s10+$0x0], $0xffff  }
0x71: {  	s3 =	sshll.u32 s3, $0x7;
	[tilespmem:s25+$0x40] =	vst v22;
	v22 =	vor.u32 v27, v17;
	v19 =	vld.idx.msk [tilespmem:v19+s10+$0x0], $0xffff  }
0x72: {  	s20 =	sshll.u32 s20, $0x7;
	s31 =	sor.u32 s3, s1;
	v30 =	vor.u32 v61, v11;
	v27 =	vor.u32 v6, v9;
	v21 =	vld.idx.msk [tilespmem:v21+s10+$0x0], $0xffff;
	[tilespmem:s28+$0x50] =	vst v20  }
0x73: {  	s22 =	sshll.u32 s8, $0x7;
	s30 =	sor.u32 s20, s1;
	v20 =	vor.u32 v27, v8;
	[tilespmem:s31+$0x0] =	vst v29;
	v24 =	vld.idx.msk [tilespmem:v24+s10+$0x0], $0xffff  }
0x74: {  	s1 =	sor.u32 s22, s1;
	v29 =	vor.u32 v62, v14;
	[tilespmem:s30+$0x0] =	vst v23;
	v23 =	vor.u32 v1, v18;
	v31 =	vld.idx.msk [tilespmem:v31+s10+$0x0], $0xffff  }
0x75: {  	v25 =	vld.idx.msk [tilespmem:v25+s10+$0x0], $0xffff;
	[tilespmem:s1+$0x0] =	vst v28;
	v28 =	vor.u32 v23, v15  }
0x76: {  	v63 =	vor.u32 v27, v10;
	v34 =	vor.u32 v27, v12;
	[tilespmem:s26+$0x50] =	vst v26;
	v35 =	vld.idx.msk [tilespmem:v22+s10+$0x0], $0xffff  }
0x77: {  	v36 =	vor.u32 v27, v11;
	v18 =	vor.u32 v23, v14;
	v30 =	vld.idx.msk [tilespmem:v30+s10+$0x0], $0xffff;
	[tilespmem:s0+$0x10] =	vst v19  }
0x78: {  	v14 =	vor.u32 v23, v17;
	v19 =	vor.u32 v62, v17;
	v26 =	vld.idx.msk [tilespmem:v20+s10+$0x0], $0xffff;
	[tilespmem:s24+$0x50] =	vst v21  }
0x79: {  	v17 =	vor.u32 v5, v9;
	v20 =	vor.u32 v62, v16;
	v21 =	vld.idx.msk [tilespmem:v29+s10+$0x0], $0xffff;
	[tilespmem:s28+$0x60] =	vst v24  }
0x7a: {  	v15 =	vor.u32 v23, v16;
	[tilespmem:s31+$0x10] =	vst v31;
	v16 =	vld.idx.msk [tilespmem:v28+s10+$0x0], $0xffff;
	v28 =	vor.u32 v17, v8  }
0x7b: {  	[tilespmem:s30+$0x10] =	vst v25;
	v27 =	vld.idx.msk [tilespmem:v63+s10+$0x0], $0xffff  }
0x7c: {  	v23 =	vor.u32 v17, v10;
	v25 =	vld.idx.msk [tilespmem:v34+s10+$0x0], $0xffff;
	[tilespmem:s1+$0x10] =	vst v30  }
0x7d: {  	s22 =	sshll.u32 s21, $0x1;
	v22 =	vor.u32 v17, v12;
	v17 =	vor.u32 v17, v11;
	[tilespmem:s25+$0x50] =	vst v35;
	v24 =	vld.idx.msk [tilespmem:v36+s10+$0x0], $0xffff  }
.LBB2_3:
0x7e: {  	s29 =	sadd.s32 $0x4, s29;
	[tilespmem:s0+$0x20] =	vst v26;
	v20 =	vld.idx.msk [tilespmem:v20+s10+$0x0], $0xffff  }
0x7f: {  	s7 =	sand.u32 $0x4, s29;
	s3 =	sshrl.u32 s29, $0x2;
	p1 =	slt.u32 s29, $0x7C;
	v26 =	vld.idx.msk [tilespmem:v28+s10+$0x0], $0xffff;
	[tilespmem:s26+$0x60] =	vst v21  }
0x80: {  	s5 =	sshrl.u32 s29, $0x3;
	v21 =	vor.u32 v4, v9;
	s18 =	sand.u32 $0x3FFFFFF8, s3;
	s3 =	sor.u32 $0x3, s7;
	v19 =	vld.idx.msk [tilespmem:v19+s10+$0x0], $0xffff;
	[tilespmem:s28+$0x70] =	vst v16  }
0x81: {  	s8 =	sand.u32 $0x3, s5;
	s5 =	sor.u32 $0x1, s7;
	v16 =	vor.u32 v21, v10;
	v28 =	vor.u32 v21, v8;
	s19 =	sor.u32 s3, s18;
	[tilespmem:s31+$0x20] =	vst v27;
	v27 =	vor.u32 v21, v12  }
0x82: {  	s15 =	sor.u32 $0x2, s7;
	s28 =	sor.u32 s7, s18;
	s20 =	sshll.u32 s8, $0x7;
	v21 =	vor.u32 v21, v11;
	v29 =	vmov s19;
	v23 =	vld.idx.msk [tilespmem:v23+s10+$0x0], $0xffff;
	[tilespmem:s30+$0x20] =	vst v25  }
0x83: {  	v25 =	vmov s28;
	v30 =	vmov s20;
	s19 =	sor.u32 s5, s18;
	s5 =	sshll.u32 s5, $0x7;
	s20 =	sor.u32 s15, s18;
	v29 =	vand.u32 $0x1F, v29;
	v22 =	vld.idx.msk [tilespmem:v22+s10+$0x0], $0xffff;
	[tilespmem:s1+$0x20] =	vst v24  }
0x84: {  	s18 =	sshll.u32 s7, $0x7;
	s7 =	sshll.u32 s15, $0x7;
	s28 =	smov.u32 s0;
	v24 =	vshll.u32 v30, $0x5;
	v30 =	vmov s19;
	v29 =	vbroadcast v29, $0x0;
	v17 =	vld.idx.msk [tilespmem:v17+s10+$0x0], $0xffff;
	[tilespmem:s24+$0x60] =	vst v20  }
0x85: {  	v25 =	vand.u32 $0x1C, v25;
	v31 =	vmov s20;
	v20 =	vor.u32 v0, v24;
	[tilespmem:s28+$0x30] =	vst v26;
	v18 =	vld.idx.msk [tilespmem:v18+s10+$0x0], $0xffff  }
0x86: {  	v26 =	vand.u32 $0x1D, v30;
	v30 =	vand.u32 $0x1E, v31;
	v31 =	vor.u32 v20, v29;
	v28 =	vld.idx.msk [tilespmem:v28+s10+$0x0], $0xffff;
	[tilespmem:s25+$0x60] =	vst v19  }
0x87: {  	v25 =	vbroadcast v25, $0x0;
	v26 =	vbroadcast v26, $0x0;
	v19 =	vor.u32 v3, v9;
	v15 =	vld.idx.msk [tilespmem:v15+s10+$0x0], $0xffff;
	[tilespmem:s23+$0x70] =	vst v13;
	s23 =	smov.u32 s25;
	s25 =	smov.u32 s1  }
0x88: {  	v30 =	vbroadcast v30, $0x0;
	v32 =	vor.u32 v19, v8;
	[tilespmem:s31+$0x30] =	vst v23;
	v23 =	vor.u32 v19, v10;
	v13 =	vld.idx.msk [tilespmem:v14+s10+$0x0], $0xffff  }
0x89: {  	v14 =	vor.u32 v20, v25;
	v33 =	vor.u32 v20, v26;
	v16 =	vld.idx.msk [tilespmem:v16+s10+$0x0], $0xffff;
	[tilespmem:s30+$0x30] =	vst v22  }
0x8a: {  	v20 =	vor.u32 v20, v30;
	v22 =	vld.idx.msk [tilespmem:v27+s10+$0x0], $0xffff;
	v27 =	vor.u32 v19, v12;
	[tilespmem:s25+$0x30] =	vst v17  }
0x8b: {  	v17 =	vld.idx.msk [tilespmem:v31+s10+$0x0], $0xffff;
	v31 =	vor.u32 v19, v11;
	[tilespmem:s26+$0x70] =	vst v18;
	s26 =	smov.u32 s31  }
0x8c: {  	s0 =	sshll.u32 s29, $0x7;
	v18 =	vor.u32 v7, v24;
	v21 =	vld.idx.msk [tilespmem:v21+s10+$0x0], $0xffff;
	[tilespmem:s28+$0x40] =	vst v28  }
0x8d: {  	s0 =	sand.u32 $0x3FFFF000, s0;
	s1 =	sshll.u32 s8, $0xA;
	v28 =	vor.u32 v18, v25;
	v34 =	vor.u32 v18, v26;
	v35 =	vor.u32 v18, v29;
	v32 =	vld.idx.msk [tilespmem:v32+s10+$0x0], $0xffff  }
0x8e: {  	s0 =	sor.u32 s0, s1;
	v19 =	vor.u32 v2, v9;
	v18 =	vor.u32 v18, v30;
	v14 =	vld.idx.msk [tilespmem:v14+s10+$0x0], $0xffff;
	[tilespmem:s24+$0x70] =	vst v15;
	s24 =	smov.u32 s30  }
0x8f: {  	s1 =	sadd.s32 $0xB400, s0;
	s0 =	sshll.u32 s3, $0x7;
	v15 =	vld.idx.msk [tilespmem:v33+s10+$0x0], $0xffff;
	[tilespmem:s26+$0x40] =	vst v16;
	v16 =	vor.u32 v19, v10;
	v33 =	vor.u32 v19, v8  }
0x90: {  	s0 =	sor.u32 s0, s1;
	s31 =	sor.u32 s18, s1;
	s30 =	sor.u32 s5, s1;
	v36 =	vld.idx.msk [tilespmem:v20+s10+$0x0], $0xffff;
	[tilespmem:s24+$0x40] =	vst v22;
	v20 =	vor.u32 v19, v12;
	v19 =	vor.u32 v19, v11  }
0x91: {  	s1 =	sor.u32 s7, s1;
	[tilespmem:s0+$0x0] =	vst v17;
	v17 =	vld.idx.msk [tilespmem:v23+s10+$0x0], $0xffff  }
0x92: {  	v22 =	vld.idx.msk [tilespmem:v35+s10+$0x0], $0xffff;
	[tilespmem:s25+$0x40] =	vst v21  }
0x93: {  	v21 =	vor.u32 v6, v24;
	v23 =	vld.idx.msk [tilespmem:v27+s10+$0x0], $0xffff;
	[tilespmem:s28+$0x50] =	vst v32  }
0x94: {  	v27 =	vor.u32 v21, v25;
	v32 =	vor.u32 v21, v29;
	[tilespmem:s31+$0x0] =	vst v14;
	v33 =	vld.idx.msk [tilespmem:v33+s10+$0x0], $0xffff  }
0x95: {  	v35 =	vor.u32 v21, v26;
	v14 =	vor.u32 v1, v9;
	v9 =	vmov v24;
	v28 =	vld.idx.msk [tilespmem:v28+s10+$0x0], $0xffff;
	[tilespmem:s30+$0x0] =	vst v15  }
0x96: {  	v24 =	vld.idx.msk [tilespmem:v34+s10+$0x0], $0xffff;
	[tilespmem:s1+$0x0] =	vst v36;
	v34 =	vor.u32 v21, v30;
	v36 =	vor.u32 v14, v8;
	v8 =	vmov v29  }
0x97: {  	v15 =	vor.u32 v14, v12;
	v29 =	vld.idx.msk [tilespmem:v18+s10+$0x0], $0xffff;
	[tilespmem:s26+$0x50] =	vst v17;
	v18 =	vor.u32 v14, v10;
	v10 =	vmov v25  }
0x98: {  	v12 =	vmov v26;
	v14 =	vor.u32 v14, v11;
	v11 =	vmov v30;
	[tilespmem:s0+$0x10] =	vst v22;
	v31 =	vld.idx.msk [tilespmem:v31+s10+$0x0], $0xffff  }
0x99: {  	v26 =	vld.idx.msk [tilespmem:v32+s10+$0x0], $0xffff;
	[tilespmem:s24+$0x50] =	vst v23  }
.Ltmp2:
0x9a: {  	v17 =	vor.u32 v5, v9;
	v21 =	vld.idx.msk [tilespmem:v16+s10+$0x0], $0xffff;
	[tilespmem:s28+$0x60] =	vst v33;
	(pc) =	sbr.rel @p1 .LBB2_3-.Ltmp2, $4  }
0x9b: {  	v23 =	vor.u32 v17, v10;
	[tilespmem:s31+$0x10] =	vst v28;
	v28 =	vor.u32 v17, v8;
	v16 =	vld.idx.msk [tilespmem:v36+s10+$0x0], $0xffff  }
0x9c: {  	v22 =	vor.u32 v17, v12;
	v17 =	vor.u32 v17, v11;
	v27 =	vld.idx.msk [tilespmem:v27+s10+$0x0], $0xffff;
	[tilespmem:s30+$0x10] =	vst v24  }
0x9d: {  	v25 =	vld.idx.msk [tilespmem:v35+s10+$0x0], $0xffff;
	[tilespmem:s1+$0x10] =	vst v29  }
0x9e: {  	v24 =	vld.idx.msk [tilespmem:v34+s10+$0x0], $0xffff;
	[tilespmem:s25+$0x50] =	vst v31  }
0x9f: {  	_ =	sdelay $0x2  }
0xa0: {  	[tilespmem:s0+$0x20] =	vst v26  }
0xa1: {  	v26 =	vld.idx.msk [tilespmem:v28+s10+$0x0], $0xffff;
	v28 =	vor.u32 v4, v9;
	[tilespmem:s31+$0x20] =	vst v27  }
0xa2: {  	v27 =	vor.u32 v28, v8;
	v23 =	vld.idx.msk [tilespmem:v23+s10+$0x0], $0xffff;
	[tilespmem:s30+$0x20] =	vst v25  }
0xa3: {  	v25 =	vor.u32 v28, v10;
	v22 =	vld.idx.msk [tilespmem:v22+s10+$0x0], $0xffff;
	[tilespmem:s1+$0x20] =	vst v24  }
0xa4: {  	v24 =	vor.u32 v28, v12;
	v17 =	vld.idx.msk [tilespmem:v17+s10+$0x0], $0xffff  }
0xa5: {  	v28 =	vor.u32 v28, v11  }
0xa6: {  	[tilespmem:s0+$0x30] =	vst v26  }
0xa7: {  	v26 =	vld.idx.msk [tilespmem:v27+s10+$0x0], $0xffff;
	v27 =	vor.u32 v3, v9;
	[tilespmem:s31+$0x30] =	vst v23  }
0xa8: {  	v23 =	vor.u32 v27, v8;
	v25 =	vld.idx.msk [tilespmem:v25+s10+$0x0], $0xffff;
	[tilespmem:s30+$0x30] =	vst v22  }
0xa9: {  	v22 =	vor.u32 v27, v10;
	v24 =	vld.idx.msk [tilespmem:v24+s10+$0x0], $0xffff;
	[tilespmem:s1+$0x30] =	vst v17  }
0xaa: {  	[tilespmem:s26+$0x60] =	vst v21;
	v17 =	vor.u32 v27, v12;
	v21 =	vld.idx.msk [tilespmem:v28+s10+$0x0], $0xffff  }
0xab: {  	v20 =	vld.idx.msk [tilespmem:v20+s10+$0x0], $0xffff;
	[tilespmem:s28+$0x70] =	vst v16;
	v27 =	vor.u32 v27, v11  }
0xac: {  	v19 =	vld.idx.msk [tilespmem:v19+s10+$0x0], $0xffff;
	[tilespmem:s0+$0x40] =	vst v26  }
0xad: {  	v16 =	vld.idx.msk [tilespmem:v23+s10+$0x0], $0xffff;
	v23 =	vor.u32 v2, v9;
	[tilespmem:s31+$0x40] =	vst v25  }
0xae: {  	v25 =	vor.u32 v23, v8;
	[tilespmem:s30+$0x40] =	vst v24;
	v22 =	vld.idx.msk [tilespmem:v22+s10+$0x0], $0xffff  }
0xaf: {  	v24 =	vor.u32 v23, v10;
	[tilespmem:s1+$0x40] =	vst v21;
	v17 =	vld.idx.msk [tilespmem:v17+s10+$0x0], $0xffff  }
0xb0: {  	[tilespmem:s24+$0x60] =	vst v20;
	v20 =	vor.u32 v23, v12;
	v21 =	vld.idx.msk [tilespmem:v27+s10+$0x0], $0xffff  }
0xb1: {  	[tilespmem:s25+$0x60] =	vst v19;
	v23 =	vor.u32 v23, v11  }
0xb2: {  	v18 =	vld.idx.msk [tilespmem:v18+s10+$0x0], $0xffff;
	[tilespmem:s0+$0x50] =	vst v16  }
0xb3: {  	v9 =	vor.u32 v1, v9;
	v16 =	vld.idx.msk [tilespmem:v25+s10+$0x0], $0xffff;
	[tilespmem:s31+$0x50] =	vst v22  }
0xb4: {  	v8 =	vor.u32 v9, v8;
	[tilespmem:s30+$0x50] =	vst v17;
	v17 =	vld.idx.msk [tilespmem:v24+s10+$0x0], $0xffff  }
0xb5: {  	v10 =	vor.u32 v9, v10;
	[tilespmem:s1+$0x50] =	vst v21;
	v19 =	vld.idx.msk [tilespmem:v20+s10+$0x0], $0xffff  }
0xb6: {  	[tilespmem:s23+$0x70] =	vst v13;
	v12 =	vor.u32 v9, v12;
	v13 =	vld.idx.msk [tilespmem:v23+s10+$0x0], $0xffff  }
0xb7: {  	v15 =	vld.idx.msk [tilespmem:v15+s10+$0x0], $0xffff;
	[tilespmem:s26+$0x70] =	vst v18;
	v9 =	vor.u32 v9, v11  }
0xb8: {  	v11 =	vld.idx.msk [tilespmem:v14+s10+$0x0], $0xffff;
	[tilespmem:s0+$0x60] =	vst v16  }
0xb9: {  	v8 =	vld.idx.msk [tilespmem:v8+s10+$0x0], $0xffff;
	[tilespmem:s31+$0x60] =	vst v17  }
0xba: {  	[tilespmem:s30+$0x60] =	vst v19;
	v10 =	vld.idx.msk [tilespmem:v10+s10+$0x0], $0xffff  }
0xbb: {  	[tilespmem:s1+$0x60] =	vst v13;
	v12 =	vld.idx.msk [tilespmem:v12+s10+$0x0], $0xffff  }
0xbc: {  	[tilespmem:s24+$0x70] =	vst v15;
	v9 =	vld.idx.msk [tilespmem:v9+s10+$0x0], $0xffff  }
0xbd: {  	s8 =	sadd.s32 s6, s22;
	[tilespmem:s25+$0x70] =	vst v11  }
0xbe: {  	s3 =	sshll.u32 s8, $0x9;
	[tilespmem:s0+$0x70] =	vst v8  }
0xbf: {  	s3 =	sand.u32 $0x3C00, s3;
	s0 =	sshll.u32 s8, $0xB;
	[tilespmem:s31+$0x70] =	vst v10  }
0xc0: {  	s3 =	sadd.s32 s2, s3;
	s0 =	sand.u32 $0xFFF0000, s0;
	[tilespmem:s30+$0x70] =	vst v12  }
0xc1: {  	s15 =	simm.s32 $0xB400;
	p1 =	seq.s32 s21, $0xC;
	s0 =	sadd.s32 s0, s3;
	[tilespmem:s1+$0x70] =	vst v9  }
0xc2: {  	[hbm4b:s0+s13] =	stream.strided.scatter [tilespmem:s15], [sflag:$0x3], $0x4000, s14, s13, $0x38;
	[tilespmem:$0x13400] =	vst v63  }
0xc3: {  	s0 =	sshll.u32 @!p1 s21, $0xA  }
0xc4: {  	s18 =	simm.s32 $0x0;
	s0 =	sand.u32 @!p1 $0x3FFFFC00, s0  }
0xc5: {  	s3 =	simm.s32 @!p1 $0x3400;
	s1 =	simm.s32 @!p1 $0x200;
	s0 =	sadd.s32 @!p1 $0x400, s0  }
0xc6: {  	[tilespmem:s3], [sflag:$0x1] =	stream.indirect.gather @!p1 [hbm4b:s4+s1], $0x20, s0, s1, $0xb8;
	[tilespmem:$0x13400] =	vst v63  }
0xc7: {  	s19 =	simm.s32 $0x0;
	s0 =	sand.u32 $0x4, s18  }
0xc8: {  	s20 =	simm.s32 $0x0;
	s1 =	sand.u32 $0x3FFFFFF8, s19;
	s5 =	sor.u32 $0x3, s0  }
0xc9: {  	s3 =	sand.u32 $0x3, s20;
	s7 =	sor.u32 s5, s1  }
0xca: {  	s8 =	sshll.u32 s3, $0x7;
	v8 =	vmov s7  }
0xcb: {  	s23 =	sor.u32 $0x1, s0;
	s15 =	sor.u32 s0, s1;
	v9 =	vmov s8;
	v8 =	vand.u32 $0x1F, v8  }
0xcc: {  	v10 =	vmov s15;
	s24 =	sor.u32 s23, s1;
	v12 =	vshll.u32 v9, $0x5;
	v11 =	vbroadcast v8, $0x0  }
0xcd: {  	_ =	swait.ge [sflag:s16], $0x4000;
	s25 =	sor.u32 $0x2, s0;
	v9 =	vand.u32 $0x1C, v10;
	v13 =	vor.u32 v0, v12;
	v8 =	vmov s24  }
0xce: {  	[sflag:s16] =	ssyncset.done $0x0;
	s1 =	sor.u32 s25, s1;
	v10 =	vbroadcast v9, $0x0;
	v8 =	vand.u32 $0x1D, v8;
	v14 =	vor.u32 v13, v11  }
0xcf: {  	s8 =	simm.s32 @!p0 $0x4;
	[sflag:s16] =	ssyncadd.s32 $0xFFFFC000;
	v9 =	vmov s1;
	v8 =	vbroadcast v8, $0x0  }
0xd0: {  	_ =	swait.ge @!p0 [sflag:s8], $0x4000;
	v9 =	vand.u32 $0x1E, v9;
	v15 =	vor.u32 v13, v10  }
0xd1: {  	[sflag:s8] =	ssyncset.done @!p0 $0x0;
	v9 =	vbroadcast v9, $0x0;
	v16 =	vor.u32 v13, v8  }
0xd2: {  	[sflag:s8] =	ssyncadd.s32 @!p0 $0xFFFFC000  }
0xd3: {  	s26 =	simm.s32 $0x0;
	v17 =	vor.u32 v7, v12;
	v13 =	vor.u32 v13, v9;
	v14 =	vld.idx.msk [tilespmem:v14+s11+$0x0], $0xffff  }
0xd4: {  	s3 =	sshll.u32 s3, $0xA;
	s1 =	sand.u32 $0x3FFFF000, s26;
	v18 =	vor.u32 v17, v11  }
0xd5: {  	s1 =	sor.u32 s1, s3;
	v15 =	vld.idx.msk [tilespmem:v15+s11+$0x0], $0xffff  }
0xd6: {  	s5 =	sshll.u32 s5, $0x7;
	v19 =	vor.u32 v17, v10;
	s3 =	sadd.s32 $0xF400, s1;
	v16 =	vld.idx.msk [tilespmem:v16+s11+$0x0], $0xffff  }
0xd7: {  	s30 =	sor.u32 s5, s3;
	v20 =	vor.u32 v17, v8  }
0xd8: {  	s0 =	sshll.u32 s0, $0x7;
	v13 =	vld.idx.msk [tilespmem:v13+s11+$0x0], $0xffff;
	[tilespmem:s30+$0x0] =	vst v14  }
0xd9: {  	s8 =	sshll.u32 s23, $0x7;
	s1 =	sor.u32 s0, s3;
	v14 =	vor.u32 v17, v9;
	v17 =	vld.idx.msk [tilespmem:v18+s11+$0x0], $0xffff;
	v18 =	vor.u32 v6, v12  }
0xda: {  	s0 =	sor.u32 s8, s3;
	[tilespmem:s1+$0x0] =	vst v15;
	v15 =	vor.u32 v18, v11  }
0xdb: {  	s15 =	sshll.u32 s25, $0x7;
	v19 =	vld.idx.msk [tilespmem:v19+s11+$0x0], $0xffff;
	[tilespmem:s0+$0x0] =	vst v16  }
0xdc: {  	s23 =	sor.u32 s15, s3;
	v16 =	vor.u32 v18, v10;
	v20 =	vld.idx.msk [tilespmem:v20+s11+$0x0], $0xffff  }
0xdd: {  	v21 =	vor.u32 v18, v8;
	[tilespmem:s23+$0x0] =	vst v13  }
0xde: {  	v13 =	vld.idx.msk [tilespmem:v14+s11+$0x0], $0xffff;
	[tilespmem:s30+$0x10] =	vst v17  }
0xdf: {  	v14 =	vor.u32 v18, v9;
	v17 =	vor.u32 v5, v12;
	v15 =	vld.idx.msk [tilespmem:v15+s11+$0x0], $0xffff  }
0xe0: {  	[tilespmem:s1+$0x10] =	vst v19;
	v18 =	vor.u32 v17, v11  }
0xe1: {  	v16 =	vld.idx.msk [tilespmem:v16+s11+$0x0], $0xffff;
	[tilespmem:s0+$0x10] =	vst v20  }
0xe2: {  	s18 =	simm.s32 $0x4;
	v19 =	vor.u32 v17, v10;
	v20 =	vld.idx.msk [tilespmem:v21+s11+$0x0], $0xffff  }
0xe3: {  	s19 =	simm.s32 $0x1;
	s3 =	sand.u32 $0x4, s18;
	v21 =	vor.u32 v17, v8;
	[tilespmem:s23+$0x10] =	vst v13  }
0xe4: {  	s20 =	simm.s32 $0x0;
	s24 =	sand.u32 $0x3FFFFFF8, s19;
	s8 =	sor.u32 $0x3, s3;
	v13 =	vld.idx.msk [tilespmem:v14+s11+$0x0], $0xffff;
	[tilespmem:s30+$0x20] =	vst v15  }
0xe5: {  	s18 =	sand.u32 $0x3, s20;
	s5 =	sor.u32 s8, s24;
	v14 =	vor.u32 v17, v9;
	v15 =	vor.u32 v4, v12;
	v17 =	vld.idx.msk [tilespmem:v18+s11+$0x0], $0xffff  }
0xe6: {  	s7 =	sshll.u32 s18, $0x7;
	[tilespmem:s1+$0x20] =	vst v16;
	v22 =	vor.u32 v15, v10;
	v16 =	vor.u32 v15, v11;
	v18 =	vmov s5  }
0xe7: {  	v23 =	vor.u32 v15, v8;
	v19 =	vld.idx.msk [tilespmem:v19+s11+$0x0], $0xffff;
	[tilespmem:s0+$0x20] =	vst v20;
	v20 =	vmov s7;
	v24 =	vand.u32 $0x1F, v18  }
0xe8: {  	s26 =	sor.u32 $0x1, s3;
	s19 =	sor.u32 s3, s24;
	v25 =	vor.u32 v15, v9;
	v21 =	vld.idx.msk [tilespmem:v21+s11+$0x0], $0xffff;
	v18 =	vshll.u32 v20, $0x5;
	v15 =	vbroadcast v24, $0x0  }
0xe9: {  	v29 =	vor.u32 v3, v12;
	s25 =	sor.u32 $0x2, s3;
	s20 =	sor.u32 s26, s24;
	v20 =	vmov s19;
	[tilespmem:s23+$0x20] =	vst v13;
	v24 =	vor.u32 v0, v18  }
0xea: {  	s15 =	sor.u32 s25, s24;
	v13 =	vmov s20;
	v26 =	vld.idx.msk [tilespmem:v14+s11+$0x0], $0xffff;
	v14 =	vand.u32 $0x1C, v20;
	v27 =	vor.u32 v24, v15;
	[tilespmem:s30+$0x30] =	vst v17  }
0xeb: {  	v20 =	vmov s15;
	v13 =	vand.u32 $0x1D, v13;
	v14 =	vbroadcast v14, $0x0;
	v28 =	vld.idx.msk [tilespmem:v16+s11+$0x0], $0xffff  }
0xec: {  	v17 =	vand.u32 $0x1E, v20;
	[tilespmem:s1+$0x30] =	vst v19;
	v16 =	vbroadcast v13, $0x0;
	v13 =	vor.u32 v29, v11  }
0xed: {  	v17 =	vbroadcast v17, $0x0;
	v20 =	vld.idx.msk [tilespmem:v22+s11+$0x0], $0xffff;
	v19 =	vor.u32 v24, v14;
	[tilespmem:s0+$0x30] =	vst v21  }
0xee: {  	v21 =	vor.u32 v24, v16;
	v22 =	vld.idx.msk [tilespmem:v23+s11+$0x0], $0xffff  }
0xef: {  	v23 =	vor.u32 v24, v17;
	[tilespmem:s23+$0x30] =	vst v26;
	v24 =	vld.idx.msk [tilespmem:v27+s11+$0x0], $0xffff  }
0xf0: {  	s24 =	simm.s32 $0x200;
	v26 =	vor.u32 v29, v10;
	v25 =	vld.idx.msk [tilespmem:v25+s11+$0x0], $0xffff;
	[tilespmem:s30+$0x40] =	vst v28  }
0xf1: {  	s18 =	sshll.u32 s18, $0xA;
	v30 =	vor.u32 v29, v8;
	s15 =	sand.u32 $0x3FFFF000, s24;
	v27 =	vor.u32 v7, v18;
	v13 =	vld.idx.msk [tilespmem:v13+s11+$0x0], $0xffff  }
0xf2: {  	v31 =	vor.u32 v2, v12;
	s15 =	sor.u32 s15, s18;
	v28 =	vor.u32 v27, v15;
	v19 =	vld.idx.msk [tilespmem:v19+s11+$0x0], $0xffff  }
0xf3: {  	v32 =	vor.u32 v31, v11;
	s8 =	sshll.u32 s8, $0x7;
	s15 =	sadd.s32 $0xF400, s15;
	[tilespmem:s1+$0x40] =	vst v20;
	v21 =	vld.idx.msk [tilespmem:v21+s11+$0x0], $0xffff  }
0xf4: {  	s28 =	sor.u32 s8, s15;
	v33 =	vor.u32 v27, v14;
	v20 =	vld.idx.msk [tilespmem:v23+s11+$0x0], $0xffff;
	[tilespmem:s0+$0x40] =	vst v22  }
0xf5: {  	v23 =	vor.u32 v27, v16;
	[tilespmem:s28+$0x0] =	vst v24;
	v24 =	vld.idx.msk [tilespmem:v26+s11+$0x0], $0xffff  }
0xf6: {  	s3 =	sshll.u32 s3, $0x7;
	v26 =	vor.u32 v27, v17;
	v27 =	vor.u32 v29, v9;
	v29 =	vld.idx.msk [tilespmem:v30+s11+$0x0], $0xffff;
	[tilespmem:s23+$0x40] =	vst v25  }
0xf7: {  	s5 =	sshll.u32 s26, $0x7;
	s26 =	sor.u32 s3, s15;
	v30 =	vor.u32 v31, v10;
	v22 =	vld.idx.msk [tilespmem:v28+s11+$0x0], $0xffff;
	[tilespmem:s30+$0x50] =	vst v13  }
0xf8: {  	s25 =	sshll.u32 s25, $0x7;
	s24 =	sor.u32 s5, s15;
	v28 =	vor.u32 v6, v18;
	[tilespmem:s26+$0x0] =	vst v19;
	v19 =	vld.idx.msk [tilespmem:v32+s11+$0x0], $0xffff  }
0xf9: {  	v12 =	vor.u32 v1, v12;
	s25 =	sor.u32 s25, s15;
	v13 =	vor.u32 v28, v15;
	v59 =	vld.idx.msk [tilespmem:v33+s11+$0x0], $0xffff;
	[tilespmem:s24+$0x0] =	vst v21  }
0xfa: {  	v11 =	vor.u32 v12, v11;
	[tilespmem:s25+$0x0] =	vst v20;
	v21 =	vld.idx.msk [tilespmem:v23+s11+$0x0], $0xffff  }
0xfb: {  	v20 =	vor.u32 v28, v14;
	v23 =	vld.idx.msk [tilespmem:v26+s11+$0x0], $0xffff;
	[tilespmem:s1+$0x50] =	vst v24  }
0xfc: {  	v25 =	vor.u32 v28, v16;
	v26 =	vor.u32 v28, v17;
	[tilespmem:s0+$0x50] =	vst v29;
	v28 =	vld.idx.msk [tilespmem:v30+s11+$0x0], $0xffff  }
0xfd: {  	[tilespmem:s28+$0x10] =	vst v22;
	v22 =	vld.idx.msk [tilespmem:v27+s11+$0x0], $0xffff  }
0xfe: {  	v24 =	vor.u32 v31, v8;
	v27 =	vor.u32 v5, v18;
	v13 =	vld.idx.msk [tilespmem:v13+s11+$0x0], $0xffff;
	[tilespmem:s30+$0x60] =	vst v19  }
0xff: {  	[tilespmem:s26+$0x10] =	vst v59;
	v19 =	vor.u32 v27, v15;
	v30 =	vld.idx.msk [tilespmem:v11+s11+$0x0], $0xffff  }
0x100: {  	v11 =	vor.u32 v31, v9;
	v20 =	vld.idx.msk [tilespmem:v20+s11+$0x0], $0xffff;
	[tilespmem:s24+$0x10] =	vst v21  }
0x101: {  	v21 =	vor.u32 v27, v14;
	[tilespmem:s25+$0x10] =	vst v23;
	v25 =	vld.idx.msk [tilespmem:v25+s11+$0x0], $0xffff  }
0x102: {  	s29 =	simm.s32 $0x8;
	v23 =	vor.u32 v27, v16;
	v26 =	vld.idx.msk [tilespmem:v26+s11+$0x0], $0xffff;
	[tilespmem:s1+$0x60] =	vst v28  }
0x103: {  	s7 =	simm.s32 $0x2;
	s3 =	sand.u32 $0x4, s29;
	v27 =	vor.u32 v27, v17;
	[tilespmem:s28+$0x20] =	vst v13;
	v13 =	vld.idx.msk [tilespmem:v24+s11+$0x0], $0xffff  }
0x104: {  	v61 =	vor.u32 v3, v18;
	s8 =	simm.s32 $0x1;
	s15 =	sand.u32 $0x3FFFFFF8, s7;
	s5 =	sor.u32 $0x3, s3;
	v10 =	vor.u32 v12, v10;
	[tilespmem:s23+$0x50] =	vst v22;
	v19 =	vld.idx.msk [tilespmem:v19+s11+$0x0], $0xffff  }
0x105: {  	s8 =	sand.u32 $0x3, s8;
	s19 =	sor.u32 s3, s15;
	s18 =	sor.u32 s5, s15;
	v31 =	vor.u32 v12, v8;
	v22 =	vor.u32 v4, v18;
	v11 =	vld.idx.msk [tilespmem:v11+s11+$0x0], $0xffff;
	[tilespmem:s26+$0x20] =	vst v20  }
0x106: {  	s20 =	sshll.u32 s8, $0x7;
	v29 =	vmov s19;
	v24 =	vmov s18;
	v20 =	vor.u32 v22, v15;
	v21 =	vld.idx.msk [tilespmem:v21+s11+$0x0], $0xffff;
	[tilespmem:s24+$0x20] =	vst v25  }
0x107: {  	s31 =	sor.u32 $0x1, s3;
	v8 =	vmov s20;
	v24 =	vand.u32 $0x1F, v24;
	v25 =	vor.u32 v12, v9;
	[tilespmem:s25+$0x20] =	vst v26;
	v23 =	vld.idx.msk [tilespmem:v23+s11+$0x0], $0xffff  }
0x108: {  	s7 =	sor.u32 $0x2, s3;
	s19 =	sor.u32 s31, s15;
	v26 =	vor.u32 v22, v14;
	v9 =	vshll.u32 v8, $0x5;
	v8 =	vbroadcast v24, $0x0;
	v24 =	vld.idx.msk [tilespmem:v27+s11+$0x0], $0xffff;
	[tilespmem:s0+$0x60] =	vst v13  }
0x109: {  	s15 =	sor.u32 s7, s15;
	v28 =	vor.u32 v22, v16;
	v12 =	vmov s19;
	v22 =	vor.u32 v22, v17;
	[tilespmem:s28+$0x30] =	vst v19;
	v19 =	vld.idx.msk [tilespmem:v10+s11+$0x0], $0xffff  }
0x10a: {  	v27 =	vmov s15;
	v60 =	vor.u32 v0, v9;
	v10 =	vand.u32 $0x1C, v29;
	v31 =	vld.idx.msk [tilespmem:v31+s11+$0x0], $0xffff  }
0x10b: {  	v12 =	vand.u32 $0x1D, v12;
	v29 =	vor.u32 v60, v8;
	v20 =	vld.idx.msk [tilespmem:v20+s11+$0x0], $0xffff;
	[tilespmem:s23+$0x60] =	vst v11;
	v10 =	vbroadcast v10, $0x0  }
0x10c: {  	v12 =	vbroadcast v12, $0x0;
	v11 =	vand.u32 $0x1E, v27;
	[tilespmem:s26+$0x30] =	vst v21;
	v21 =	vor.u32 v61, v15;
	v13 =	vld.idx.msk [tilespmem:v25+s11+$0x0], $0xffff  }
0x10d: {  	v11 =	vbroadcast v11, $0x0;
	v25 =	vor.u32 v60, v10;
	v26 =	vld.idx.msk [tilespmem:v26+s11+$0x0], $0xffff;
	[tilespmem:s24+$0x30] =	vst v23  }
0x10e: {  	v23 =	vor.u32 v60, v12;
	[tilespmem:s25+$0x30] =	vst v24;
	v27 =	vld.idx.msk [tilespmem:v28+s11+$0x0], $0xffff  }
0x10f: {  	[tilespmem:s30+$0x70] =	vst v30;
	v28 =	vor.u32 v60, v11;
	v22 =	vld.idx.msk [tilespmem:v22+s11+$0x0], $0xffff  }
0x110: {  	s20 =	simm.s32 $0x400;
	v30 =	vor.u32 v7, v9;
	v24 =	vld.idx.msk [tilespmem:v29+s11+$0x0], $0xffff;
	v29 =	vor.u32 v61, v14;
	[tilespmem:s28+$0x40] =	vst v20  }
0x111: {  	s8 =	sshll.u32 s8, $0xA;
	s15 =	sand.u32 $0x3FFFF000, s20;
	[tilespmem:s1+$0x70] =	vst v19;
	v19 =	vor.u32 v30, v8;
	v20 =	vld.idx.msk [tilespmem:v21+s11+$0x0], $0xffff  }
0x112: {  	s1 =	sor.u32 s15, s8;
	[tilespmem:s0+$0x70] =	vst v31;
	v31 =	vor.u32 v2, v18;
	v21 =	vor.u32 v61, v16;
	v25 =	vld.idx.msk [tilespmem:v25+s11+$0x0], $0xffff  }
0x113: {  	s18 =	sshll.u32 s5, $0x7;
	s1 =	sadd.s32 $0xF400, s1;
	v23 =	vld.idx.msk [tilespmem:v23+s11+$0x0], $0xffff;
	[tilespmem:s26+$0x40] =	vst v26;
	v26 =	vor.u32 v31, v15  }
0x114: {  	v62 =	vor.u32 v30, v10;
	s0 =	sor.u32 s18, s1;
	v28 =	vld.idx.msk [tilespmem:v28+s11+$0x0], $0xffff;
	[tilespmem:s24+$0x40] =	vst v27  }
0x115: {  	v27 =	vor.u32 v30, v12;
	[tilespmem:s0+$0x0] =	vst v24;
	v24 =	vld.idx.msk [tilespmem:v29+s11+$0x0], $0xffff  }
0x116: {  	s3 =	sshll.u32 s3, $0x7;
	[tilespmem:s25+$0x40] =	vst v22;
	v22 =	vor.u32 v61, v17;
	v19 =	vld.idx.msk [tilespmem:v19+s11+$0x0], $0xffff  }
0x117: {  	s19 =	sshll.u32 s31, $0x7;
	s31 =	sor.u32 s3, s1;
	v29 =	vor.u32 v30, v11;
	v30 =	vor.u32 v6, v9;
	v21 =	vld.idx.msk [tilespmem:v21+s11+$0x0], $0xffff;
	[tilespmem:s28+$0x50] =	vst v20  }
0x118: {  	s20 =	sshll.u32 s7, $0x7;
	s30 =	sor.u32 s19, s1;
	v20 =	vor.u32 v30, v8;
	[tilespmem:s31+$0x0] =	vst v25;
	v25 =	vld.idx.msk [tilespmem:v26+s11+$0x0], $0xffff  }
0x119: {  	v63 =	vor.u32 v31, v14;
	s1 =	sor.u32 s20, s1;
	[tilespmem:s30+$0x0] =	vst v23;
	v23 =	vor.u32 v1, v18;
	v32 =	vld.idx.msk [tilespmem:v62+s11+$0x0], $0xffff  }
0x11a: {  	v34 =	vld.idx.msk [tilespmem:v27+s11+$0x0], $0xffff;
	[tilespmem:s1+$0x0] =	vst v28;
	v27 =	vor.u32 v23, v15  }
0x11b: {  	v28 =	vor.u32 v30, v10;
	v35 =	vld.idx.msk [tilespmem:v22+s11+$0x0], $0xffff;
	[tilespmem:s26+$0x50] =	vst v24  }
0x11c: {  	v18 =	vor.u32 v23, v14;
	v15 =	vor.u32 v23, v16;
	v29 =	vld.idx.msk [tilespmem:v29+s11+$0x0], $0xffff;
	[tilespmem:s0+$0x10] =	vst v19  }
0x11d: {  	v14 =	vor.u32 v23, v17;
	v24 =	vor.u32 v30, v12;
	v26 =	vld.idx.msk [tilespmem:v20+s11+$0x0], $0xffff;
	[tilespmem:s24+$0x50] =	vst v21  }
0x11e: {  	v30 =	vor.u32 v30, v11;
	v19 =	vor.u32 v31, v17;
	v21 =	vld.idx.msk [tilespmem:v63+s11+$0x0], $0xffff;
	[tilespmem:s28+$0x60] =	vst v25  }
0x11f: {  	v17 =	vor.u32 v5, v9;
	v20 =	vor.u32 v31, v16;
	[tilespmem:s31+$0x10] =	vst v32;
	v16 =	vld.idx.msk [tilespmem:v27+s11+$0x0], $0xffff  }
0x120: {  	v27 =	vld.idx.msk [tilespmem:v28+s11+$0x0], $0xffff;
	v28 =	vor.u32 v17, v8  }
0x121: {  	[tilespmem:s30+$0x10] =	vst v34  }
0x122: {  	v23 =	vor.u32 v17, v10;
	v25 =	vld.idx.msk [tilespmem:v24+s11+$0x0], $0xffff;
	[tilespmem:s1+$0x10] =	vst v29  }
0x123: {  	s22 =	sor.u32 $0x1, s22;
	v22 =	vor.u32 v17, v12;
	[tilespmem:s25+$0x50] =	vst v35;
	v17 =	vor.u32 v17, v11;
	v24 =	vld.idx.msk [tilespmem:v30+s11+$0x0], $0xffff  }
.LBB2_5:
0x124: {  	s29 =	sadd.s32 $0x4, s29;
	[tilespmem:s0+$0x20] =	vst v26;
	v20 =	vld.idx.msk [tilespmem:v20+s11+$0x0], $0xffff  }
0x125: {  	s7 =	sand.u32 $0x4, s29;
	s3 =	sshrl.u32 s29, $0x2;
	p0 =	slt.u32 s29, $0x7C;
	v26 =	vld.idx.msk [tilespmem:v28+s11+$0x0], $0xffff;
	[tilespmem:s26+$0x60] =	vst v21  }
0x126: {  	s5 =	sshrl.u32 s29, $0x3;
	v21 =	vor.u32 v4, v9;
	s15 =	sand.u32 $0x3FFFFFF8, s3;
	s3 =	sor.u32 $0x3, s7;
	v19 =	vld.idx.msk [tilespmem:v19+s11+$0x0], $0xffff;
	[tilespmem:s28+$0x70] =	vst v16  }
0x127: {  	s8 =	sand.u32 $0x3, s5;
	s5 =	sor.u32 $0x1, s7;
	v16 =	vor.u32 v21, v10;
	v28 =	vor.u32 v21, v8;
	s18 =	sor.u32 s3, s15;
	[tilespmem:s31+$0x20] =	vst v27;
	v27 =	vor.u32 v21, v12  }
0x128: {  	s28 =	sor.u32 $0x2, s7;
	s19 =	sor.u32 s7, s15;
	s20 =	sshll.u32 s8, $0x7;
	v21 =	vor.u32 v21, v11;
	v29 =	vmov s18;
	v23 =	vld.idx.msk [tilespmem:v23+s11+$0x0], $0xffff;
	[tilespmem:s30+$0x20] =	vst v25  }
0x129: {  	v25 =	vmov s19;
	v30 =	vmov s20;
	s19 =	sor.u32 s5, s15;
	s5 =	sshll.u32 s5, $0x7;
	s15 =	sor.u32 s28, s15;
	v29 =	vand.u32 $0x1F, v29;
	v22 =	vld.idx.msk [tilespmem:v22+s11+$0x0], $0xffff;
	[tilespmem:s1+$0x20] =	vst v24  }
0x12a: {  	s18 =	sshll.u32 s7, $0x7;
	s7 =	sshll.u32 s28, $0x7;
	s28 =	smov.u32 s0;
	v24 =	vshll.u32 v30, $0x5;
	v30 =	vmov s19;
	v29 =	vbroadcast v29, $0x0;
	v17 =	vld.idx.msk [tilespmem:v17+s11+$0x0], $0xffff;
	[tilespmem:s24+$0x60] =	vst v20  }
0x12b: {  	v25 =	vand.u32 $0x1C, v25;
	v31 =	vmov s15;
	v20 =	vor.u32 v0, v24;
	[tilespmem:s28+$0x30] =	vst v26;
	v18 =	vld.idx.msk [tilespmem:v18+s11+$0x0], $0xffff  }
0x12c: {  	v26 =	vand.u32 $0x1D, v30;
	v30 =	vand.u32 $0x1E, v31;
	v31 =	vor.u32 v20, v29;
	v28 =	vld.idx.msk [tilespmem:v28+s11+$0x0], $0xffff;
	[tilespmem:s25+$0x60] =	vst v19  }
0x12d: {  	v25 =	vbroadcast v25, $0x0;
	v26 =	vbroadcast v26, $0x0;
	v19 =	vor.u32 v3, v9;
	v15 =	vld.idx.msk [tilespmem:v15+s11+$0x0], $0xffff;
	[tilespmem:s23+$0x70] =	vst v13;
	s23 =	smov.u32 s25;
	s25 =	smov.u32 s1  }
0x12e: {  	v30 =	vbroadcast v30, $0x0;
	v32 =	vor.u32 v19, v8;
	[tilespmem:s31+$0x30] =	vst v23;
	v23 =	vor.u32 v19, v10;
	v13 =	vld.idx.msk [tilespmem:v14+s11+$0x0], $0xffff  }
0x12f: {  	v14 =	vor.u32 v20, v25;
	v33 =	vor.u32 v20, v26;
	v16 =	vld.idx.msk [tilespmem:v16+s11+$0x0], $0xffff;
	[tilespmem:s30+$0x30] =	vst v22  }
0x130: {  	v20 =	vor.u32 v20, v30;
	v22 =	vld.idx.msk [tilespmem:v27+s11+$0x0], $0xffff;
	v27 =	vor.u32 v19, v12;
	[tilespmem:s25+$0x30] =	vst v17  }
0x131: {  	v17 =	vld.idx.msk [tilespmem:v31+s11+$0x0], $0xffff;
	v31 =	vor.u32 v19, v11;
	[tilespmem:s26+$0x70] =	vst v18;
	s26 =	smov.u32 s31  }
0x132: {  	s0 =	sshll.u32 s29, $0x7;
	v18 =	vor.u32 v7, v24;
	v21 =	vld.idx.msk [tilespmem:v21+s11+$0x0], $0xffff;
	[tilespmem:s28+$0x40] =	vst v28  }
0x133: {  	s0 =	sand.u32 $0x3FFFF000, s0;
	s1 =	sshll.u32 s8, $0xA;
	v28 =	vor.u32 v18, v25;
	v34 =	vor.u32 v18, v26;
	v35 =	vor.u32 v18, v29;
	v32 =	vld.idx.msk [tilespmem:v32+s11+$0x0], $0xffff  }
0x134: {  	s0 =	sor.u32 s0, s1;
	v19 =	vor.u32 v2, v9;
	v18 =	vor.u32 v18, v30;
	v14 =	vld.idx.msk [tilespmem:v14+s11+$0x0], $0xffff;
	[tilespmem:s24+$0x70] =	vst v15;
	s24 =	smov.u32 s30  }
0x135: {  	s1 =	sadd.s32 $0xF400, s0;
	s0 =	sshll.u32 s3, $0x7;
	v15 =	vld.idx.msk [tilespmem:v33+s11+$0x0], $0xffff;
	[tilespmem:s26+$0x40] =	vst v16;
	v16 =	vor.u32 v19, v10;
	v33 =	vor.u32 v19, v8  }
0x136: {  	s0 =	sor.u32 s0, s1;
	s31 =	sor.u32 s18, s1;
	s30 =	sor.u32 s5, s1;
	v36 =	vld.idx.msk [tilespmem:v20+s11+$0x0], $0xffff;
	[tilespmem:s24+$0x40] =	vst v22;
	v20 =	vor.u32 v19, v12;
	v19 =	vor.u32 v19, v11  }
0x137: {  	s1 =	sor.u32 s7, s1;
	[tilespmem:s0+$0x0] =	vst v17;
	v17 =	vld.idx.msk [tilespmem:v23+s11+$0x0], $0xffff  }
0x138: {  	v22 =	vld.idx.msk [tilespmem:v35+s11+$0x0], $0xffff;
	[tilespmem:s25+$0x40] =	vst v21  }
0x139: {  	v21 =	vor.u32 v6, v24;
	v23 =	vld.idx.msk [tilespmem:v27+s11+$0x0], $0xffff;
	[tilespmem:s28+$0x50] =	vst v32  }
0x13a: {  	v27 =	vor.u32 v21, v25;
	v32 =	vor.u32 v21, v29;
	[tilespmem:s31+$0x0] =	vst v14;
	v33 =	vld.idx.msk [tilespmem:v33+s11+$0x0], $0xffff  }
0x13b: {  	v35 =	vor.u32 v21, v26;
	v14 =	vor.u32 v1, v9;
	v9 =	vmov v24;
	v28 =	vld.idx.msk [tilespmem:v28+s11+$0x0], $0xffff;
	[tilespmem:s30+$0x0] =	vst v15  }
0x13c: {  	v24 =	vld.idx.msk [tilespmem:v34+s11+$0x0], $0xffff;
	[tilespmem:s1+$0x0] =	vst v36;
	v34 =	vor.u32 v21, v30;
	v36 =	vor.u32 v14, v8;
	v8 =	vmov v29  }
0x13d: {  	v15 =	vor.u32 v14, v12;
	v29 =	vld.idx.msk [tilespmem:v18+s11+$0x0], $0xffff;
	[tilespmem:s26+$0x50] =	vst v17;
	v18 =	vor.u32 v14, v10;
	v10 =	vmov v25  }
0x13e: {  	v12 =	vmov v26;
	v14 =	vor.u32 v14, v11;
	v11 =	vmov v30;
	[tilespmem:s0+$0x10] =	vst v22;
	v31 =	vld.idx.msk [tilespmem:v31+s11+$0x0], $0xffff  }
0x13f: {  	v26 =	vld.idx.msk [tilespmem:v32+s11+$0x0], $0xffff;
	[tilespmem:s24+$0x50] =	vst v23  }
.Ltmp3:
0x140: {  	v17 =	vor.u32 v5, v9;
	v21 =	vld.idx.msk [tilespmem:v16+s11+$0x0], $0xffff;
	[tilespmem:s28+$0x60] =	vst v33;
	(pc) =	sbr.rel @p0 .LBB2_5-.Ltmp3, $4  }
0x141: {  	v23 =	vor.u32 v17, v10;
	[tilespmem:s31+$0x10] =	vst v28;
	v28 =	vor.u32 v17, v8;
	v16 =	vld.idx.msk [tilespmem:v36+s11+$0x0], $0xffff  }
0x142: {  	v22 =	vor.u32 v17, v12;
	v17 =	vor.u32 v17, v11;
	v27 =	vld.idx.msk [tilespmem:v27+s11+$0x0], $0xffff;
	[tilespmem:s30+$0x10] =	vst v24  }
0x143: {  	v25 =	vld.idx.msk [tilespmem:v35+s11+$0x0], $0xffff;
	[tilespmem:s1+$0x10] =	vst v29  }
0x144: {  	v24 =	vld.idx.msk [tilespmem:v34+s11+$0x0], $0xffff;
	[tilespmem:s25+$0x50] =	vst v31  }
0x145: {  	_ =	sdelay $0x2  }
0x146: {  	[tilespmem:s0+$0x20] =	vst v26  }
0x147: {  	v43 =	vor.u32 v4, v9;
	v26 =	vld.idx.msk [tilespmem:v28+s11+$0x0], $0xffff;
	[tilespmem:s31+$0x20] =	vst v27  }
0x148: {  	v44 =	vor.u32 v43, v8;
	v23 =	vld.idx.msk [tilespmem:v23+s11+$0x0], $0xffff;
	[tilespmem:s30+$0x20] =	vst v25  }
0x149: {  	v45 =	vor.u32 v43, v10;
	v22 =	vld.idx.msk [tilespmem:v22+s11+$0x0], $0xffff;
	[tilespmem:s1+$0x20] =	vst v24  }
0x14a: {  	v46 =	vor.u32 v43, v12;
	v17 =	vld.idx.msk [tilespmem:v17+s11+$0x0], $0xffff  }
0x14b: {  	v28 =	vor.u32 v43, v11  }
0x14c: {  	[tilespmem:s0+$0x30] =	vst v26  }
0x14d: {  	v47 =	vor.u32 v3, v9;
	v26 =	vld.idx.msk [tilespmem:v44+s11+$0x0], $0xffff;
	[tilespmem:s31+$0x30] =	vst v23  }
0x14e: {  	v48 =	vor.u32 v47, v8;
	v25 =	vld.idx.msk [tilespmem:v45+s11+$0x0], $0xffff;
	[tilespmem:s30+$0x30] =	vst v22  }
0x14f: {  	v49 =	vor.u32 v47, v10;
	v24 =	vld.idx.msk [tilespmem:v46+s11+$0x0], $0xffff;
	[tilespmem:s1+$0x30] =	vst v17  }
0x150: {  	[tilespmem:s26+$0x60] =	vst v21;
	v50 =	vor.u32 v47, v12;
	v51 =	vld.idx.msk [tilespmem:v28+s11+$0x0], $0xffff  }
0x151: {  	[tilespmem:s23+$0x70] =	vst v13;
	v27 =	vor.u32 v47, v11  }
0x152: {  	v20 =	vld.idx.msk [tilespmem:v20+s11+$0x0], $0xffff;
	[tilespmem:s0+$0x40] =	vst v26  }
0x153: {  	v53 =	vor.u32 v2, v9;
	v52 =	vld.idx.msk [tilespmem:v48+s11+$0x0], $0xffff;
	[tilespmem:s31+$0x40] =	vst v25  }
0x154: {  	v54 =	vor.u32 v53, v8;
	[tilespmem:s30+$0x40] =	vst v24;
	v22 =	vld.idx.msk [tilespmem:v49+s11+$0x0], $0xffff  }
0x155: {  	v55 =	vor.u32 v53, v10;
	[tilespmem:s1+$0x40] =	vst v51;
	v17 =	vld.idx.msk [tilespmem:v50+s11+$0x0], $0xffff  }
0x156: {  	[tilespmem:s28+$0x70] =	vst v16;
	v56 =	vor.u32 v53, v12;
	v21 =	vld.idx.msk [tilespmem:v27+s11+$0x0], $0xffff  }
0x157: {  	v19 =	vld.idx.msk [tilespmem:v19+s11+$0x0], $0xffff;
	[tilespmem:s24+$0x60] =	vst v20;
	v23 =	vor.u32 v53, v11  }
0x158: {  	v18 =	vld.idx.msk [tilespmem:v18+s11+$0x0], $0xffff;
	[tilespmem:s0+$0x50] =	vst v52  }
0x159: {  	v57 =	vor.u32 v1, v9;
	v16 =	vld.idx.msk [tilespmem:v54+s11+$0x0], $0xffff;
	[tilespmem:s31+$0x50] =	vst v22  }
0x15a: {  	v8 =	vor.u32 v57, v8;
	[tilespmem:s30+$0x50] =	vst v17;
	v58 =	vld.idx.msk [tilespmem:v55+s11+$0x0], $0xffff  }
0x15b: {  	v59 =	vor.u32 v57, v10;
	[tilespmem:s1+$0x50] =	vst v21;
	v60 =	vld.idx.msk [tilespmem:v56+s11+$0x0], $0xffff  }
0x15c: {  	v61 =	vor.u32 v57, v12;
	[tilespmem:s25+$0x60] =	vst v19;
	v62 =	vld.idx.msk [tilespmem:v23+s11+$0x0], $0xffff  }
0x15d: {  	v9 =	vor.u32 v57, v11;
	v15 =	vld.idx.msk [tilespmem:v15+s11+$0x0], $0xffff;
	[tilespmem:s26+$0x70] =	vst v18  }
0x15e: {  	v63 =	vld.idx.msk [tilespmem:v14+s11+$0x0], $0xffff;
	[tilespmem:s0+$0x60] =	vst v16  }
0x15f: {  	v8 =	vld.idx.msk [tilespmem:v8+s11+$0x0], $0xffff;
	[tilespmem:s31+$0x60] =	vst v58  }
0x160: {  	[tilespmem:s30+$0x60] =	vst v60;
	v10 =	vld.idx.msk [tilespmem:v59+s11+$0x0], $0xffff  }
0x161: {  	[tilespmem:s1+$0x60] =	vst v62;
	v12 =	vld.idx.msk [tilespmem:v61+s11+$0x0], $0xffff  }
0x162: {  	[tilespmem:s24+$0x70] =	vst v15;
	v9 =	vld.idx.msk [tilespmem:v9+s11+$0x0], $0xffff  }
0x163: {  	s29 =	sadd.s32 s6, s22;
	[tilespmem:s25+$0x70] =	vst v63  }
.Ltmp4:
0x164: {  	s3 =	sshll.u32 s29, $0x9;
	[tilespmem:s0+$0x70] =	vst v8;
	(pc) =	sbr.rel @p1 .LBB2_8-.Ltmp4, $4  }
0x165: {  	s3 =	sand.u32 $0x3E00, s3;
	s0 =	sshll.u32 s29, $0xB;
	[tilespmem:s31+$0x70] =	vst v10  }
0x166: {  	s3 =	sadd.s32 s2, s3;
	s0 =	sand.u32 $0xFFF0000, s0;
	[tilespmem:s30+$0x70] =	vst v12  }
0x167: {  	s0 =	sadd.s32 s0, s3;
	[tilespmem:s1+$0x70] =	vst v9  }
0x168: {  	[hbm4b:s0+s13] =	stream.strided.scatter [tilespmem:s17], [sflag:$0x4], $0x4000, s14, s13, $0x38;
	[tilespmem:$0x13400] =	vst v63  }
.Ltmp5:
0x169: {  	(pc) =	sbr.rel .LBB2_2-.Ltmp5, $4  }
0x16a: {  	s0 =	sshll.u32 s21, $0xA  }
0x16b: {  	s0 =	sand.u32 $0x3FFFFC00, s0  }
0x16c: {  	s21 =	sadd.s32 $0x1, s21;
	s0 =	sadd.s32 $0x600, s0  }
0x16d: {  	[tilespmem:s11], [sflag:$0x2] =	stream.indirect.gather [hbm4b:s4+s9], $0x20, s0, s9, $0xb8;
	[tilespmem:$0x13400] =	vst v63  }
.LBB2_9:
0x16e: {  	_ =	sfence.sel $0x180000  }
0x16f: {  	[bflag:$0x0] =	sbarrier.arrive $0xFFFF  }
0x170: {  	_ =	strace $0x9000004A  }
0x171: {  	s0 =	stileid.u32;
	[bflag:$0x2] =	sbarrier.arrive $0xFFFF  }
0x172: {  	p0 =	sne.s32 s0, $0x0;
	s0 =	rddreg [dreg:$0x2]  }
0x173: {  	s0 =	sadd.s32 @!p0 $0x100000, s0  }
0x174: {  	[sflag:s0] =	ssyncadd.tile.s32 @!p0 $0x1;
	_ =	shalt  }
.Lfunc_end2:
_tile_overlayer_lowered:
.L_overlay_start_2:
0x175: {  	(tag) =	ssettag $0x2  }
0x176: {  	s0 =	rddreg [dreg:$0x0];
	s2 =	stileid.u32  }
0x177: {  	s1 =	rddreg [dreg:$0x1];
	p0 =	sne.s32 s2, $0x0  }
0x178: {  	s3 =	rddreg [dreg:$0x2];
	[bflag:$0x3] =	sbarrier.arrive $0xFFFF;
	s2 =	simm.s32 @!p0 $0x1C05  }
0x179: {  	[timem:s3], [sflag:s2] =	dma.local @!p0 [hbm:s0], s1  }
0x17a: {  	s0 =	simm.s32 @!p0 $0x5  }
0x17b: {  	_ =	swait.ge @!p0 [sflag:s0], s1  }
0x17c: {  	s1 =	ssub.s32 @!p0 $0x0, s1;
	[sflag:s0] =	ssyncset.done @!p0 $0x0  }
0x17d: {  	[sflag:s0] =	ssyncadd.s32 @!p0 s1  }
0x17e: {  	[bflag:$0x3] =	sbarrier.arrive $0xFFFF  }
0x17f: {  	_ =	shalt  }

</sc_bundles>
